<compile_context>
chip_gen: v7x
topology: tpu7x:2x2x1
jax: 0.10.2.dev20260603
libtpu: 0.0.44.dev20260713+nightly
codegen_flags: <defaults>
</compile_context>

<pallas_src>
import functools

import jax
import jax.numpy as jnp
from jax import lax
from jax.experimental import pallas as pl
from jax.experimental.pallas import tpu as pltpu
import jax.experimental.pallas.tpu_sc as plsc

B, P, E = 16, 4096, 128
NUM_SEGMENTS = 100
CP = 128
NC, NS, L = 2, 16, 16
NW = NC * NS
HALF = P // 2
CHUNK = 128
NCHUNK = HALF // CHUNK

_mesh = plsc.VectorSubcoreMesh(core_axis_name="c", subcore_axis_name="s")


def _worker(cid, sid):
    wid = sid * NC + cid
    bat = wid // 2
    half = wid % 2
    return wid, bat, bat * P + half * HALF


@functools.partial(
    pl.kernel,
    out_type=jax.ShapeDtypeStruct((NW, CP, E), jnp.float32),
    mesh=_mesh,
    scratch_types=[
        pltpu.VMEM((NCHUNK, CHUNK), jnp.int32),
        pltpu.VMEM((CHUNK, E), jnp.float32),
        pltpu.VMEM((CP, E), jnp.float32),
        pltpu.VMEM_SHARED((NS * CP, E), jnp.float32),
    ],
)
def _seg_sum(nodes_hbm, ids_hbm, out_hbm, ids_v, buf, zbuf, acc_sh):
    cid, sid = lax.axis_index("c"), lax.axis_index("s")
    wid, _, base_row = _worker(cid, sid)
    pltpu.sync_copy(ids_hbm.at[wid], ids_v)
    zero16 = jnp.zeros((L,), jnp.float32)

    def _zrow(r, carry):
        for j in range(E // L):
            zbuf[r, pl.ds(j * L, L)] = zero16
        return carry

    lax.fori_loop(0, CP, _zrow, 0)
    row_off = (sid * CP).astype(jnp.int32)
    pltpu.sync_copy(zbuf, acc_sh.at[pl.ds(row_off, CP)])
    for g in range(NCHUNK):
        pltpu.sync_copy(
            nodes_hbm.at[pl.ds(base_row + g * CHUNK, CHUNK)], buf)
        pltpu.sync_copy(buf, acc_sh.at[ids_v.at[g]], add=True)
    pltpu.sync_copy(acc_sh.at[pl.ds(row_off, CP)], out_hbm.at[wid])


def _tc_body(part_ref, ids_ref, wt_ref, b_ref, out_ref):
    sums = part_ref[0, 0] + part_ref[0, 1]
    ciota = lax.broadcasted_iota(jnp.int32, (CP, 128), 0)
    cnt = jnp.zeros((CP, 128), jnp.float32)
    for k in range(P // 128):
        row = ids_ref[0, k, :]
        cnt = cnt + (row[None, :] == ciota).astype(jnp.float32)
    counts = jnp.sum(cnt, axis=1, keepdims=True)
    means = sums / jnp.maximum(counts, 1.0)
    out_ref[0] = (
        jnp.dot(means, wt_ref[...], preferred_element_type=jnp.float32)
        + b_ref[0][None, :])


def _tc_linear(partials, ids_b, w_t, b_row):
    return pl.pallas_call(
        _tc_body,
        grid=(B,),
        in_specs=[
            pl.BlockSpec((1, 2, CP, E), lambda i: (i, 0, 0, 0)),
            pl.BlockSpec((1, P // 128, 128), lambda i: (i, 0, 0)),
            pl.BlockSpec((E, E), lambda i: (0, 0)),
            pl.BlockSpec((1, E), lambda i: (0, 0)),
        ],
        out_specs=pl.BlockSpec((1, CP, E), lambda i: (i, 0, 0)),
        out_shape=jax.ShapeDtypeStruct((B, CP, E), jnp.float32),
    )(partials, ids_b, w_t, b_row)


@functools.partial(
    pl.kernel,
    out_type=jax.ShapeDtypeStruct((B * P, E), jnp.float32),
    mesh=_mesh,
    scratch_types=[
        pltpu.VMEM((NCHUNK, CHUNK), jnp.int32),
        pltpu.VMEM((4, CHUNK, E), jnp.float32),
        pltpu.VMEM_SHARED((B * CP, E), jnp.float32),
        pltpu.SemaphoreType.DMA((4,)),
        pltpu.SemaphoreType.DMA((4,)),
    ],
)
def _gather_back(embs_hbm, ids_hbm, out_hbm, ids_v, buf, table_sh, gsem, wsem):
    cid, sid = lax.axis_index("c"), lax.axis_index("s")
    wid, bat, base_row = _worker(cid, sid)
    trows = B * CP // NS
    toff = sid * trows
    pltpu.sync_copy(embs_hbm.at[pl.ds(toff, trows)], table_sh.at[pl.ds(toff, trows)])
    pltpu.sync_copy(ids_hbm.at[wid], ids_v)
    plsc.subcore_barrier()

    def _gather(g):
        return pltpu.async_copy(
            table_sh.at[ids_v.at[g]], buf.at[g % 4], gsem.at[g % 4])

    fetches = [_gather(g) for g in range(3)]
    writes = []
    for g in range(NCHUNK):
        fetches[g].wait()
        writes.append(pltpu.async_copy(
            buf.at[g % 4], out_hbm.at[pl.ds(base_row + g * CHUNK, CHUNK)],
            wsem.at[g % 4]))
        if g >= 1:
            writes[g - 1].wait()
        if g + 3 < NCHUNK:
            fetches.append(_gather(g + 3))
    writes[NCHUNK - 1].wait()


def kernel(encoded_nodes, cluster_ids, num_clusters, W, b):
    ids = jnp.clip(cluster_ids.astype(jnp.int32), 0, num_clusters - 1)
    off = (jnp.arange(NW, dtype=jnp.int32) // 2 * CP)[:, None]
    ids_off3 = (ids.reshape(NW, HALF) + off).reshape(NW, NCHUNK, CHUNK)
    nodes_flat = encoded_nodes.reshape(B * P, E)
    partials = _seg_sum(nodes_flat, ids_off3)
    embs_pad = _tc_linear(
        partials.reshape(B, 2, CP, E),
        ids.reshape(B, P // 128, 128),
        W.T,
        b.reshape(1, E),
    )
    g_flat = _gather_back(embs_pad.reshape(B * CP, E), ids_off3)
    return embs_pad[:, :NUM_SEGMENTS, :], g_flat.reshape(B, P, E)

# --- scband reference (transcript-rebuilt; emitter-appended) ---
"""Pipeline reference for scband-cluster-encoder-54511724921261 (READ-ONLY COPY).

The authoritative reference and input builder live on the scoring server;
editing this copy changes nothing except your own understanding.
"""

import jax, jax.numpy as jnp
import numpy as np


def setup_inputs(seed: int = 0) -> dict:
    key = jax.random.key(seed)
    k1, k2, k3, k4 = jax.random.split(key, 4)
    B, P, E, C = 16, 4096, 128, 100
    encoded_nodes = jax.random.normal(k1, (B, P, E), dtype=jnp.float32)
    cluster_ids = jax.random.randint(k2, (B, P), 0, C, dtype=jnp.int64 if jax.config.jax_enable_x64 else jnp.int32)
    # nn.Linear(E, E) parameters
    bound = 1.0 / np.sqrt(E)
    W = jax.random.uniform(k3, (E, E), minval=-bound, maxval=bound, dtype=jnp.float32)
    b = jax.random.uniform(k4, (E,), minval=-bound, maxval=bound, dtype=jnp.float32)
    return {"encoded_nodes": encoded_nodes, "cluster_ids": cluster_ids, "num_clusters": C, "W": W, "b": b}


def reference(encoded_nodes, cluster_ids, num_clusters, W, b):
    B, P, E = encoded_nodes.shape
    NUM_SEGMENTS = 100
    cluster_ids = jnp.clip(cluster_ids, 0, num_clusters - 1)
    # batched scatter-add over cluster dimension == per-batch segment_sum
    cluster_sums = jax.vmap(
        lambda x, ids: jax.ops.segment_sum(x, ids, num_segments=NUM_SEGMENTS)
    )(encoded_nodes, cluster_ids)
    counts = jax.vmap(
        lambda ids: jax.ops.segment_sum(jnp.ones((P,), jnp.float32), ids, num_segments=NUM_SEGMENTS)
    )(cluster_ids)
    cluster_embs = cluster_sums / jnp.clip(counts, 1.0, None)[..., None]
    # Linear projection (x @ W.T + b), matching nn.Linear
    cluster_embs = cluster_embs @ W.T + b
    # gather back per-node cluster embedding
    g_node = jnp.take_along_axis(cluster_embs, cluster_ids[..., None], axis=1)
    return (cluster_embs, g_node)

if __name__ == "__main__":
    import jax
    _d = setup_inputs()
    print(jax.jit(kernel)(*tuple(_d.values())))

</pallas_src>

<mosaic_0001>
#map = affine_map<(d0, d1) -> (0, 0)>
#map1 = affine_map<(d0, d1) -> (0, 0, 0)>
module attributes {stable_mosaic.version = 14 : i64} {
  func.func @_gather_back(%arg0: i32, %arg1: i32, %arg2: memref<2048x128xf32, #tpu.memory_space<hbm>>, %arg3: memref<32x16x128xi32, #tpu.memory_space<hbm>>, %arg4: memref<65536x128xf32, #tpu.memory_space<hbm>>, %arg5: memref<16x128xi32, #tpu.memory_space<vmem>>, %arg6: memref<4x128x128xf32, #tpu.memory_space<vmem>>, %arg7: memref<2048x128xf32, #tpu.memory_space<vmem_shared>>, %arg8: memref<4x!tpu.dma_semaphore, #tpu.memory_space<semaphore_mem>>, %arg9: memref<4x!tpu.dma_semaphore, #tpu.memory_space<semaphore_mem>>) attributes {dimension_semantics = [#tpu.dimension_semantics<core_parallel>, #tpu.dimension_semantics<subcore_parallel>], iteration_bounds = array<i64: 2, 16>, scalar_prefetch = 0 : i64, scratch_operands = 5 : i64, tpu.core_type = #tpu.core_type<sc_vector_subcore>, window_params = [{transform_indices = #map}, {transform_indices = #map1}, {transform_indices = #map}]} {
    %mul3A = arith.constant 2 : i32
    %mul3A_0 = arith.muli %arg1, %mul3A : i32
    %add3A = arith.addi %mul3A_0, %arg0 : i32
    %jit3A = arith.constant 2 : i32
    %div3A = arith.divsi %add3A, %jit3A : i32
    %sign3A = arith.constant 0 : i32
    %sign3A_1 = arith.cmpi sgt, %add3A, %sign3A : i32
    %sign3A_2 = arith.extui %sign3A_1 : i1 to i32
    %sign3A_3 = arith.constant 0 : i32
    %sign3A_4 = arith.cmpi slt, %add3A, %sign3A_3 : i32
    %sign3A_5 = arith.extui %sign3A_4 : i1 to i32
    %sign3A_6 = arith.subi %sign3A_2, %sign3A_5 : i32
    %sign3A_7 = arith.constant 0 : i32
    %sign3A_8 = arith.cmpi sgt, %jit3A, %sign3A_7 : i32
    %sign3A_9 = arith.extui %sign3A_8 : i1 to i32
    %sign3A_10 = arith.constant 0 : i32
    %sign3A_11 = arith.cmpi slt, %jit3A, %sign3A_10 : i32
    %sign3A_12 = arith.extui %sign3A_11 : i1 to i32
    %sign3A_13 = arith.subi %sign3A_9, %sign3A_12 : i32
    %ne3A = arith.cmpi ne, %sign3A_6, %sign3A_13 : i32
    %rem3A = arith.remsi %add3A, %jit3A : i32
    %ne3A_14 = arith.constant 0 : i32
    %ne3A_15 = arith.cmpi ne, %rem3A, %ne3A_14 : i32
    %and3A = arith.andi %ne3A, %ne3A_15 : i1
    %sub3A = arith.constant 1 : i32
    %sub3A_16 = arith.subi %div3A, %sub3A : i32
    %select_n3A = arith.select %and3A, %sub3A_16, %div3A : i32
    %jit3A_17 = arith.constant 2 : i32
    %eq3A = arith.constant 0 : i32
    %eq3A_18 = arith.cmpi eq, %jit3A_17, %eq3A : i32
    %jit3A_19 = arith.constant 1 : i32
    %select_n3A_20 = arith.select %eq3A_18, %jit3A_19, %jit3A_17 : i32
    %rem3A_21 = arith.remsi %add3A, %select_n3A_20 : i32
    %ne3A_22 = arith.constant 0 : i32
    %ne3A_23 = arith.cmpi ne, %rem3A_21, %ne3A_22 : i32
    %lt3A = arith.constant 0 : i32
    %lt3A_24 = arith.cmpi slt, %rem3A_21, %lt3A : i32
    %lt3A_25 = arith.constant 0 : i32
    %lt3A_26 = arith.cmpi slt, %select_n3A_20, %lt3A_25 : i32
    %ne3A_27 = arith.xori %lt3A_24, %lt3A_26 : i1
    %and3A_28 = arith.andi %ne3A_27, %ne3A_23 : i1
    %add3A_29 = arith.addi %rem3A_21, %select_n3A_20 : i32
    %select_n3A_30 = arith.select %and3A_28, %add3A_29, %rem3A_21 : i32
    %mul3A_31 = arith.constant 4096 : i32
    %mul3A_32 = arith.muli %select_n3A, %mul3A_31 : i32
    %mul3A_33 = arith.constant 2048 : i32
    %mul3A_34 = arith.muli %select_n3A_30, %mul3A_33 : i32
    %add3A_35 = arith.addi %mul3A_32, %mul3A_34 : i32
    %mul3A_36 = arith.constant 128 : i32
    %mul3A_37 = arith.muli %arg1, %mul3A_36 : i32
    "tpu.region"() ({
      %run_scoped3A = tpu.sem_alloc : memref<!tpu.dma_semaphore, #tpu.memory_space<semaphore_mem>>
      %dma_start3A_1060 = arith.constant 0 : i32
      %dma_start3A_1061 = tpu.memref_slice %arg7[%mul3A_37, %dma_start3A_1060] : memref<2048x128xf32, #tpu.memory_space<vmem_shared>> -> memref<128x128xf32, #tpu.memory_space<vmem_shared>>
      %dma_start3A_1062 = arith.constant 0 : i32
      %dma_start3A_1063 = tpu.memref_slice %arg2[%mul3A_37, %dma_start3A_1062] : memref<2048x128xf32, #tpu.memory_space<hbm>> -> memref<128x128xf32, #tpu.memory_space<hbm>>
      tpu.enqueue_dma source(%dma_start3A_1063 : memref<128x128xf32, #tpu.memory_space<hbm>>) target(%dma_start3A_1061 : memref<128x128xf32, #tpu.memory_space<vmem_shared>>) target_semaphore(%run_scoped3A : memref<!tpu.dma_semaphore, #tpu.memory_space<semaphore_mem>>)
      %dma_wait3A_1064 = arith.constant 0 : i32
      %dma_wait3A_1065 = tpu.memref_slice %arg7[%mul3A_37, %dma_wait3A_1064] : memref<2048x128xf32, #tpu.memory_space<vmem_shared>> -> memref<128x128xf32, #tpu.memory_space<vmem_shared>>
      %dma_wait3A_1066 = arith.constant 0 : i32
      %dma_wait3A_1067 = tpu.memref_slice %arg2[%mul3A_37, %dma_wait3A_1066] : memref<2048x128xf32, #tpu.memory_space<hbm>> -> memref<128x128xf32, #tpu.memory_space<hbm>>
      tpu.wait_dma2 semaphore(%run_scoped3A : memref<!tpu.dma_semaphore, #tpu.memory_space<semaphore_mem>>) src(%dma_wait3A_1067 : memref<128x128xf32, #tpu.memory_space<hbm>>) dst(%dma_wait3A_1065 : memref<128x128xf32, #tpu.memory_space<vmem_shared>>)
      tpu.yield
    }) : () -> ()
    "tpu.region"() ({
      %run_scoped3A = tpu.sem_alloc : memref<!tpu.dma_semaphore, #tpu.memory_space<semaphore_mem>>
      %dma_start3A_1060 = arith.constant 0 : i32
      %dma_start3A_1061 = arith.constant 0 : i32
      %dma_start3A_1062 = tpu.memref_slice %arg3[%add3A, %dma_start3A_1060, %dma_start3A_1061] : memref<32x16x128xi32, #tpu.memory_space<hbm>> -> memref<1x16x128xi32, #tpu.memory_space<hbm>>
      %dma_start3A_1063 = tpu.memref_squeeze %dma_start3A_1062 : memref<1x16x128xi32, #tpu.memory_space<hbm>> -> memref<16x128xi32, #tpu.memory_space<hbm>>
      %dma_start3A_1064 = arith.constant 0 : i32
      %dma_start3A_1065 = arith.constant 0 : i32
      %dma_start3A_1066 = tpu.memref_slice %arg3[%add3A, %dma_start3A_1064, %dma_start3A_1065] : memref<32x16x128xi32, #tpu.memory_space<hbm>> -> memref<1x16x128xi32, #tpu.memory_space<hbm>>
      %dma_start3A_1067 = tpu.memref_squeeze %dma_start3A_1066 : memref<1x16x128xi32, #tpu.memory_space<hbm>> -> memref<16x128xi32, #tpu.memory_space<hbm>>
      tpu.enqueue_dma source(%dma_start3A_1067 : memref<16x128xi32, #tpu.memory_space<hbm>>) target(%arg5 : memref<16x128xi32, #tpu.memory_space<vmem>>) target_semaphore(%run_scoped3A : memref<!tpu.dma_semaphore, #tpu.memory_space<semaphore_mem>>)
      %dma_wait3A_1068 = arith.constant 0 : i32
      %dma_wait3A_1069 = arith.constant 0 : i32
      %dma_wait3A_1070 = tpu.memref_slice %arg3[%add3A, %dma_wait3A_1068, %dma_wait3A_1069] : memref<32x16x128xi32, #tpu.memory_space<hbm>> -> memref<1x16x128xi32, #tpu.memory_space<hbm>>
      %dma_wait3A_1071 = tpu.memref_squeeze %dma_wait3A_1070 : memref<1x16x128xi32, #tpu.memory_space<hbm>> -> memref<16x128xi32, #tpu.memory_space<hbm>>
      %dma_wait3A_1072 = arith.constant 0 : i32
      %dma_wait3A_1073 = arith.constant 0 : i32
      %dma_wait3A_1074 = tpu.memref_slice %arg3[%add3A, %dma_wait3A_1072, %dma_wait3A_1073] : memref<32x16x128xi32, #tpu.memory_space<hbm>> -> memref<1x16x128xi32, #tpu.memory_space<hbm>>
      %dma_wait3A_1075 = tpu.memref_squeeze %dma_wait3A_1074 : memref<1x16x128xi32, #tpu.memory_space<hbm>> -> memref<16x128xi32, #tpu.memory_space<hbm>>
      tpu.wait_dma2 semaphore(%run_scoped3A : memref<!tpu.dma_semaphore, #tpu.memory_space<semaphore_mem>>) src(%dma_wait3A_1075 : memref<16x128xi32, #tpu.memory_space<hbm>>) dst(%arg5 : memref<16x128xi32, #tpu.memory_space<vmem>>)
      tpu.yield
    }) : () -> ()
    %barrier3A = arith.constant 0 : index
    tpu.barrier barrier_id(%barrier3A)
    %dma_start3A = arith.constant 0 : i32
    %dma_start3A_38 = arith.constant 0 : i32
    %dma_start3A_39 = arith.constant 0 : i32
    %dma_start3A_40 = arith.constant 0 : i32
    %dma_start3A_41 = arith.constant 0 : i32
    %dma_start3A_42 = tpu.memref_slice %arg6[%dma_start3A_38, %dma_start3A_40, %dma_start3A_41] : memref<4x128x128xf32, #tpu.memory_space<vmem>> -> memref<1x128x128xf32, #tpu.memory_space<vmem>>
    %dma_start3A_43 = tpu.memref_squeeze %dma_start3A_42 : memref<1x128x128xf32, #tpu.memory_space<vmem>> -> memref<128x128xf32, #tpu.memory_space<vmem>>
    %dma_start3A_44 = arith.constant 0 : i32
    %dma_start3A_45 = tpu.memref_slice %arg5[%dma_start3A, %dma_start3A_44] : memref<16x128xi32, #tpu.memory_space<vmem>> -> memref<1x128xi32, #tpu.memory_space<vmem>>
    %dma_start3A_46 = tpu.memref_squeeze %dma_start3A_45 : memref<1x128xi32, #tpu.memory_space<vmem>> -> memref<128xi32, #tpu.memory_space<vmem>>
    %dma_start3A_47 = arith.constant 0 : i32
    %dma_start3A_48 = arith.constant 0 : i32
    %dma_start3A_49 = tpu.memref_slice %arg7[%dma_start3A_47, %dma_start3A_48] : memref<2048x128xf32, #tpu.memory_space<vmem_shared>> -> memref<2048x128xf32, #tpu.memory_space<vmem_shared>>
    %dma_start3A_50 = tpu.memref_slice %arg8[%dma_start3A_39] : memref<4x!tpu.dma_semaphore, #tpu.memory_space<semaphore_mem>> -> memref<1x!tpu.dma_semaphore, #tpu.memory_space<semaphore_mem>>
    %dma_start3A_51 = tpu.memref_squeeze %dma_start3A_50 : memref<1x!tpu.dma_semaphore, #tpu.memory_space<semaphore_mem>> -> memref<!tpu.dma_semaphore, #tpu.memory_space<semaphore_mem>>
    tpu.enqueue_indirect_dma source(%dma_start3A_49 : memref<2048x128xf32, #tpu.memory_space<vmem_shared>>) target(%dma_start3A_43 : memref<128x128xf32, #tpu.memory_space<vmem>>) offsets(%dma_start3A_46 : memref<128xi32, #tpu.memory_space<vmem>>) semaphore(%dma_start3A_51 : memref<!tpu.dma_semaphore, #tpu.memory_space<semaphore_mem>>)
    %dma_start3A_52 = arith.constant 1 : i32
    %dma_start3A_53 = arith.constant 1 : i32
    %dma_start3A_54 = arith.constant 1 : i32
    %dma_start3A_55 = arith.constant 0 : i32
    %dma_start3A_56 = arith.constant 0 : i32
    %dma_start3A_57 = tpu.memref_slice %arg6[%dma_start3A_53, %dma_start3A_55, %dma_start3A_56] : memref<4x128x128xf32, #tpu.memory_space<vmem>> -> memref<1x128x128xf32, #tpu.memory_space<vmem>>
    %dma_start3A_58 = tpu.memref_squeeze %dma_start3A_57 : memref<1x128x128xf32, #tpu.memory_space<vmem>> -> memref<128x128xf32, #tpu.memory_space<vmem>>
    %dma_start3A_59 = arith.constant 0 : i32
    %dma_start3A_60 = tpu.memref_slice %arg5[%dma_start3A_52, %dma_start3A_59] : memref<16x128xi32, #tpu.memory_space<vmem>> -> memref<1x128xi32, #tpu.memory_space<vmem>>
    %dma_start3A_61 = tpu.memref_squeeze %dma_start3A_60 : memref<1x128xi32, #tpu.memory_space<vmem>> -> memref<128xi32, #tpu.memory_space<vmem>>
    %dma_start3A_62 = arith.constant 0 : i32
    %dma_start3A_63 = arith.constant 0 : i32
    %dma_start3A_64 = tpu.memref_slice %arg7[%dma_start3A_62, %dma_start3A_63] : memref<2048x128xf32, #tpu.memory_space<vmem_shared>> -> memref<2048x128xf32, #tpu.memory_space<vmem_shared>>
    %dma_start3A_65 = tpu.memref_slice %arg8[%dma_start3A_54] : memref<4x!tpu.dma_semaphore, #tpu.memory_space<semaphore_mem>> -> memref<1x!tpu.dma_semaphore, #tpu.memory_space<semaphore_mem>>
    %dma_start3A_66 = tpu.memref_squeeze %dma_start3A_65 : memref<1x!tpu.dma_semaphore, #tpu.memory_space<semaphore_mem>> -> memref<!tpu.dma_semaphore, #tpu.memory_space<semaphore_mem>>
    tpu.enqueue_indirect_dma source(%dma_start3A_64 : memref<2048x128xf32, #tpu.memory_space<vmem_shared>>) target(%dma_start3A_58 : memref<128x128xf32, #tpu.memory_space<vmem>>) offsets(%dma_start3A_61 : memref<128xi32, #tpu.memory_space<vmem>>) semaphore(%dma_start3A_66 : memref<!tpu.dma_semaphore, #tpu.memory_space<semaphore_mem>>)
    %dma_start3A_67 = arith.constant 2 : i32
    %dma_start3A_68 = arith.constant 2 : i32
    %dma_start3A_69 = arith.constant 2 : i32
    %dma_start3A_70 = arith.constant 0 : i32
    %dma_start3A_71 = arith.constant 0 : i32
    %dma_start3A_72 = tpu.memref_slice %arg6[%dma_start3A_68, %dma_start3A_70, %dma_start3A_71] : memref<4x128x128xf32, #tpu.memory_space<vmem>> -> memref<1x128x128xf32, #tpu.memory_space<vmem>>
    %dma_start3A_73 = tpu.memref_squeeze %dma_start3A_72 : memref<1x128x128xf32, #tpu.memory_space<vmem>> -> memref<128x128xf32, #tpu.memory_space<vmem>>
    %dma_start3A_74 = arith.constant 0 : i32
    %dma_start3A_75 = tpu.memref_slice %arg5[%dma_start3A_67, %dma_start3A_74] : memref<16x128xi32, #tpu.memory_space<vmem>> -> memref<1x128xi32, #tpu.memory_space<vmem>>
    %dma_start3A_76 = tpu.memref_squeeze %dma_start3A_75 : memref<1x128xi32, #tpu.memory_space<vmem>> -> memref<128xi32, #tpu.memory_space<vmem>>
    %dma_start3A_77 = arith.constant 0 : i32
    %dma_start3A_78 = arith.constant 0 : i32
    %dma_start3A_79 = tpu.memref_slice %arg7[%dma_start3A_77, %dma_start3A_78] : memref<2048x128xf32, #tpu.memory_space<vmem_shared>> -> memref<2048x128xf32, #tpu.memory_space<vmem_shared>>
    %dma_start3A_80 = tpu.memref_slice %arg8[%dma_start3A_69] : memref<4x!tpu.dma_semaphore, #tpu.memory_space<semaphore_mem>> -> memref<1x!tpu.dma_semaphore, #tpu.memory_space<semaphore_mem>>
    %dma_start3A_81 = tpu.memref_squeeze %dma_start3A_80 : memref<1x!tpu.dma_semaphore, #tpu.memory_space<semaphore_mem>> -> memref<!tpu.dma_semaphore, #tpu.memory_space<semaphore_mem>>
    tpu.enqueue_indirect_dma source(%dma_start3A_79 : memref<2048x128xf32, #tpu.memory_space<vmem_shared>>) target(%dma_start3A_73 : memref<128x128xf32, #tpu.memory_space<vmem>>) offsets(%dma_start3A_76 : memref<128xi32, #tpu.memory_space<vmem>>) semaphore(%dma_start3A_81 : memref<!tpu.dma_semaphore, #tpu.memory_space<semaphore_mem>>)
    %dma_wait3A = arith.constant 0 : i32
    %dma_wait3A_82 = arith.constant 0 : i32
    %dma_wait3A_83 = arith.constant 0 : i32
    %dma_wait3A_84 = arith.constant 0 : i32
    %dma_wait3A_85 = arith.constant 0 : i32
    %dma_wait3A_86 = tpu.memref_slice %arg6[%dma_wait3A_82, %dma_wait3A_84, %dma_wait3A_85] : memref<4x128x128xf32, #tpu.memory_space<vmem>> -> memref<1x128x128xf32, #tpu.memory_space<vmem>>
    %dma_wait3A_87 = tpu.memref_squeeze %dma_wait3A_86 : memref<1x128x128xf32, #tpu.memory_space<vmem>> -> memref<128x128xf32, #tpu.memory_space<vmem>>
    %dma_wait3A_88 = arith.constant 0 : i32
    %dma_wait3A_89 = tpu.memref_slice %arg5[%dma_wait3A, %dma_wait3A_88] : memref<16x128xi32, #tpu.memory_space<vmem>> -> memref<1x128xi32, #tpu.memory_space<vmem>>
    %dma_wait3A_90 = tpu.memref_squeeze %dma_wait3A_89 : memref<1x128xi32, #tpu.memory_space<vmem>> -> memref<128xi32, #tpu.memory_space<vmem>>
    %dma_wait3A_91 = arith.constant 0 : i32
    %dma_wait3A_92 = arith.constant 0 : i32
    %dma_wait3A_93 = tpu.memref_slice %arg7[%dma_wait3A_91, %dma_wait3A_92] : memref<2048x128xf32, #tpu.memory_space<vmem_shared>> -> memref<2048x128xf32, #tpu.memory_space<vmem_shared>>
    %dma_wait3A_94 = tpu.memref_slice %arg8[%dma_wait3A_83] : memref<4x!tpu.dma_semaphore, #tpu.memory_space<semaphore_mem>> -> memref<1x!tpu.dma_semaphore, #tpu.memory_space<semaphore_mem>>
    %dma_wait3A_95 = tpu.memref_squeeze %dma_wait3A_94 : memref<1x!tpu.dma_semaphore, #tpu.memory_space<semaphore_mem>> -> memref<!tpu.dma_semaphore, #tpu.memory_space<semaphore_mem>>
    tpu.wait_indirect_dma semaphore(%dma_wait3A_95 : memref<!tpu.dma_semaphore, #tpu.memory_space<semaphore_mem>>) src(%dma_wait3A_93 : memref<2048x128xf32, #tpu.memory_space<vmem_shared>>) dst(%dma_wait3A_87 : memref<128x128xf32, #tpu.memory_space<vmem>>)
    %add3A_96 = arith.constant 0 : i32
    %add3A_97 = arith.addi %add3A_35, %add3A_96 : i32
    %dma_start3A_98 = arith.constant 0 : i32
    %dma_start3A_99 = arith.constant 0 : i32
    %dma_start3A_100 = arith.constant 0 : i32
    %dma_start3A_101 = arith.constant 0 : i32
    %dma_start3A_102 = tpu.memref_slice %arg6[%dma_start3A_98, %dma_start3A_100, %dma_start3A_101] : memref<4x128x128xf32, #tpu.memory_space<vmem>> -> memref<1x128x128xf32, #tpu.memory_space<vmem>>
    %dma_start3A_103 = tpu.memref_squeeze %dma_start3A_102 : memref<1x128x128xf32, #tpu.memory_space<vmem>> -> memref<128x128xf32, #tpu.memory_space<vmem>>
    %dma_start3A_104 = arith.constant 0 : i32
    %dma_start3A_105 = tpu.memref_slice %arg4[%add3A_97, %dma_start3A_104] : memref<65536x128xf32, #tpu.memory_space<hbm>> -> memref<128x128xf32, #tpu.memory_space<hbm>>
    %dma_start3A_106 = tpu.memref_slice %arg9[%dma_start3A_99] : memref<4x!tpu.dma_semaphore, #tpu.memory_space<semaphore_mem>> -> memref<1x!tpu.dma_semaphore, #tpu.memory_space<semaphore_mem>>
    %dma_start3A_107 = tpu.memref_squeeze %dma_start3A_106 : memref<1x!tpu.dma_semaphore, #tpu.memory_space<semaphore_mem>> -> memref<!tpu.dma_semaphore, #tpu.memory_space<semaphore_mem>>
    %dma_start3A_108 = arith.constant 0 : i32
    %dma_start3A_109 = tpu.memref_slice %arg4[%add3A_97, %dma_start3A_108] : memref<65536x128xf32, #tpu.memory_space<hbm>> -> memref<128x128xf32, #tpu.memory_space<hbm>>
    %dma_start3A_110 = arith.constant 0 : i32
    %dma_start3A_111 = arith.constant 0 : i32
    %dma_start3A_112 = tpu.memref_slice %arg6[%dma_start3A_98, %dma_start3A_110, %dma_start3A_111] : memref<4x128x128xf32, #tpu.memory_space<vmem>> -> memref<1x128x128xf32, #tpu.memory_space<vmem>>
    %dma_start3A_113 = tpu.memref_squeeze %dma_start3A_112 : memref<1x128x128xf32, #tpu.memory_space<vmem>> -> memref<128x128xf32, #tpu.memory_space<vmem>>
    tpu.enqueue_dma source(%dma_start3A_113 : memref<128x128xf32, #tpu.memory_space<vmem>>) target(%dma_start3A_109 : memref<128x128xf32, #tpu.memory_space<hbm>>) target_semaphore(%dma_start3A_107 : memref<!tpu.dma_semaphore, #tpu.memory_space<semaphore_mem>>)
    %dma_start3A_114 = arith.constant 3 : i32
    %dma_start3A_115 = arith.constant 3 : i32
    %dma_start3A_116 = arith.constant 3 : i32
    %dma_start3A_117 = arith.constant 0 : i32
    %dma_start3A_118 = arith.constant 0 : i32
    %dma_start3A_119 = tpu.memref_slice %arg6[%dma_start3A_115, %dma_start3A_117, %dma_start3A_118] : memref<4x128x128xf32, #tpu.memory_space<vmem>> -> memref<1x128x128xf32, #tpu.memory_space<vmem>>
    %dma_start3A_120 = tpu.memref_squeeze %dma_start3A_119 : memref<1x128x128xf32, #tpu.memory_space<vmem>> -> memref<128x128xf32, #tpu.memory_space<vmem>>
    %dma_start3A_121 = arith.constant 0 : i32
    %dma_start3A_122 = tpu.memref_slice %arg5[%dma_start3A_114, %dma_start3A_121] : memref<16x128xi32, #tpu.memory_space<vmem>> -> memref<1x128xi32, #tpu.memory_space<vmem>>
    %dma_start3A_123 = tpu.memref_squeeze %dma_start3A_122 : memref<1x128xi32, #tpu.memory_space<vmem>> -> memref<128xi32, #tpu.memory_space<vmem>>
    %dma_start3A_124 = arith.constant 0 : i32
    %dma_start3A_125 = arith.constant 0 : i32
    %dma_start3A_126 = tpu.memref_slice %arg7[%dma_start3A_124, %dma_start3A_125] : memref<2048x128xf32, #tpu.memory_space<vmem_shared>> -> memref<2048x128xf32, #tpu.memory_space<vmem_shared>>
    %dma_start3A_127 = tpu.memref_slice %arg8[%dma_start3A_116] : memref<4x!tpu.dma_semaphore, #tpu.memory_space<semaphore_mem>> -> memref<1x!tpu.dma_semaphore, #tpu.memory_space<semaphore_mem>>
    %dma_start3A_128 = tpu.memref_squeeze %dma_start3A_127 : memref<1x!tpu.dma_semaphore, #tpu.memory_space<semaphore_mem>> -> memref<!tpu.dma_semaphore, #tpu.memory_space<semaphore_mem>>
    tpu.enqueue_indirect_dma source(%dma_start3A_126 : memref<2048x128xf32, #tpu.memory_space<vmem_shared>>) target(%dma_start3A_120 : memref<128x128xf32, #tpu.memory_space<vmem>>) offsets(%dma_start3A_123 : memref<128xi32, #tpu.memory_space<vmem>>) semaphore(%dma_start3A_128 : memref<!tpu.dma_semaphore, #tpu.memory_space<semaphore_mem>>)
    %dma_wait3A_129 = arith.constant 1 : i32
    %dma_wait3A_130 = arith.constant 1 : i32
    %dma_wait3A_131 = arith.constant 1 : i32
    %dma_wait3A_132 = arith.constant 0 : i32
    %dma_wait3A_133 = arith.constant 0 : i32
    %dma_wait3A_134 = tpu.memref_slice %arg6[%dma_wait3A_130, %dma_wait3A_132, %dma_wait3A_133] : memref<4x128x128xf32, #tpu.memory_space<vmem>> -> memref<1x128x128xf32, #tpu.memory_space<vmem>>
    %dma_wait3A_135 = tpu.memref_squeeze %dma_wait3A_134 : memref<1x128x128xf32, #tpu.memory_space<vmem>> -> memref<128x128xf32, #tpu.memory_space<vmem>>
    %dma_wait3A_136 = arith.constant 0 : i32
    %dma_wait3A_137 = tpu.memref_slice %arg5[%dma_wait3A_129, %dma_wait3A_136] : memref<16x128xi32, #tpu.memory_space<vmem>> -> memref<1x128xi32, #tpu.memory_space<vmem>>
    %dma_wait3A_138 = tpu.memref_squeeze %dma_wait3A_137 : memref<1x128xi32, #tpu.memory_space<vmem>> -> memref<128xi32, #tpu.memory_space<vmem>>
    %dma_wait3A_139 = arith.constant 0 : i32
    %dma_wait3A_140 = arith.constant 0 : i32
    %dma_wait3A_141 = tpu.memref_slice %arg7[%dma_wait3A_139, %dma_wait3A_140] : memref<2048x128xf32, #tpu.memory_space<vmem_shared>> -> memref<2048x128xf32, #tpu.memory_space<vmem_shared>>
    %dma_wait3A_142 = tpu.memref_slice %arg8[%dma_wait3A_131] : memref<4x!tpu.dma_semaphore, #tpu.memory_space<semaphore_mem>> -> memref<1x!tpu.dma_semaphore, #tpu.memory_space<semaphore_mem>>
    %dma_wait3A_143 = tpu.memref_squeeze %dma_wait3A_142 : memref<1x!tpu.dma_semaphore, #tpu.memory_space<semaphore_mem>> -> memref<!tpu.dma_semaphore, #tpu.memory_space<semaphore_mem>>
    tpu.wait_indirect_dma semaphore(%dma_wait3A_143 : memref<!tpu.dma_semaphore, #tpu.memory_space<semaphore_mem>>) src(%dma_wait3A_141 : memref<2048x128xf32, #tpu.memory_space<vmem_shared>>) dst(%dma_wait3A_135 : memref<128x128xf32, #tpu.memory_space<vmem>>)
    %add3A_144 = arith.constant 128 : i32
    %add3A_145 = arith.addi %add3A_35, %add3A_144 : i32
    %dma_start3A_146 = arith.constant 1 : i32
    %dma_start3A_147 = arith.constant 1 : i32
    %dma_start3A_148 = arith.constant 0 : i32
    %dma_start3A_149 = arith.constant 0 : i32
    %dma_start3A_150 = tpu.memref_slice %arg6[%dma_start3A_146, %dma_start3A_148, %dma_start3A_149] : memref<4x128x128xf32, #tpu.memory_space<vmem>> -> memref<1x128x128xf32, #tpu.memory_space<vmem>>
    %dma_start3A_151 = tpu.memref_squeeze %dma_start3A_150 : memref<1x128x128xf32, #tpu.memory_space<vmem>> -> memref<128x128xf32, #tpu.memory_space<vmem>>
    %dma_start3A_152 = arith.constant 0 : i32
    %dma_start3A_153 = tpu.memref_slice %arg4[%add3A_145, %dma_start3A_152] : memref<65536x128xf32, #tpu.memory_space<hbm>> -> memref<128x128xf32, #tpu.memory_space<hbm>>
    %dma_start3A_154 = tpu.memref_slice %arg9[%dma_start3A_147] : memref<4x!tpu.dma_semaphore, #tpu.memory_space<semaphore_mem>> -> memref<1x!tpu.dma_semaphore, #tpu.memory_space<semaphore_mem>>
    %dma_start3A_155 = tpu.memref_squeeze %dma_start3A_154 : memref<1x!tpu.dma_semaphore, #tpu.memory_space<semaphore_mem>> -> memref<!tpu.dma_semaphore, #tpu.memory_space<semaphore_mem>>
    %dma_start3A_156 = arith.constant 0 : i32
    %dma_start3A_157 = tpu.memref_slice %arg4[%add3A_145, %dma_start3A_156] : memref<65536x128xf32, #tpu.memory_space<hbm>> -> memref<128x128xf32, #tpu.memory_space<hbm>>
    %dma_start3A_158 = arith.constant 0 : i32
    %dma_start3A_159 = arith.constant 0 : i32
    %dma_start3A_160 = tpu.memref_slice %arg6[%dma_start3A_146, %dma_start3A_158, %dma_start3A_159] : memref<4x128x128xf32, #tpu.memory_space<vmem>> -> memref<1x128x128xf32, #tpu.memory_space<vmem>>
    %dma_start3A_161 = tpu.memref_squeeze %dma_start3A_160 : memref<1x128x128xf32, #tpu.memory_space<vmem>> -> memref<128x128xf32, #tpu.memory_space<vmem>>
    tpu.enqueue_dma source(%dma_start3A_161 : memref<128x128xf32, #tpu.memory_space<vmem>>) target(%dma_start3A_157 : memref<128x128xf32, #tpu.memory_space<hbm>>) target_semaphore(%dma_start3A_155 : memref<!tpu.dma_semaphore, #tpu.memory_space<semaphore_mem>>)
    %dma_wait3A_162 = arith.constant 0 : i32
    %dma_wait3A_163 = arith.constant 0 : i32
    %dma_wait3A_164 = arith.constant 0 : i32
    %dma_wait3A_165 = arith.constant 0 : i32
    %dma_wait3A_166 = tpu.memref_slice %arg6[%dma_wait3A_162, %dma_wait3A_164, %dma_wait3A_165] : memref<4x128x128xf32, #tpu.memory_space<vmem>> -> memref<1x128x128xf32, #tpu.memory_space<vmem>>
    %dma_wait3A_167 = tpu.memref_squeeze %dma_wait3A_166 : memref<1x128x128xf32, #tpu.memory_space<vmem>> -> memref<128x128xf32, #tpu.memory_space<vmem>>
    %dma_wait3A_168 = arith.constant 0 : i32
    %dma_wait3A_169 = tpu.memref_slice %arg4[%add3A_97, %dma_wait3A_168] : memref<65536x128xf32, #tpu.memory_space<hbm>> -> memref<128x128xf32, #tpu.memory_space<hbm>>
    %dma_wait3A_170 = tpu.memref_slice %arg9[%dma_wait3A_163] : memref<4x!tpu.dma_semaphore, #tpu.memory_space<semaphore_mem>> -> memref<1x!tpu.dma_semaphore, #tpu.memory_space<semaphore_mem>>
    %dma_wait3A_171 = tpu.memref_squeeze %dma_wait3A_170 : memref<1x!tpu.dma_semaphore, #tpu.memory_space<semaphore_mem>> -> memref<!tpu.dma_semaphore, #tpu.memory_space<semaphore_mem>>
    %dma_wait3A_172 = arith.constant 0 : i32
    %dma_wait3A_173 = tpu.memref_slice %arg4[%add3A_97, %dma_wait3A_172] : memref<65536x128xf32, #tpu.memory_space<hbm>> -> memref<128x128xf32, #tpu.memory_space<hbm>>
    %dma_wait3A_174 = arith.constant 0 : i32
    %dma_wait3A_175 = arith.constant 0 : i32
    %dma_wait3A_176 = tpu.memref_slice %arg6[%dma_wait3A_162, %dma_wait3A_174, %dma_wait3A_175] : memref<4x128x128xf32, #tpu.memory_space<vmem>> -> memref<1x128x128xf32, #tpu.memory_space<vmem>>
    %dma_wait3A_177 = tpu.memref_squeeze %dma_wait3A_176 : memref<1x128x128xf32, #tpu.memory_space<vmem>> -> memref<128x128xf32, #tpu.memory_space<vmem>>
    tpu.wait_dma2 semaphore(%dma_wait3A_171 : memref<!tpu.dma_semaphore, #tpu.memory_space<semaphore_mem>>) src(%dma_wait3A_177 : memref<128x128xf32, #tpu.memory_space<vmem>>) dst(%dma_wait3A_173 : memref<128x128xf32, #tpu.memory_space<hbm>>)
    %dma_start3A_178 = arith.constant 4 : i32
    %dma_start3A_179 = arith.constant 0 : i32
    %dma_start3A_180 = arith.constant 0 : i32
    %dma_start3A_181 = arith.constant 0 : i32
    %dma_start3A_182 = arith.constant 0 : i32
    %dma_start3A_183 = tpu.memref_slice %arg6[%dma_start3A_179, %dma_start3A_181, %dma_start3A_182] : memref<4x128x128xf32, #tpu.memory_space<vmem>> -> memref<1x128x128xf32, #tpu.memory_space<vmem>>
    %dma_start3A_184 = tpu.memref_squeeze %dma_start3A_183 : memref<1x128x128xf32, #tpu.memory_space<vmem>> -> memref<128x128xf32, #tpu.memory_space<vmem>>
    %dma_start3A_185 = arith.constant 0 : i32
    %dma_start3A_186 = tpu.memref_slice %arg5[%dma_start3A_178, %dma_start3A_185] : memref<16x128xi32, #tpu.memory_space<vmem>> -> memref<1x128xi32, #tpu.memory_space<vmem>>
    %dma_start3A_187 = tpu.memref_squeeze %dma_start3A_186 : memref<1x128xi32, #tpu.memory_space<vmem>> -> memref<128xi32, #tpu.memory_space<vmem>>
    %dma_start3A_188 = arith.constant 0 : i32
    %dma_start3A_189 = arith.constant 0 : i32
    %dma_start3A_190 = tpu.memref_slice %arg7[%dma_start3A_188, %dma_start3A_189] : memref<2048x128xf32, #tpu.memory_space<vmem_shared>> -> memref<2048x128xf32, #tpu.memory_space<vmem_shared>>
    %dma_start3A_191 = tpu.memref_slice %arg8[%dma_start3A_180] : memref<4x!tpu.dma_semaphore, #tpu.memory_space<semaphore_mem>> -> memref<1x!tpu.dma_semaphore, #tpu.memory_space<semaphore_mem>>
    %dma_start3A_192 = tpu.memref_squeeze %dma_start3A_191 : memref<1x!tpu.dma_semaphore, #tpu.memory_space<semaphore_mem>> -> memref<!tpu.dma_semaphore, #tpu.memory_space<semaphore_mem>>
    tpu.enqueue_indirect_dma source(%dma_start3A_190 : memref<2048x128xf32, #tpu.memory_space<vmem_shared>>) target(%dma_start3A_184 : memref<128x128xf32, #tpu.memory_space<vmem>>) offsets(%dma_start3A_187 : memref<128xi32, #tpu.memory_space<vmem>>) semaphore(%dma_start3A_192 : memref<!tpu.dma_semaphore, #tpu.memory_space<semaphore_mem>>)
    %dma_wait3A_193 = arith.constant 2 : i32
    %dma_wait3A_194 = arith.constant 2 : i32
    %dma_wait3A_195 = arith.constant 2 : i32
    %dma_wait3A_196 = arith.constant 0 : i32
    %dma_wait3A_197 = arith.constant 0 : i32
    %dma_wait3A_198 = tpu.memref_slice %arg6[%dma_wait3A_194, %dma_wait3A_196, %dma_wait3A_197] : memref<4x128x128xf32, #tpu.memory_space<vmem>> -> memref<1x128x128xf32, #tpu.memory_space<vmem>>
    %dma_wait3A_199 = tpu.memref_squeeze %dma_wait3A_198 : memref<1x128x128xf32, #tpu.memory_space<vmem>> -> memref<128x128xf32, #tpu.memory_space<vmem>>
    %dma_wait3A_200 = arith.constant 0 : i32
    %dma_wait3A_201 = tpu.memref_slice %arg5[%dma_wait3A_193, %dma_wait3A_200] : memref<16x128xi32, #tpu.memory_space<vmem>> -> memref<1x128xi32, #tpu.memory_space<vmem>>
    %dma_wait3A_202 = tpu.memref_squeeze %dma_wait3A_201 : memref<1x128xi32, #tpu.memory_space<vmem>> -> memref<128xi32, #tpu.memory_space<vmem>>
    %dma_wait3A_203 = arith.constant 0 : i32
    %dma_wait3A_204 = arith.constant 0 : i32
    %dma_wait3A_205 = tpu.memref_slice %arg7[%dma_wait3A_203, %dma_wait3A_204] : memref<2048x128xf32, #tpu.memory_space<vmem_shared>> -> memref<2048x128xf32, #tpu.memory_space<vmem_shared>>
    %dma_wait3A_206 = tpu.memref_slice %arg8[%dma_wait3A_195] : memref<4x!tpu.dma_semaphore, #tpu.memory_space<semaphore_mem>> -> memref<1x!tpu.dma_semaphore, #tpu.memory_space<semaphore_mem>>
    %dma_wait3A_207 = tpu.memref_squeeze %dma_wait3A_206 : memref<1x!tpu.dma_semaphore, #tpu.memory_space<semaphore_mem>> -> memref<!tpu.dma_semaphore, #tpu.memory_space<semaphore_mem>>
    tpu.wait_indirect_dma semaphore(%dma_wait3A_207 : memref<!tpu.dma_semaphore, #tpu.memory_space<semaphore_mem>>) src(%dma_wait3A_205 : memref<2048x128xf32, #tpu.memory_space<vmem_shared>>) dst(%dma_wait3A_199 : memref<128x128xf32, #tpu.memory_space<vmem>>)
    %add3A_208 = arith.constant 256 : i32
    %add3A_209 = arith.addi %add3A_35, %add3A_208 : i32
    %dma_start3A_210 = arith.constant 2 : i32
    %dma_start3A_211 = arith.constant 2 : i32
    %dma_start3A_212 = arith.constant 0 : i32
    %dma_start3A_213 = arith.constant 0 : i32
    %dma_start3A_214 = tpu.memref_slice %arg6[%dma_start3A_210, %dma_start3A_212, %dma_start3A_213] : memref<4x128x128xf32, #tpu.memory_space<vmem>> -> memref<1x128x128xf32, #tpu.memory_space<vmem>>
    %dma_start3A_215 = tpu.memref_squeeze %dma_start3A_214 : memref<1x128x128xf32, #tpu.memory_space<vmem>> -> memref<128x128xf32, #tpu.memory_space<vmem>>
    %dma_start3A_216 = arith.constant 0 : i32
    %dma_start3A_217 = tpu.memref_slice %arg4[%add3A_209, %dma_start3A_216] : memref<65536x128xf32, #tpu.memory_space<hbm>> -> memref<128x128xf32, #tpu.memory_space<hbm>>
    %dma_start3A_218 = tpu.memref_slice %arg9[%dma_start3A_211] : memref<4x!tpu.dma_semaphore, #tpu.memory_space<semaphore_mem>> -> memref<1x!tpu.dma_semaphore, #tpu.memory_space<semaphore_mem>>
    %dma_start3A_219 = tpu.memref_squeeze %dma_start3A_218 : memref<1x!tpu.dma_semaphore, #tpu.memory_space<semaphore_mem>> -> memref<!tpu.dma_semaphore, #tpu.memory_space<semaphore_mem>>
    %dma_start3A_220 = arith.constant 0 : i32
    %dma_start3A_221 = tpu.memref_slice %arg4[%add3A_209, %dma_start3A_220] : memref<65536x128xf32, #tpu.memory_space<hbm>> -> memref<128x128xf32, #tpu.memory_space<hbm>>
    %dma_start3A_222 = arith.constant 0 : i32
    %dma_start3A_223 = arith.constant 0 : i32
    %dma_start3A_224 = tpu.memref_slice %arg6[%dma_start3A_210, %dma_start3A_222, %dma_start3A_223] : memref<4x128x128xf32, #tpu.memory_space<vmem>> -> memref<1x128x128xf32, #tpu.memory_space<vmem>>
    %dma_start3A_225 = tpu.memref_squeeze %dma_start3A_224 : memref<1x128x128xf32, #tpu.memory_space<vmem>> -> memref<128x128xf32, #tpu.memory_space<vmem>>
    tpu.enqueue_dma source(%dma_start3A_225 : memref<128x128xf32, #tpu.memory_space<vmem>>) target(%dma_start3A_221 : memref<128x128xf32, #tpu.memory_space<hbm>>) target_semaphore(%dma_start3A_219 : memref<!tpu.dma_semaphore, #tpu.memory_space<semaphore_mem>>)
    %dma_wait3A_226 = arith.constant 1 : i32
    %dma_wait3A_227 = arith.constant 1 : i32
    %dma_wait3A_228 = arith.constant 0 : i32
    %dma_wait3A_229 = arith.constant 0 : i32
    %dma_wait3A_230 = tpu.memref_slice %arg6[%dma_wait3A_226, %dma_wait3A_228, %dma_wait3A_229] : memref<4x128x128xf32, #tpu.memory_space<vmem>> -> memref<1x128x128xf32, #tpu.memory_space<vmem>>
    %dma_wait3A_231 = tpu.memref_squeeze %dma_wait3A_230 : memref<1x128x128xf32, #tpu.memory_space<vmem>> -> memref<128x128xf32, #tpu.memory_space<vmem>>
    %dma_wait3A_232 = arith.constant 0 : i32
    %dma_wait3A_233 = tpu.memref_slice %arg4[%add3A_145, %dma_wait3A_232] : memref<65536x128xf32, #tpu.memory_space<hbm>> -> memref<128x128xf32, #tpu.memory_space<hbm>>
    %dma_wait3A_234 = tpu.memref_slice %arg9[%dma_wait3A_227] : memref<4x!tpu.dma_semaphore, #tpu.memory_space<semaphore_mem>> -> memref<1x!tpu.dma_semaphore, #tpu.memory_space<semaphore_mem>>
    %dma_wait3A_235 = tpu.memref_squeeze %dma_wait3A_234 : memref<1x!tpu.dma_semaphore, #tpu.memory_space<semaphore_mem>> -> memref<!tpu.dma_semaphore, #tpu.memory_space<semaphore_mem>>
    %dma_wait3A_236 = arith.constant 0 : i32
    %dma_wait3A_237 = tpu.memref_slice %arg4[%add3A_145, %dma_wait3A_236] : memref<65536x128xf32, #tpu.memory_space<hbm>> -> memref<128x128xf32, #tpu.memory_space<hbm>>
    %dma_wait3A_238 = arith.constant 0 : i32
    %dma_wait3A_239 = arith.constant 0 : i32
    %dma_wait3A_240 = tpu.memref_slice %arg6[%dma_wait3A_226, %dma_wait3A_238, %dma_wait3A_239] : memref<4x128x128xf32, #tpu.memory_space<vmem>> -> memref<1x128x128xf32, #tpu.memory_space<vmem>>
    %dma_wait3A_241 = tpu.memref_squeeze %dma_wait3A_240 : memref<1x128x128xf32, #tpu.memory_space<vmem>> -> memref<128x128xf32, #tpu.memory_space<vmem>>
    tpu.wait_dma2 semaphore(%dma_wait3A_235 : memref<!tpu.dma_semaphore, #tpu.memory_space<semaphore_mem>>) src(%dma_wait3A_241 : memref<128x128xf32, #tpu.memory_space<vmem>>) dst(%dma_wait3A_237 : memref<128x128xf32, #tpu.memory_space<hbm>>)
    %dma_start3A_242 = arith.constant 5 : i32
    %dma_start3A_243 = arith.constant 1 : i32
    %dma_start3A_244 = arith.constant 1 : i32
    %dma_start3A_245 = arith.constant 0 : i32
    %dma_start3A_246 = arith.constant 0 : i32
    %dma_start3A_247 = tpu.memref_slice %arg6[%dma_start3A_243, %dma_start3A_245, %dma_start3A_246] : memref<4x128x128xf32, #tpu.memory_space<vmem>> -> memref<1x128x128xf32, #tpu.memory_space<vmem>>
    %dma_start3A_248 = tpu.memref_squeeze %dma_start3A_247 : memref<1x128x128xf32, #tpu.memory_space<vmem>> -> memref<128x128xf32, #tpu.memory_space<vmem>>
    %dma_start3A_249 = arith.constant 0 : i32
    %dma_start3A_250 = tpu.memref_slice %arg5[%dma_start3A_242, %dma_start3A_249] : memref<16x128xi32, #tpu.memory_space<vmem>> -> memref<1x128xi32, #tpu.memory_space<vmem>>
    %dma_start3A_251 = tpu.memref_squeeze %dma_start3A_250 : memref<1x128xi32, #tpu.memory_space<vmem>> -> memref<128xi32, #tpu.memory_space<vmem>>
    %dma_start3A_252 = arith.constant 0 : i32
    %dma_start3A_253 = arith.constant 0 : i32
    %dma_start3A_254 = tpu.memref_slice %arg7[%dma_start3A_252, %dma_start3A_253] : memref<2048x128xf32, #tpu.memory_space<vmem_shared>> -> memref<2048x128xf32, #tpu.memory_space<vmem_shared>>
    %dma_start3A_255 = tpu.memref_slice %arg8[%dma_start3A_244] : memref<4x!tpu.dma_semaphore, #tpu.memory_space<semaphore_mem>> -> memref<1x!tpu.dma_semaphore, #tpu.memory_space<semaphore_mem>>
    %dma_start3A_256 = tpu.memref_squeeze %dma_start3A_255 : memref<1x!tpu.dma_semaphore, #tpu.memory_space<semaphore_mem>> -> memref<!tpu.dma_semaphore, #tpu.memory_space<semaphore_mem>>
    tpu.enqueue_indirect_dma source(%dma_start3A_254 : memref<2048x128xf32, #tpu.memory_space<vmem_shared>>) target(%dma_start3A_248 : memref<128x128xf32, #tpu.memory_space<vmem>>) offsets(%dma_start3A_251 : memref<128xi32, #tpu.memory_space<vmem>>) semaphore(%dma_start3A_256 : memref<!tpu.dma_semaphore, #tpu.memory_space<semaphore_mem>>)
    %dma_wait3A_257 = arith.constant 3 : i32
    %dma_wait3A_258 = arith.constant 3 : i32
    %dma_wait3A_259 = arith.constant 3 : i32
    %dma_wait3A_260 = arith.constant 0 : i32
    %dma_wait3A_261 = arith.constant 0 : i32
    %dma_wait3A_262 = tpu.memref_slice %arg6[%dma_wait3A_258, %dma_wait3A_260, %dma_wait3A_261] : memref<4x128x128xf32, #tpu.memory_space<vmem>> -> memref<1x128x128xf32, #tpu.memory_space<vmem>>
    %dma_wait3A_263 = tpu.memref_squeeze %dma_wait3A_262 : memref<1x128x128xf32, #tpu.memory_space<vmem>> -> memref<128x128xf32, #tpu.memory_space<vmem>>
    %dma_wait3A_264 = arith.constant 0 : i32
    %dma_wait3A_265 = tpu.memref_slice %arg5[%dma_wait3A_257, %dma_wait3A_264] : memref<16x128xi32, #tpu.memory_space<vmem>> -> memref<1x128xi32, #tpu.memory_space<vmem>>
    %dma_wait3A_266 = tpu.memref_squeeze %dma_wait3A_265 : memref<1x128xi32, #tpu.memory_space<vmem>> -> memref<128xi32, #tpu.memory_space<vmem>>
    %dma_wait3A_267 = arith.constant 0 : i32
    %dma_wait3A_268 = arith.constant 0 : i32
    %dma_wait3A_269 = tpu.memref_slice %arg7[%dma_wait3A_267, %dma_wait3A_268] : memref<2048x128xf32, #tpu.memory_space<vmem_shared>> -> memref<2048x128xf32, #tpu.memory_space<vmem_shared>>
    %dma_wait3A_270 = tpu.memref_slice %arg8[%dma_wait3A_259] : memref<4x!tpu.dma_semaphore, #tpu.memory_space<semaphore_mem>> -> memref<1x!tpu.dma_semaphore, #tpu.memory_space<semaphore_mem>>
    %dma_wait3A_271 = tpu.memref_squeeze %dma_wait3A_270 : memref<1x!tpu.dma_semaphore, #tpu.memory_space<semaphore_mem>> -> memref<!tpu.dma_semaphore, #tpu.memory_space<semaphore_mem>>
    tpu.wait_indirect_dma semaphore(%dma_wait3A_271 : memref<!tpu.dma_semaphore, #tpu.memory_space<semaphore_mem>>) src(%dma_wait3A_269 : memref<2048x128xf32, #tpu.memory_space<vmem_shared>>) dst(%dma_wait3A_263 : memref<128x128xf32, #tpu.memory_space<vmem>>)
    %add3A_272 = arith.constant 384 : i32
    %add3A_273 = arith.addi %add3A_35, %add3A_272 : i32
    %dma_start3A_274 = arith.constant 3 : i32
    %dma_start3A_275 = arith.constant 3 : i32
    %dma_start3A_276 = arith.constant 0 : i32
    %dma_start3A_277 = arith.constant 0 : i32
    %dma_start3A_278 = tpu.memref_slice %arg6[%dma_start3A_274, %dma_start3A_276, %dma_start3A_277] : memref<4x128x128xf32, #tpu.memory_space<vmem>> -> memref<1x128x128xf32, #tpu.memory_space<vmem>>
    %dma_start3A_279 = tpu.memref_squeeze %dma_start3A_278 : memref<1x128x128xf32, #tpu.memory_space<vmem>> -> memref<128x128xf32, #tpu.memory_space<vmem>>
    %dma_start3A_280 = arith.constant 0 : i32
    %dma_start3A_281 = tpu.memref_slice %arg4[%add3A_273, %dma_start3A_280] : memref<65536x128xf32, #tpu.memory_space<hbm>> -> memref<128x128xf32, #tpu.memory_space<hbm>>
    %dma_start3A_282 = tpu.memref_slice %arg9[%dma_start3A_275] : memref<4x!tpu.dma_semaphore, #tpu.memory_space<semaphore_mem>> -> memref<1x!tpu.dma_semaphore, #tpu.memory_space<semaphore_mem>>
    %dma_start3A_283 = tpu.memref_squeeze %dma_start3A_282 : memref<1x!tpu.dma_semaphore, #tpu.memory_space<semaphore_mem>> -> memref<!tpu.dma_semaphore, #tpu.memory_space<semaphore_mem>>
    %dma_start3A_284 = arith.constant 0 : i32
    %dma_start3A_285 = tpu.memref_slice %arg4[%add3A_273, %dma_start3A_284] : memref<65536x128xf32, #tpu.memory_space<hbm>> -> memref<128x128xf32, #tpu.memory_space<hbm>>
    %dma_start3A_286 = arith.constant 0 : i32
    %dma_start3A_287 = arith.constant 0 : i32
    %dma_start3A_288 = tpu.memref_slice %arg6[%dma_start3A_274, %dma_start3A_286, %dma_start3A_287] : memref<4x128x128xf32, #tpu.memory_space<vmem>> -> memref<1x128x128xf32, #tpu.memory_space<vmem>>
    %dma_start3A_289 = tpu.memref_squeeze %dma_start3A_288 : memref<1x128x128xf32, #tpu.memory_space<vmem>> -> memref<128x128xf32, #tpu.memory_space<vmem>>
    tpu.enqueue_dma source(%dma_start3A_289 : memref<128x128xf32, #tpu.memory_space<vmem>>) target(%dma_start3A_285 : memref<128x128xf32, #tpu.memory_space<hbm>>) target_semaphore(%dma_start3A_283 : memref<!tpu.dma_semaphore, #tpu.memory_space<semaphore_mem>>)
    %dma_wait3A_290 = arith.constant 2 : i32
    %dma_wait3A_291 = arith.constant 2 : i32
    %dma_wait3A_292 = arith.constant 0 : i32
    %dma_wait3A_293 = arith.constant 0 : i32
    %dma_wait3A_294 = tpu.memref_slice %arg6[%dma_wait3A_290, %dma_wait3A_292, %dma_wait3A_293] : memref<4x128x128xf32, #tpu.memory_space<vmem>> -> memref<1x128x128xf32, #tpu.memory_space<vmem>>
    %dma_wait3A_295 = tpu.memref_squeeze %dma_wait3A_294 : memref<1x128x128xf32, #tpu.memory_space<vmem>> -> memref<128x128xf32, #tpu.memory_space<vmem>>
    %dma_wait3A_296 = arith.constant 0 : i32
    %dma_wait3A_297 = tpu.memref_slice %arg4[%add3A_209, %dma_wait3A_296] : memref<65536x128xf32, #tpu.memory_space<hbm>> -> memref<128x128xf32, #tpu.memory_space<hbm>>
    %dma_wait3A_298 = tpu.memref_slice %arg9[%dma_wait3A_291] : memref<4x!tpu.dma_semaphore, #tpu.memory_space<semaphore_mem>> -> memref<1x!tpu.dma_semaphore, #tpu.memory_space<semaphore_mem>>
    %dma_wait3A_299 = tpu.memref_squeeze %dma_wait3A_298 : memref<1x!tpu.dma_semaphore, #tpu.memory_space<semaphore_mem>> -> memref<!tpu.dma_semaphore, #tpu.memory_space<semaphore_mem>>
    %dma_wait3A_300 = arith.constant 0 : i32
    %dma_wait3A_301 = tpu.memref_slice %arg4[%add3A_209, %dma_wait3A_300] : memref<65536x128xf32, #tpu.memory_space<hbm>> -> memref<128x128xf32, #tpu.memory_space<hbm>>
    %dma_wait3A_302 = arith.constant 0 : i32
    %dma_wait3A_303 = arith.constant 0 : i32
    %dma_wait3A_304 = tpu.memref_slice %arg6[%dma_wait3A_290, %dma_wait3A_302, %dma_wait3A_303] : memref<4x128x128xf32, #tpu.memory_space<vmem>> -> memref<1x128x128xf32, #tpu.memory_space<vmem>>
    %dma_wait3A_305 = tpu.memref_squeeze %dma_wait3A_304 : memref<1x128x128xf32, #tpu.memory_space<vmem>> -> memref<128x128xf32, #tpu.memory_space<vmem>>
    tpu.wait_dma2 semaphore(%dma_wait3A_299 : memref<!tpu.dma_semaphore, #tpu.memory_space<semaphore_mem>>) src(%dma_wait3A_305 : memref<128x128xf32, #tpu.memory_space<vmem>>) dst(%dma_wait3A_301 : memref<128x128xf32, #tpu.memory_space<hbm>>)
    %dma_start3A_306 = arith.constant 6 : i32
    %dma_start3A_307 = arith.constant 2 : i32
    %dma_start3A_308 = arith.constant 2 : i32
    %dma_start3A_309 = arith.constant 0 : i32
    %dma_start3A_310 = arith.constant 0 : i32
    %dma_start3A_311 = tpu.memref_slice %arg6[%dma_start3A_307, %dma_start3A_309, %dma_start3A_310] : memref<4x128x128xf32, #tpu.memory_space<vmem>> -> memref<1x128x128xf32, #tpu.memory_space<vmem>>
    %dma_start3A_312 = tpu.memref_squeeze %dma_start3A_311 : memref<1x128x128xf32, #tpu.memory_space<vmem>> -> memref<128x128xf32, #tpu.memory_space<vmem>>
    %dma_start3A_313 = arith.constant 0 : i32
    %dma_start3A_314 = tpu.memref_slice %arg5[%dma_start3A_306, %dma_start3A_313] : memref<16x128xi32, #tpu.memory_space<vmem>> -> memref<1x128xi32, #tpu.memory_space<vmem>>
    %dma_start3A_315 = tpu.memref_squeeze %dma_start3A_314 : memref<1x128xi32, #tpu.memory_space<vmem>> -> memref<128xi32, #tpu.memory_space<vmem>>
    %dma_start3A_316 = arith.constant 0 : i32
    %dma_start3A_317 = arith.constant 0 : i32
    %dma_start3A_318 = tpu.memref_slice %arg7[%dma_start3A_316, %dma_start3A_317] : memref<2048x128xf32, #tpu.memory_space<vmem_shared>> -> memref<2048x128xf32, #tpu.memory_space<vmem_shared>>
    %dma_start3A_319 = tpu.memref_slice %arg8[%dma_start3A_308] : memref<4x!tpu.dma_semaphore, #tpu.memory_space<semaphore_mem>> -> memref<1x!tpu.dma_semaphore, #tpu.memory_space<semaphore_mem>>
    %dma_start3A_320 = tpu.memref_squeeze %dma_start3A_319 : memref<1x!tpu.dma_semaphore, #tpu.memory_space<semaphore_mem>> -> memref<!tpu.dma_semaphore, #tpu.memory_space<semaphore_mem>>
    tpu.enqueue_indirect_dma source(%dma_start3A_318 : memref<2048x128xf32, #tpu.memory_space<vmem_shared>>) target(%dma_start3A_312 : memref<128x128xf32, #tpu.memory_space<vmem>>) offsets(%dma_start3A_315 : memref<128xi32, #tpu.memory_space<vmem>>) semaphore(%dma_start3A_320 : memref<!tpu.dma_semaphore, #tpu.memory_space<semaphore_mem>>)
    %dma_wait3A_321 = arith.constant 4 : i32
    %dma_wait3A_322 = arith.constant 0 : i32
    %dma_wait3A_323 = arith.constant 0 : i32
    %dma_wait3A_324 = arith.constant 0 : i32
    %dma_wait3A_325 = arith.constant 0 : i32
    %dma_wait3A_326 = tpu.memref_slice %arg6[%dma_wait3A_322, %dma_wait3A_324, %dma_wait3A_325] : memref<4x128x128xf32, #tpu.memory_space<vmem>> -> memref<1x128x128xf32, #tpu.memory_space<vmem>>
    %dma_wait3A_327 = tpu.memref_squeeze %dma_wait3A_326 : memref<1x128x128xf32, #tpu.memory_space<vmem>> -> memref<128x128xf32, #tpu.memory_space<vmem>>
    %dma_wait3A_328 = arith.constant 0 : i32
    %dma_wait3A_329 = tpu.memref_slice %arg5[%dma_wait3A_321, %dma_wait3A_328] : memref<16x128xi32, #tpu.memory_space<vmem>> -> memref<1x128xi32, #tpu.memory_space<vmem>>
    %dma_wait3A_330 = tpu.memref_squeeze %dma_wait3A_329 : memref<1x128xi32, #tpu.memory_space<vmem>> -> memref<128xi32, #tpu.memory_space<vmem>>
    %dma_wait3A_331 = arith.constant 0 : i32
    %dma_wait3A_332 = arith.constant 0 : i32
    %dma_wait3A_333 = tpu.memref_slice %arg7[%dma_wait3A_331, %dma_wait3A_332] : memref<2048x128xf32, #tpu.memory_space<vmem_shared>> -> memref<2048x128xf32, #tpu.memory_space<vmem_shared>>
    %dma_wait3A_334 = tpu.memref_slice %arg8[%dma_wait3A_323] : memref<4x!tpu.dma_semaphore, #tpu.memory_space<semaphore_mem>> -> memref<1x!tpu.dma_semaphore, #tpu.memory_space<semaphore_mem>>
    %dma_wait3A_335 = tpu.memref_squeeze %dma_wait3A_334 : memref<1x!tpu.dma_semaphore, #tpu.memory_space<semaphore_mem>> -> memref<!tpu.dma_semaphore, #tpu.memory_space<semaphore_mem>>
    tpu.wait_indirect_dma semaphore(%dma_wait3A_335 : memref<!tpu.dma_semaphore, #tpu.memory_space<semaphore_mem>>) src(%dma_wait3A_333 : memref<2048x128xf32, #tpu.memory_space<vmem_shared>>) dst(%dma_wait3A_327 : memref<128x128xf32, #tpu.memory_space<vmem>>)
    %add3A_336 = arith.constant 512 : i32
    %add3A_337 = arith.addi %add3A_35, %add3A_336 : i32
    %dma_start3A_338 = arith.constant 0 : i32
    %dma_start3A_339 = arith.constant 0 : i32
    %dma_start3A_340 = arith.constant 0 : i32
    %dma_start3A_341 = arith.constant 0 : i32
    %dma_start3A_342 = tpu.memref_slice %arg6[%dma_start3A_338, %dma_start3A_340, %dma_start3A_341] : memref<4x128x128xf32, #tpu.memory_space<vmem>> -> memref<1x128x128xf32, #tpu.memory_space<vmem>>
    %dma_start3A_343 = tpu.memref_squeeze %dma_start3A_342 : memref<1x128x128xf32, #tpu.memory_space<vmem>> -> memref<128x128xf32, #tpu.memory_space<vmem>>
    %dma_start3A_344 = arith.constant 0 : i32
    %dma_start3A_345 = tpu.memref_slice %arg4[%add3A_337, %dma_start3A_344] : memref<65536x128xf32, #tpu.memory_space<hbm>> -> memref<128x128xf32, #tpu.memory_space<hbm>>
    %dma_start3A_346 = tpu.memref_slice %arg9[%dma_start3A_339] : memref<4x!tpu.dma_semaphore, #tpu.memory_space<semaphore_mem>> -> memref<1x!tpu.dma_semaphore, #tpu.memory_space<semaphore_mem>>
    %dma_start3A_347 = tpu.memref_squeeze %dma_start3A_346 : memref<1x!tpu.dma_semaphore, #tpu.memory_space<semaphore_mem>> -> memref<!tpu.dma_semaphore, #tpu.memory_space<semaphore_mem>>
    %dma_start3A_348 = arith.constant 0 : i32
    %dma_start3A_349 = tpu.memref_slice %arg4[%add3A_337, %dma_start3A_348] : memref<65536x128xf32, #tpu.memory_space<hbm>> -> memref<128x128xf32, #tpu.memory_space<hbm>>
    %dma_start3A_350 = arith.constant 0 : i32
    %dma_start3A_351 = arith.constant 0 : i32
    %dma_start3A_352 = tpu.memref_slice %arg6[%dma_start3A_338, %dma_start3A_350, %dma_start3A_351] : memref<4x128x128xf32, #tpu.memory_space<vmem>> -> memref<1x128x128xf32, #tpu.memory_space<vmem>>
    %dma_start3A_353 = tpu.memref_squeeze %dma_start3A_352 : memref<1x128x128xf32, #tpu.memory_space<vmem>> -> memref<128x128xf32, #tpu.memory_space<vmem>>
    tpu.enqueue_dma source(%dma_start3A_353 : memref<128x128xf32, #tpu.memory_space<vmem>>) target(%dma_start3A_349 : memref<128x128xf32, #tpu.memory_space<hbm>>) target_semaphore(%dma_start3A_347 : memref<!tpu.dma_semaphore, #tpu.memory_space<semaphore_mem>>)
    %dma_wait3A_354 = arith.constant 3 : i32
    %dma_wait3A_355 = arith.constant 3 : i32
    %dma_wait3A_356 = arith.constant 0 : i32
    %dma_wait3A_357 = arith.constant 0 : i32
    %dma_wait3A_358 = tpu.memref_slice %arg6[%dma_wait3A_354, %dma_wait3A_356, %dma_wait3A_357] : memref<4x128x128xf32, #tpu.memory_space<vmem>> -> memref<1x128x128xf32, #tpu.memory_space<vmem>>
    %dma_wait3A_359 = tpu.memref_squeeze %dma_wait3A_358 : memref<1x128x128xf32, #tpu.memory_space<vmem>> -> memref<128x128xf32, #tpu.memory_space<vmem>>
    %dma_wait3A_360 = arith.constant 0 : i32
    %dma_wait3A_361 = tpu.memref_slice %arg4[%add3A_273, %dma_wait3A_360] : memref<65536x128xf32, #tpu.memory_space<hbm>> -> memref<128x128xf32, #tpu.memory_space<hbm>>
    %dma_wait3A_362 = tpu.memref_slice %arg9[%dma_wait3A_355] : memref<4x!tpu.dma_semaphore, #tpu.memory_space<semaphore_mem>> -> memref<1x!tpu.dma_semaphore, #tpu.memory_space<semaphore_mem>>
    %dma_wait3A_363 = tpu.memref_squeeze %dma_wait3A_362 : memref<1x!tpu.dma_semaphore, #tpu.memory_space<semaphore_mem>> -> memref<!tpu.dma_semaphore, #tpu.memory_space<semaphore_mem>>
    %dma_wait3A_364 = arith.constant 0 : i32
    %dma_wait3A_365 = tpu.memref_slice %arg4[%add3A_273, %dma_wait3A_364] : memref<65536x128xf32, #tpu.memory_space<hbm>> -> memref<128x128xf32, #tpu.memory_space<hbm>>
    %dma_wait3A_366 = arith.constant 0 : i32
    %dma_wait3A_367 = arith.constant 0 : i32
    %dma_wait3A_368 = tpu.memref_slice %arg6[%dma_wait3A_354, %dma_wait3A_366, %dma_wait3A_367] : memref<4x128x128xf32, #tpu.memory_space<vmem>> -> memref<1x128x128xf32, #tpu.memory_space<vmem>>
    %dma_wait3A_369 = tpu.memref_squeeze %dma_wait3A_368 : memref<1x128x128xf32, #tpu.memory_space<vmem>> -> memref<128x128xf32, #tpu.memory_space<vmem>>
    tpu.wait_dma2 semaphore(%dma_wait3A_363 : memref<!tpu.dma_semaphore, #tpu.memory_space<semaphore_mem>>) src(%dma_wait3A_369 : memref<128x128xf32, #tpu.memory_space<vmem>>) dst(%dma_wait3A_365 : memref<128x128xf32, #tpu.memory_space<hbm>>)
    %dma_start3A_370 = arith.constant 7 : i32
    %dma_start3A_371 = arith.constant 3 : i32
    %dma_start3A_372 = arith.constant 3 : i32
    %dma_start3A_373 = arith.constant 0 : i32
    %dma_start3A_374 = arith.constant 0 : i32
    %dma_start3A_375 = tpu.memref_slice %arg6[%dma_start3A_371, %dma_start3A_373, %dma_start3A_374] : memref<4x128x128xf32, #tpu.memory_space<vmem>> -> memref<1x128x128xf32, #tpu.memory_space<vmem>>
    %dma_start3A_376 = tpu.memref_squeeze %dma_start3A_375 : memref<1x128x128xf32, #tpu.memory_space<vmem>> -> memref<128x128xf32, #tpu.memory_space<vmem>>
    %dma_start3A_377 = arith.constant 0 : i32
    %dma_start3A_378 = tpu.memref_slice %arg5[%dma_start3A_370, %dma_start3A_377] : memref<16x128xi32, #tpu.memory_space<vmem>> -> memref<1x128xi32, #tpu.memory_space<vmem>>
    %dma_start3A_379 = tpu.memref_squeeze %dma_start3A_378 : memref<1x128xi32, #tpu.memory_space<vmem>> -> memref<128xi32, #tpu.memory_space<vmem>>
    %dma_start3A_380 = arith.constant 0 : i32
    %dma_start3A_381 = arith.constant 0 : i32
    %dma_start3A_382 = tpu.memref_slice %arg7[%dma_start3A_380, %dma_start3A_381] : memref<2048x128xf32, #tpu.memory_space<vmem_shared>> -> memref<2048x128xf32, #tpu.memory_space<vmem_shared>>
    %dma_start3A_383 = tpu.memref_slice %arg8[%dma_start3A_372] : memref<4x!tpu.dma_semaphore, #tpu.memory_space<semaphore_mem>> -> memref<1x!tpu.dma_semaphore, #tpu.memory_space<semaphore_mem>>
    %dma_start3A_384 = tpu.memref_squeeze %dma_start3A_383 : memref<1x!tpu.dma_semaphore, #tpu.memory_space<semaphore_mem>> -> memref<!tpu.dma_semaphore, #tpu.memory_space<semaphore_mem>>
    tpu.enqueue_indirect_dma source(%dma_start3A_382 : memref<2048x128xf32, #tpu.memory_space<vmem_shared>>) target(%dma_start3A_376 : memref<128x128xf32, #tpu.memory_space<vmem>>) offsets(%dma_start3A_379 : memref<128xi32, #tpu.memory_space<vmem>>) semaphore(%dma_start3A_384 : memref<!tpu.dma_semaphore, #tpu.memory_space<semaphore_mem>>)
    %dma_wait3A_385 = arith.constant 5 : i32
    %dma_wait3A_386 = arith.constant 1 : i32
    %dma_wait3A_387 = arith.constant 1 : i32
    %dma_wait3A_388 = arith.constant 0 : i32
    %dma_wait3A_389 = arith.constant 0 : i32
    %dma_wait3A_390 = tpu.memref_slice %arg6[%dma_wait3A_386, %dma_wait3A_388, %dma_wait3A_389] : memref<4x128x128xf32, #tpu.memory_space<vmem>> -> memref<1x128x128xf32, #tpu.memory_space<vmem>>
    %dma_wait3A_391 = tpu.memref_squeeze %dma_wait3A_390 : memref<1x128x128xf32, #tpu.memory_space<vmem>> -> memref<128x128xf32, #tpu.memory_space<vmem>>
    %dma_wait3A_392 = arith.constant 0 : i32
    %dma_wait3A_393 = tpu.memref_slice %arg5[%dma_wait3A_385, %dma_wait3A_392] : memref<16x128xi32, #tpu.memory_space<vmem>> -> memref<1x128xi32, #tpu.memory_space<vmem>>
    %dma_wait3A_394 = tpu.memref_squeeze %dma_wait3A_393 : memref<1x128xi32, #tpu.memory_space<vmem>> -> memref<128xi32, #tpu.memory_space<vmem>>
    %dma_wait3A_395 = arith.constant 0 : i32
    %dma_wait3A_396 = arith.constant 0 : i32
    %dma_wait3A_397 = tpu.memref_slice %arg7[%dma_wait3A_395, %dma_wait3A_396] : memref<2048x128xf32, #tpu.memory_space<vmem_shared>> -> memref<2048x128xf32, #tpu.memory_space<vmem_shared>>
    %dma_wait3A_398 = tpu.memref_slice %arg8[%dma_wait3A_387] : memref<4x!tpu.dma_semaphore, #tpu.memory_space<semaphore_mem>> -> memref<1x!tpu.dma_semaphore, #tpu.memory_space<semaphore_mem>>
    %dma_wait3A_399 = tpu.memref_squeeze %dma_wait3A_398 : memref<1x!tpu.dma_semaphore, #tpu.memory_space<semaphore_mem>> -> memref<!tpu.dma_semaphore, #tpu.memory_space<semaphore_mem>>
    tpu.wait_indirect_dma semaphore(%dma_wait3A_399 : memref<!tpu.dma_semaphore, #tpu.memory_space<semaphore_mem>>) src(%dma_wait3A_397 : memref<2048x128xf32, #tpu.memory_space<vmem_shared>>) dst(%dma_wait3A_391 : memref<128x128xf32, #tpu.memory_space<vmem>>)
    %add3A_400 = arith.constant 640 : i32
    %add3A_401 = arith.addi %add3A_35, %add3A_400 : i32
    %dma_start3A_402 = arith.constant 1 : i32
    %dma_start3A_403 = arith.constant 1 : i32
    %dma_start3A_404 = arith.constant 0 : i32
    %dma_start3A_405 = arith.constant 0 : i32
    %dma_start3A_406 = tpu.memref_slice %arg6[%dma_start3A_402, %dma_start3A_404, %dma_start3A_405] : memref<4x128x128xf32, #tpu.memory_space<vmem>> -> memref<1x128x128xf32, #tpu.memory_space<vmem>>
    %dma_start3A_407 = tpu.memref_squeeze %dma_start3A_406 : memref<1x128x128xf32, #tpu.memory_space<vmem>> -> memref<128x128xf32, #tpu.memory_space<vmem>>
    %dma_start3A_408 = arith.constant 0 : i32
    %dma_start3A_409 = tpu.memref_slice %arg4[%add3A_401, %dma_start3A_408] : memref<65536x128xf32, #tpu.memory_space<hbm>> -> memref<128x128xf32, #tpu.memory_space<hbm>>
    %dma_start3A_410 = tpu.memref_slice %arg9[%dma_start3A_403] : memref<4x!tpu.dma_semaphore, #tpu.memory_space<semaphore_mem>> -> memref<1x!tpu.dma_semaphore, #tpu.memory_space<semaphore_mem>>
    %dma_start3A_411 = tpu.memref_squeeze %dma_start3A_410 : memref<1x!tpu.dma_semaphore, #tpu.memory_space<semaphore_mem>> -> memref<!tpu.dma_semaphore, #tpu.memory_space<semaphore_mem>>
    %dma_start3A_412 = arith.constant 0 : i32
    %dma_start3A_413 = tpu.memref_slice %arg4[%add3A_401, %dma_start3A_412] : memref<65536x128xf32, #tpu.memory_space<hbm>> -> memref<128x128xf32, #tpu.memory_space<hbm>>
    %dma_start3A_414 = arith.constant 0 : i32
    %dma_start3A_415 = arith.constant 0 : i32
    %dma_start3A_416 = tpu.memref_slice %arg6[%dma_start3A_402, %dma_start3A_414, %dma_start3A_415] : memref<4x128x128xf32, #tpu.memory_space<vmem>> -> memref<1x128x128xf32, #tpu.memory_space<vmem>>
    %dma_start3A_417 = tpu.memref_squeeze %dma_start3A_416 : memref<1x128x128xf32, #tpu.memory_space<vmem>> -> memref<128x128xf32, #tpu.memory_space<vmem>>
    tpu.enqueue_dma source(%dma_start3A_417 : memref<128x128xf32, #tpu.memory_space<vmem>>) target(%dma_start3A_413 : memref<128x128xf32, #tpu.memory_space<hbm>>) target_semaphore(%dma_start3A_411 : memref<!tpu.dma_semaphore, #tpu.memory_space<semaphore_mem>>)
    %dma_wait3A_418 = arith.constant 0 : i32
    %dma_wait3A_419 = arith.constant 0 : i32
    %dma_wait3A_420 = arith.constant 0 : i32
    %dma_wait3A_421 = arith.constant 0 : i32
    %dma_wait3A_422 = tpu.memref_slice %arg6[%dma_wait3A_418, %dma_wait3A_420, %dma_wait3A_421] : memref<4x128x128xf32, #tpu.memory_space<vmem>> -> memref<1x128x128xf32, #tpu.memory_space<vmem>>
    %dma_wait3A_423 = tpu.memref_squeeze %dma_wait3A_422 : memref<1x128x128xf32, #tpu.memory_space<vmem>> -> memref<128x128xf32, #tpu.memory_space<vmem>>
    %dma_wait3A_424 = arith.constant 0 : i32
    %dma_wait3A_425 = tpu.memref_slice %arg4[%add3A_337, %dma_wait3A_424] : memref<65536x128xf32, #tpu.memory_space<hbm>> -> memref<128x128xf32, #tpu.memory_space<hbm>>
    %dma_wait3A_426 = tpu.memref_slice %arg9[%dma_wait3A_419] : memref<4x!tpu.dma_semaphore, #tpu.memory_space<semaphore_mem>> -> memref<1x!tpu.dma_semaphore, #tpu.memory_space<semaphore_mem>>
    %dma_wait3A_427 = tpu.memref_squeeze %dma_wait3A_426 : memref<1x!tpu.dma_semaphore, #tpu.memory_space<semaphore_mem>> -> memref<!tpu.dma_semaphore, #tpu.memory_space<semaphore_mem>>
    %dma_wait3A_428 = arith.constant 0 : i32
    %dma_wait3A_429 = tpu.memref_slice %arg4[%add3A_337, %dma_wait3A_428] : memref<65536x128xf32, #tpu.memory_space<hbm>> -> memref<128x128xf32, #tpu.memory_space<hbm>>
    %dma_wait3A_430 = arith.constant 0 : i32
    %dma_wait3A_431 = arith.constant 0 : i32
    %dma_wait3A_432 = tpu.memref_slice %arg6[%dma_wait3A_418, %dma_wait3A_430, %dma_wait3A_431] : memref<4x128x128xf32, #tpu.memory_space<vmem>> -> memref<1x128x128xf32, #tpu.memory_space<vmem>>
    %dma_wait3A_433 = tpu.memref_squeeze %dma_wait3A_432 : memref<1x128x128xf32, #tpu.memory_space<vmem>> -> memref<128x128xf32, #tpu.memory_space<vmem>>
    tpu.wait_dma2 semaphore(%dma_wait3A_427 : memref<!tpu.dma_semaphore, #tpu.memory_space<semaphore_mem>>) src(%dma_wait3A_433 : memref<128x128xf32, #tpu.memory_space<vmem>>) dst(%dma_wait3A_429 : memref<128x128xf32, #tpu.memory_space<hbm>>)
    %dma_start3A_434 = arith.constant 8 : i32
    %dma_start3A_435 = arith.constant 0 : i32
    %dma_start3A_436 = arith.constant 0 : i32
    %dma_start3A_437 = arith.constant 0 : i32
    %dma_start3A_438 = arith.constant 0 : i32
    %dma_start3A_439 = tpu.memref_slice %arg6[%dma_start3A_435, %dma_start3A_437, %dma_start3A_438] : memref<4x128x128xf32, #tpu.memory_space<vmem>> -> memref<1x128x128xf32, #tpu.memory_space<vmem>>
    %dma_start3A_440 = tpu.memref_squeeze %dma_start3A_439 : memref<1x128x128xf32, #tpu.memory_space<vmem>> -> memref<128x128xf32, #tpu.memory_space<vmem>>
    %dma_start3A_441 = arith.constant 0 : i32
    %dma_start3A_442 = tpu.memref_slice %arg5[%dma_start3A_434, %dma_start3A_441] : memref<16x128xi32, #tpu.memory_space<vmem>> -> memref<1x128xi32, #tpu.memory_space<vmem>>
    %dma_start3A_443 = tpu.memref_squeeze %dma_start3A_442 : memref<1x128xi32, #tpu.memory_space<vmem>> -> memref<128xi32, #tpu.memory_space<vmem>>
    %dma_start3A_444 = arith.constant 0 : i32
    %dma_start3A_445 = arith.constant 0 : i32
    %dma_start3A_446 = tpu.memref_slice %arg7[%dma_start3A_444, %dma_start3A_445] : memref<2048x128xf32, #tpu.memory_space<vmem_shared>> -> memref<2048x128xf32, #tpu.memory_space<vmem_shared>>
    %dma_start3A_447 = tpu.memref_slice %arg8[%dma_start3A_436] : memref<4x!tpu.dma_semaphore, #tpu.memory_space<semaphore_mem>> -> memref<1x!tpu.dma_semaphore, #tpu.memory_space<semaphore_mem>>
    %dma_start3A_448 = tpu.memref_squeeze %dma_start3A_447 : memref<1x!tpu.dma_semaphore, #tpu.memory_space<semaphore_mem>> -> memref<!tpu.dma_semaphore, #tpu.memory_space<semaphore_mem>>
    tpu.enqueue_indirect_dma source(%dma_start3A_446 : memref<2048x128xf32, #tpu.memory_space<vmem_shared>>) target(%dma_start3A_440 : memref<128x128xf32, #tpu.memory_space<vmem>>) offsets(%dma_start3A_443 : memref<128xi32, #tpu.memory_space<vmem>>) semaphore(%dma_start3A_448 : memref<!tpu.dma_semaphore, #tpu.memory_space<semaphore_mem>>)
    %dma_wait3A_449 = arith.constant 6 : i32
    %dma_wait3A_450 = arith.constant 2 : i32
    %dma_wait3A_451 = arith.constant 2 : i32
    %dma_wait3A_452 = arith.constant 0 : i32
    %dma_wait3A_453 = arith.constant 0 : i32
    %dma_wait3A_454 = tpu.memref_slice %arg6[%dma_wait3A_450, %dma_wait3A_452, %dma_wait3A_453] : memref<4x128x128xf32, #tpu.memory_space<vmem>> -> memref<1x128x128xf32, #tpu.memory_space<vmem>>
    %dma_wait3A_455 = tpu.memref_squeeze %dma_wait3A_454 : memref<1x128x128xf32, #tpu.memory_space<vmem>> -> memref<128x128xf32, #tpu.memory_space<vmem>>
    %dma_wait3A_456 = arith.constant 0 : i32
    %dma_wait3A_457 = tpu.memref_slice %arg5[%dma_wait3A_449, %dma_wait3A_456] : memref<16x128xi32, #tpu.memory_space<vmem>> -> memref<1x128xi32, #tpu.memory_space<vmem>>
    %dma_wait3A_458 = tpu.memref_squeeze %dma_wait3A_457 : memref<1x128xi32, #tpu.memory_space<vmem>> -> memref<128xi32, #tpu.memory_space<vmem>>
    %dma_wait3A_459 = arith.constant 0 : i32
    %dma_wait3A_460 = arith.constant 0 : i32
    %dma_wait3A_461 = tpu.memref_slice %arg7[%dma_wait3A_459, %dma_wait3A_460] : memref<2048x128xf32, #tpu.memory_space<vmem_shared>> -> memref<2048x128xf32, #tpu.memory_space<vmem_shared>>
    %dma_wait3A_462 = tpu.memref_slice %arg8[%dma_wait3A_451] : memref<4x!tpu.dma_semaphore, #tpu.memory_space<semaphore_mem>> -> memref<1x!tpu.dma_semaphore, #tpu.memory_space<semaphore_mem>>
    %dma_wait3A_463 = tpu.memref_squeeze %dma_wait3A_462 : memref<1x!tpu.dma_semaphore, #tpu.memory_space<semaphore_mem>> -> memref<!tpu.dma_semaphore, #tpu.memory_space<semaphore_mem>>
    tpu.wait_indirect_dma semaphore(%dma_wait3A_463 : memref<!tpu.dma_semaphore, #tpu.memory_space<semaphore_mem>>) src(%dma_wait3A_461 : memref<2048x128xf32, #tpu.memory_space<vmem_shared>>) dst(%dma_wait3A_455 : memref<128x128xf32, #tpu.memory_space<vmem>>)
    %add3A_464 = arith.constant 768 : i32
    %add3A_465 = arith.addi %add3A_35, %add3A_464 : i32
    %dma_start3A_466 = arith.constant 2 : i32
    %dma_start3A_467 = arith.constant 2 : i32
    %dma_start3A_468 = arith.constant 0 : i32
    %dma_start3A_469 = arith.constant 0 : i32
    %dma_start3A_470 = tpu.memref_slice %arg6[%dma_start3A_466, %dma_start3A_468, %dma_start3A_469] : memref<4x128x128xf32, #tpu.memory_space<vmem>> -> memref<1x128x128xf32, #tpu.memory_space<vmem>>
    %dma_start3A_471 = tpu.memref_squeeze %dma_start3A_470 : memref<1x128x128xf32, #tpu.memory_space<vmem>> -> memref<128x128xf32, #tpu.memory_space<vmem>>
    %dma_start3A_472 = arith.constant 0 : i32
    %dma_start3A_473 = tpu.memref_slice %arg4[%add3A_465, %dma_start3A_472] : memref<65536x128xf32, #tpu.memory_space<hbm>> -> memref<128x128xf32, #tpu.memory_space<hbm>>
    %dma_start3A_474 = tpu.memref_slice %arg9[%dma_start3A_467] : memref<4x!tpu.dma_semaphore, #tpu.memory_space<semaphore_mem>> -> memref<1x!tpu.dma_semaphore, #tpu.memory_space<semaphore_mem>>
    %dma_start3A_475 = tpu.memref_squeeze %dma_start3A_474 : memref<1x!tpu.dma_semaphore, #tpu.memory_space<semaphore_mem>> -> memref<!tpu.dma_semaphore, #tpu.memory_space<semaphore_mem>>
    %dma_start3A_476 = arith.constant 0 : i32
    %dma_start3A_477 = tpu.memref_slice %arg4[%add3A_465, %dma_start3A_476] : memref<65536x128xf32, #tpu.memory_space<hbm>> -> memref<128x128xf32, #tpu.memory_space<hbm>>
    %dma_start3A_478 = arith.constant 0 : i32
    %dma_start3A_479 = arith.constant 0 : i32
    %dma_start3A_480 = tpu.memref_slice %arg6[%dma_start3A_466, %dma_start3A_478, %dma_start3A_479] : memref<4x128x128xf32, #tpu.memory_space<vmem>> -> memref<1x128x128xf32, #tpu.memory_space<vmem>>
    %dma_start3A_481 = tpu.memref_squeeze %dma_start3A_480 : memref<1x128x128xf32, #tpu.memory_space<vmem>> -> memref<128x128xf32, #tpu.memory_space<vmem>>
    tpu.enqueue_dma source(%dma_start3A_481 : memref<128x128xf32, #tpu.memory_space<vmem>>) target(%dma_start3A_477 : memref<128x128xf32, #tpu.memory_space<hbm>>) target_semaphore(%dma_start3A_475 : memref<!tpu.dma_semaphore, #tpu.memory_space<semaphore_mem>>)
    %dma_wait3A_482 = arith.constant 1 : i32
    %dma_wait3A_483 = arith.constant 1 : i32
    %dma_wait3A_484 = arith.constant 0 : i32
    %dma_wait3A_485 = arith.constant 0 : i32
    %dma_wait3A_486 = tpu.memref_slice %arg6[%dma_wait3A_482, %dma_wait3A_484, %dma_wait3A_485] : memref<4x128x128xf32, #tpu.memory_space<vmem>> -> memref<1x128x128xf32, #tpu.memory_space<vmem>>
    %dma_wait3A_487 = tpu.memref_squeeze %dma_wait3A_486 : memref<1x128x128xf32, #tpu.memory_space<vmem>> -> memref<128x128xf32, #tpu.memory_space<vmem>>
    %dma_wait3A_488 = arith.constant 0 : i32
    %dma_wait3A_489 = tpu.memref_slice %arg4[%add3A_401, %dma_wait3A_488] : memref<65536x128xf32, #tpu.memory_space<hbm>> -> memref<128x128xf32, #tpu.memory_space<hbm>>
    %dma_wait3A_490 = tpu.memref_slice %arg9[%dma_wait3A_483] : memref<4x!tpu.dma_semaphore, #tpu.memory_space<semaphore_mem>> -> memref<1x!tpu.dma_semaphore, #tpu.memory_space<semaphore_mem>>
    %dma_wait3A_491 = tpu.memref_squeeze %dma_wait3A_490 : memref<1x!tpu.dma_semaphore, #tpu.memory_space<semaphore_mem>> -> memref<!tpu.dma_semaphore, #tpu.memory_space<semaphore_mem>>
    %dma_wait3A_492 = arith.constant 0 : i32
    %dma_wait3A_493 = tpu.memref_slice %arg4[%add3A_401, %dma_wait3A_492] : memref<65536x128xf32, #tpu.memory_space<hbm>> -> memref<128x128xf32, #tpu.memory_space<hbm>>
    %dma_wait3A_494 = arith.constant 0 : i32
    %dma_wait3A_495 = arith.constant 0 : i32
    %dma_wait3A_496 = tpu.memref_slice %arg6[%dma_wait3A_482, %dma_wait3A_494, %dma_wait3A_495] : memref<4x128x128xf32, #tpu.memory_space<vmem>> -> memref<1x128x128xf32, #tpu.memory_space<vmem>>
    %dma_wait3A_497 = tpu.memref_squeeze %dma_wait3A_496 : memref<1x128x128xf32, #tpu.memory_space<vmem>> -> memref<128x128xf32, #tpu.memory_space<vmem>>
    tpu.wait_dma2 semaphore(%dma_wait3A_491 : memref<!tpu.dma_semaphore, #tpu.memory_space<semaphore_mem>>) src(%dma_wait3A_497 : memref<128x128xf32, #tpu.memory_space<vmem>>) dst(%dma_wait3A_493 : memref<128x128xf32, #tpu.memory_space<hbm>>)
    %dma_start3A_498 = arith.constant 9 : i32
    %dma_start3A_499 = arith.constant 1 : i32
    %dma_start3A_500 = arith.constant 1 : i32
    %dma_start3A_501 = arith.constant 0 : i32
    %dma_start3A_502 = arith.constant 0 : i32
    %dma_start3A_503 = tpu.memref_slice %arg6[%dma_start3A_499, %dma_start3A_501, %dma_start3A_502] : memref<4x128x128xf32, #tpu.memory_space<vmem>> -> memref<1x128x128xf32, #tpu.memory_space<vmem>>
    %dma_start3A_504 = tpu.memref_squeeze %dma_start3A_503 : memref<1x128x128xf32, #tpu.memory_space<vmem>> -> memref<128x128xf32, #tpu.memory_space<vmem>>
    %dma_start3A_505 = arith.constant 0 : i32
    %dma_start3A_506 = tpu.memref_slice %arg5[%dma_start3A_498, %dma_start3A_505] : memref<16x128xi32, #tpu.memory_space<vmem>> -> memref<1x128xi32, #tpu.memory_space<vmem>>
    %dma_start3A_507 = tpu.memref_squeeze %dma_start3A_506 : memref<1x128xi32, #tpu.memory_space<vmem>> -> memref<128xi32, #tpu.memory_space<vmem>>
    %dma_start3A_508 = arith.constant 0 : i32
    %dma_start3A_509 = arith.constant 0 : i32
    %dma_start3A_510 = tpu.memref_slice %arg7[%dma_start3A_508, %dma_start3A_509] : memref<2048x128xf32, #tpu.memory_space<vmem_shared>> -> memref<2048x128xf32, #tpu.memory_space<vmem_shared>>
    %dma_start3A_511 = tpu.memref_slice %arg8[%dma_start3A_500] : memref<4x!tpu.dma_semaphore, #tpu.memory_space<semaphore_mem>> -> memref<1x!tpu.dma_semaphore, #tpu.memory_space<semaphore_mem>>
    %dma_start3A_512 = tpu.memref_squeeze %dma_start3A_511 : memref<1x!tpu.dma_semaphore, #tpu.memory_space<semaphore_mem>> -> memref<!tpu.dma_semaphore, #tpu.memory_space<semaphore_mem>>
    tpu.enqueue_indirect_dma source(%dma_start3A_510 : memref<2048x128xf32, #tpu.memory_space<vmem_shared>>) target(%dma_start3A_504 : memref<128x128xf32, #tpu.memory_space<vmem>>) offsets(%dma_start3A_507 : memref<128xi32, #tpu.memory_space<vmem>>) semaphore(%dma_start3A_512 : memref<!tpu.dma_semaphore, #tpu.memory_space<semaphore_mem>>)
    %dma_wait3A_513 = arith.constant 7 : i32
    %dma_wait3A_514 = arith.constant 3 : i32
    %dma_wait3A_515 = arith.constant 3 : i32
    %dma_wait3A_516 = arith.constant 0 : i32
    %dma_wait3A_517 = arith.constant 0 : i32
    %dma_wait3A_518 = tpu.memref_slice %arg6[%dma_wait3A_514, %dma_wait3A_516, %dma_wait3A_517] : memref<4x128x128xf32, #tpu.memory_space<vmem>> -> memref<1x128x128xf32, #tpu.memory_space<vmem>>
    %dma_wait3A_519 = tpu.memref_squeeze %dma_wait3A_518 : memref<1x128x128xf32, #tpu.memory_space<vmem>> -> memref<128x128xf32, #tpu.memory_space<vmem>>
    %dma_wait3A_520 = arith.constant 0 : i32
    %dma_wait3A_521 = tpu.memref_slice %arg5[%dma_wait3A_513, %dma_wait3A_520] : memref<16x128xi32, #tpu.memory_space<vmem>> -> memref<1x128xi32, #tpu.memory_space<vmem>>
    %dma_wait3A_522 = tpu.memref_squeeze %dma_wait3A_521 : memref<1x128xi32, #tpu.memory_space<vmem>> -> memref<128xi32, #tpu.memory_space<vmem>>
    %dma_wait3A_523 = arith.constant 0 : i32
    %dma_wait3A_524 = arith.constant 0 : i32
    %dma_wait3A_525 = tpu.memref_slice %arg7[%dma_wait3A_523, %dma_wait3A_524] : memref<2048x128xf32, #tpu.memory_space<vmem_shared>> -> memref<2048x128xf32, #tpu.memory_space<vmem_shared>>
    %dma_wait3A_526 = tpu.memref_slice %arg8[%dma_wait3A_515] : memref<4x!tpu.dma_semaphore, #tpu.memory_space<semaphore_mem>> -> memref<1x!tpu.dma_semaphore, #tpu.memory_space<semaphore_mem>>
    %dma_wait3A_527 = tpu.memref_squeeze %dma_wait3A_526 : memref<1x!tpu.dma_semaphore, #tpu.memory_space<semaphore_mem>> -> memref<!tpu.dma_semaphore, #tpu.memory_space<semaphore_mem>>
    tpu.wait_indirect_dma semaphore(%dma_wait3A_527 : memref<!tpu.dma_semaphore, #tpu.memory_space<semaphore_mem>>) src(%dma_wait3A_525 : memref<2048x128xf32, #tpu.memory_space<vmem_shared>>) dst(%dma_wait3A_519 : memref<128x128xf32, #tpu.memory_space<vmem>>)
    %add3A_528 = arith.constant 896 : i32
    %add3A_529 = arith.addi %add3A_35, %add3A_528 : i32
    %dma_start3A_530 = arith.constant 3 : i32
    %dma_start3A_531 = arith.constant 3 : i32
    %dma_start3A_532 = arith.constant 0 : i32
    %dma_start3A_533 = arith.constant 0 : i32
    %dma_start3A_534 = tpu.memref_slice %arg6[%dma_start3A_530, %dma_start3A_532, %dma_start3A_533] : memref<4x128x128xf32, #tpu.memory_space<vmem>> -> memref<1x128x128xf32, #tpu.memory_space<vmem>>
    %dma_start3A_535 = tpu.memref_squeeze %dma_start3A_534 : memref<1x128x128xf32, #tpu.memory_space<vmem>> -> memref<128x128xf32, #tpu.memory_space<vmem>>
    %dma_start3A_536 = arith.constant 0 : i32
    %dma_start3A_537 = tpu.memref_slice %arg4[%add3A_529, %dma_start3A_536] : memref<65536x128xf32, #tpu.memory_space<hbm>> -> memref<128x128xf32, #tpu.memory_space<hbm>>
    %dma_start3A_538 = tpu.memref_slice %arg9[%dma_start3A_531] : memref<4x!tpu.dma_semaphore, #tpu.memory_space<semaphore_mem>> -> memref<1x!tpu.dma_semaphore, #tpu.memory_space<semaphore_mem>>
    %dma_start3A_539 = tpu.memref_squeeze %dma_start3A_538 : memref<1x!tpu.dma_semaphore, #tpu.memory_space<semaphore_mem>> -> memref<!tpu.dma_semaphore, #tpu.memory_space<semaphore_mem>>
    %dma_start3A_540 = arith.constant 0 : i32
    %dma_start3A_541 = tpu.memref_slice %arg4[%add3A_529, %dma_start3A_540] : memref<65536x128xf32, #tpu.memory_space<hbm>> -> memref<128x128xf32, #tpu.memory_space<hbm>>
    %dma_start3A_542 = arith.constant 0 : i32
    %dma_start3A_543 = arith.constant 0 : i32
    %dma_start3A_544 = tpu.memref_slice %arg6[%dma_start3A_530, %dma_start3A_542, %dma_start3A_543] : memref<4x128x128xf32, #tpu.memory_space<vmem>> -> memref<1x128x128xf32, #tpu.memory_space<vmem>>
    %dma_start3A_545 = tpu.memref_squeeze %dma_start3A_544 : memref<1x128x128xf32, #tpu.memory_space<vmem>> -> memref<128x128xf32, #tpu.memory_space<vmem>>
    tpu.enqueue_dma source(%dma_start3A_545 : memref<128x128xf32, #tpu.memory_space<vmem>>) target(%dma_start3A_541 : memref<128x128xf32, #tpu.memory_space<hbm>>) target_semaphore(%dma_start3A_539 : memref<!tpu.dma_semaphore, #tpu.memory_space<semaphore_mem>>)
    %dma_wait3A_546 = arith.constant 2 : i32
    %dma_wait3A_547 = arith.constant 2 : i32
    %dma_wait3A_548 = arith.constant 0 : i32
    %dma_wait3A_549 = arith.constant 0 : i32
    %dma_wait3A_550 = tpu.memref_slice %arg6[%dma_wait3A_546, %dma_wait3A_548, %dma_wait3A_549] : memref<4x128x128xf32, #tpu.memory_space<vmem>> -> memref<1x128x128xf32, #tpu.memory_space<vmem>>
    %dma_wait3A_551 = tpu.memref_squeeze %dma_wait3A_550 : memref<1x128x128xf32, #tpu.memory_space<vmem>> -> memref<128x128xf32, #tpu.memory_space<vmem>>
    %dma_wait3A_552 = arith.constant 0 : i32
    %dma_wait3A_553 = tpu.memref_slice %arg4[%add3A_465, %dma_wait3A_552] : memref<65536x128xf32, #tpu.memory_space<hbm>> -> memref<128x128xf32, #tpu.memory_space<hbm>>
    %dma_wait3A_554 = tpu.memref_slice %arg9[%dma_wait3A_547] : memref<4x!tpu.dma_semaphore, #tpu.memory_space<semaphore_mem>> -> memref<1x!tpu.dma_semaphore, #tpu.memory_space<semaphore_mem>>
    %dma_wait3A_555 = tpu.memref_squeeze %dma_wait3A_554 : memref<1x!tpu.dma_semaphore, #tpu.memory_space<semaphore_mem>> -> memref<!tpu.dma_semaphore, #tpu.memory_space<semaphore_mem>>
    %dma_wait3A_556 = arith.constant 0 : i32
    %dma_wait3A_557 = tpu.memref_slice %arg4[%add3A_465, %dma_wait3A_556] : memref<65536x128xf32, #tpu.memory_space<hbm>> -> memref<128x128xf32, #tpu.memory_space<hbm>>
    %dma_wait3A_558 = arith.constant 0 : i32
    %dma_wait3A_559 = arith.constant 0 : i32
    %dma_wait3A_560 = tpu.memref_slice %arg6[%dma_wait3A_546, %dma_wait3A_558, %dma_wait3A_559] : memref<4x128x128xf32, #tpu.memory_space<vmem>> -> memref<1x128x128xf32, #tpu.memory_space<vmem>>
    %dma_wait3A_561 = tpu.memref_squeeze %dma_wait3A_560 : memref<1x128x128xf32, #tpu.memory_space<vmem>> -> memref<128x128xf32, #tpu.memory_space<vmem>>
    tpu.wait_dma2 semaphore(%dma_wait3A_555 : memref<!tpu.dma_semaphore, #tpu.memory_space<semaphore_mem>>) src(%dma_wait3A_561 : memref<128x128xf32, #tpu.memory_space<vmem>>) dst(%dma_wait3A_557 : memref<128x128xf32, #tpu.memory_space<hbm>>)
    %dma_start3A_562 = arith.constant 10 : i32
    %dma_start3A_563 = arith.constant 2 : i32
    %dma_start3A_564 = arith.constant 2 : i32
    %dma_start3A_565 = arith.constant 0 : i32
    %dma_start3A_566 = arith.constant 0 : i32
    %dma_start3A_567 = tpu.memref_slice %arg6[%dma_start3A_563, %dma_start3A_565, %dma_start3A_566] : memref<4x128x128xf32, #tpu.memory_space<vmem>> -> memref<1x128x128xf32, #tpu.memory_space<vmem>>
    %dma_start3A_568 = tpu.memref_squeeze %dma_start3A_567 : memref<1x128x128xf32, #tpu.memory_space<vmem>> -> memref<128x128xf32, #tpu.memory_space<vmem>>
    %dma_start3A_569 = arith.constant 0 : i32
    %dma_start3A_570 = tpu.memref_slice %arg5[%dma_start3A_562, %dma_start3A_569] : memref<16x128xi32, #tpu.memory_space<vmem>> -> memref<1x128xi32, #tpu.memory_space<vmem>>
    %dma_start3A_571 = tpu.memref_squeeze %dma_start3A_570 : memref<1x128xi32, #tpu.memory_space<vmem>> -> memref<128xi32, #tpu.memory_space<vmem>>
    %dma_start3A_572 = arith.constant 0 : i32
    %dma_start3A_573 = arith.constant 0 : i32
    %dma_start3A_574 = tpu.memref_slice %arg7[%dma_start3A_572, %dma_start3A_573] : memref<2048x128xf32, #tpu.memory_space<vmem_shared>> -> memref<2048x128xf32, #tpu.memory_space<vmem_shared>>
    %dma_start3A_575 = tpu.memref_slice %arg8[%dma_start3A_564] : memref<4x!tpu.dma_semaphore, #tpu.memory_space<semaphore_mem>> -> memref<1x!tpu.dma_semaphore, #tpu.memory_space<semaphore_mem>>
    %dma_start3A_576 = tpu.memref_squeeze %dma_start3A_575 : memref<1x!tpu.dma_semaphore, #tpu.memory_space<semaphore_mem>> -> memref<!tpu.dma_semaphore, #tpu.memory_space<semaphore_mem>>
    tpu.enqueue_indirect_dma source(%dma_start3A_574 : memref<2048x128xf32, #tpu.memory_space<vmem_shared>>) target(%dma_start3A_568 : memref<128x128xf32, #tpu.memory_space<vmem>>) offsets(%dma_start3A_571 : memref<128xi32, #tpu.memory_space<vmem>>) semaphore(%dma_start3A_576 : memref<!tpu.dma_semaphore, #tpu.memory_space<semaphore_mem>>)
    %dma_wait3A_577 = arith.constant 8 : i32
    %dma_wait3A_578 = arith.constant 0 : i32
    %dma_wait3A_579 = arith.constant 0 : i32
    %dma_wait3A_580 = arith.constant 0 : i32
    %dma_wait3A_581 = arith.constant 0 : i32
    %dma_wait3A_582 = tpu.memref_slice %arg6[%dma_wait3A_578, %dma_wait3A_580, %dma_wait3A_581] : memref<4x128x128xf32, #tpu.memory_space<vmem>> -> memref<1x128x128xf32, #tpu.memory_space<vmem>>
    %dma_wait3A_583 = tpu.memref_squeeze %dma_wait3A_582 : memref<1x128x128xf32, #tpu.memory_space<vmem>> -> memref<128x128xf32, #tpu.memory_space<vmem>>
    %dma_wait3A_584 = arith.constant 0 : i32
    %dma_wait3A_585 = tpu.memref_slice %arg5[%dma_wait3A_577, %dma_wait3A_584] : memref<16x128xi32, #tpu.memory_space<vmem>> -> memref<1x128xi32, #tpu.memory_space<vmem>>
    %dma_wait3A_586 = tpu.memref_squeeze %dma_wait3A_585 : memref<1x128xi32, #tpu.memory_space<vmem>> -> memref<128xi32, #tpu.memory_space<vmem>>
    %dma_wait3A_587 = arith.constant 0 : i32
    %dma_wait3A_588 = arith.constant 0 : i32
    %dma_wait3A_589 = tpu.memref_slice %arg7[%dma_wait3A_587, %dma_wait3A_588] : memref<2048x128xf32, #tpu.memory_space<vmem_shared>> -> memref<2048x128xf32, #tpu.memory_space<vmem_shared>>
    %dma_wait3A_590 = tpu.memref_slice %arg8[%dma_wait3A_579] : memref<4x!tpu.dma_semaphore, #tpu.memory_space<semaphore_mem>> -> memref<1x!tpu.dma_semaphore, #tpu.memory_space<semaphore_mem>>
    %dma_wait3A_591 = tpu.memref_squeeze %dma_wait3A_590 : memref<1x!tpu.dma_semaphore, #tpu.memory_space<semaphore_mem>> -> memref<!tpu.dma_semaphore, #tpu.memory_space<semaphore_mem>>
    tpu.wait_indirect_dma semaphore(%dma_wait3A_591 : memref<!tpu.dma_semaphore, #tpu.memory_space<semaphore_mem>>) src(%dma_wait3A_589 : memref<2048x128xf32, #tpu.memory_space<vmem_shared>>) dst(%dma_wait3A_583 : memref<128x128xf32, #tpu.memory_space<vmem>>)
    %add3A_592 = arith.constant 1024 : i32
    %add3A_593 = arith.addi %add3A_35, %add3A_592 : i32
    %dma_start3A_594 = arith.constant 0 : i32
    %dma_start3A_595 = arith.constant 0 : i32
    %dma_start3A_596 = arith.constant 0 : i32
    %dma_start3A_597 = arith.constant 0 : i32
    %dma_start3A_598 = tpu.memref_slice %arg6[%dma_start3A_594, %dma_start3A_596, %dma_start3A_597] : memref<4x128x128xf32, #tpu.memory_space<vmem>> -> memref<1x128x128xf32, #tpu.memory_space<vmem>>
    %dma_start3A_599 = tpu.memref_squeeze %dma_start3A_598 : memref<1x128x128xf32, #tpu.memory_space<vmem>> -> memref<128x128xf32, #tpu.memory_space<vmem>>
    %dma_start3A_600 = arith.constant 0 : i32
    %dma_start3A_601 = tpu.memref_slice %arg4[%add3A_593, %dma_start3A_600] : memref<65536x128xf32, #tpu.memory_space<hbm>> -> memref<128x128xf32, #tpu.memory_space<hbm>>
    %dma_start3A_602 = tpu.memref_slice %arg9[%dma_start3A_595] : memref<4x!tpu.dma_semaphore, #tpu.memory_space<semaphore_mem>> -> memref<1x!tpu.dma_semaphore, #tpu.memory_space<semaphore_mem>>
    %dma_start3A_603 = tpu.memref_squeeze %dma_start3A_602 : memref<1x!tpu.dma_semaphore, #tpu.memory_space<semaphore_mem>> -> memref<!tpu.dma_semaphore, #tpu.memory_space<semaphore_mem>>
    %dma_start3A_604 = arith.constant 0 : i32
    %dma_start3A_605 = tpu.memref_slice %arg4[%add3A_593, %dma_start3A_604] : memref<65536x128xf32, #tpu.memory_space<hbm>> -> memref<128x128xf32, #tpu.memory_space<hbm>>
    %dma_start3A_606 = arith.constant 0 : i32
    %dma_start3A_607 = arith.constant 0 : i32
    %dma_start3A_608 = tpu.memref_slice %arg6[%dma_start3A_594, %dma_start3A_606, %dma_start3A_607] : memref<4x128x128xf32, #tpu.memory_space<vmem>> -> memref<1x128x128xf32, #tpu.memory_space<vmem>>
    %dma_start3A_609 = tpu.memref_squeeze %dma_start3A_608 : memref<1x128x128xf32, #tpu.memory_space<vmem>> -> memref<128x128xf32, #tpu.memory_space<vmem>>
    tpu.enqueue_dma source(%dma_start3A_609 : memref<128x128xf32, #tpu.memory_space<vmem>>) target(%dma_start3A_605 : memref<128x128xf32, #tpu.memory_space<hbm>>) target_semaphore(%dma_start3A_603 : memref<!tpu.dma_semaphore, #tpu.memory_space<semaphore_mem>>)
    %dma_wait3A_610 = arith.constant 3 : i32
    %dma_wait3A_611 = arith.constant 3 : i32
    %dma_wait3A_612 = arith.constant 0 : i32
    %dma_wait3A_613 = arith.constant 0 : i32
    %dma_wait3A_614 = tpu.memref_slice %arg6[%dma_wait3A_610, %dma_wait3A_612, %dma_wait3A_613] : memref<4x128x128xf32, #tpu.memory_space<vmem>> -> memref<1x128x128xf32, #tpu.memory_space<vmem>>
    %dma_wait3A_615 = tpu.memref_squeeze %dma_wait3A_614 : memref<1x128x128xf32, #tpu.memory_space<vmem>> -> memref<128x128xf32, #tpu.memory_space<vmem>>
    %dma_wait3A_616 = arith.constant 0 : i32
    %dma_wait3A_617 = tpu.memref_slice %arg4[%add3A_529, %dma_wait3A_616] : memref<65536x128xf32, #tpu.memory_space<hbm>> -> memref<128x128xf32, #tpu.memory_space<hbm>>
    %dma_wait3A_618 = tpu.memref_slice %arg9[%dma_wait3A_611] : memref<4x!tpu.dma_semaphore, #tpu.memory_space<semaphore_mem>> -> memref<1x!tpu.dma_semaphore, #tpu.memory_space<semaphore_mem>>
    %dma_wait3A_619 = tpu.memref_squeeze %dma_wait3A_618 : memref<1x!tpu.dma_semaphore, #tpu.memory_space<semaphore_mem>> -> memref<!tpu.dma_semaphore, #tpu.memory_space<semaphore_mem>>
    %dma_wait3A_620 = arith.constant 0 : i32
    %dma_wait3A_621 = tpu.memref_slice %arg4[%add3A_529, %dma_wait3A_620] : memref<65536x128xf32, #tpu.memory_space<hbm>> -> memref<128x128xf32, #tpu.memory_space<hbm>>
    %dma_wait3A_622 = arith.constant 0 : i32
    %dma_wait3A_623 = arith.constant 0 : i32
    %dma_wait3A_624 = tpu.memref_slice %arg6[%dma_wait3A_610, %dma_wait3A_622, %dma_wait3A_623] : memref<4x128x128xf32, #tpu.memory_space<vmem>> -> memref<1x128x128xf32, #tpu.memory_space<vmem>>
    %dma_wait3A_625 = tpu.memref_squeeze %dma_wait3A_624 : memref<1x128x128xf32, #tpu.memory_space<vmem>> -> memref<128x128xf32, #tpu.memory_space<vmem>>
    tpu.wait_dma2 semaphore(%dma_wait3A_619 : memref<!tpu.dma_semaphore, #tpu.memory_space<semaphore_mem>>) src(%dma_wait3A_625 : memref<128x128xf32, #tpu.memory_space<vmem>>) dst(%dma_wait3A_621 : memref<128x128xf32, #tpu.memory_space<hbm>>)
    %dma_start3A_626 = arith.constant 11 : i32
    %dma_start3A_627 = arith.constant 3 : i32
    %dma_start3A_628 = arith.constant 3 : i32
    %dma_start3A_629 = arith.constant 0 : i32
    %dma_start3A_630 = arith.constant 0 : i32
    %dma_start3A_631 = tpu.memref_slice %arg6[%dma_start3A_627, %dma_start3A_629, %dma_start3A_630] : memref<4x128x128xf32, #tpu.memory_space<vmem>> -> memref<1x128x128xf32, #tpu.memory_space<vmem>>
    %dma_start3A_632 = tpu.memref_squeeze %dma_start3A_631 : memref<1x128x128xf32, #tpu.memory_space<vmem>> -> memref<128x128xf32, #tpu.memory_space<vmem>>
    %dma_start3A_633 = arith.constant 0 : i32
    %dma_start3A_634 = tpu.memref_slice %arg5[%dma_start3A_626, %dma_start3A_633] : memref<16x128xi32, #tpu.memory_space<vmem>> -> memref<1x128xi32, #tpu.memory_space<vmem>>
    %dma_start3A_635 = tpu.memref_squeeze %dma_start3A_634 : memref<1x128xi32, #tpu.memory_space<vmem>> -> memref<128xi32, #tpu.memory_space<vmem>>
    %dma_start3A_636 = arith.constant 0 : i32
    %dma_start3A_637 = arith.constant 0 : i32
    %dma_start3A_638 = tpu.memref_slice %arg7[%dma_start3A_636, %dma_start3A_637] : memref<2048x128xf32, #tpu.memory_space<vmem_shared>> -> memref<2048x128xf32, #tpu.memory_space<vmem_shared>>
    %dma_start3A_639 = tpu.memref_slice %arg8[%dma_start3A_628] : memref<4x!tpu.dma_semaphore, #tpu.memory_space<semaphore_mem>> -> memref<1x!tpu.dma_semaphore, #tpu.memory_space<semaphore_mem>>
    %dma_start3A_640 = tpu.memref_squeeze %dma_start3A_639 : memref<1x!tpu.dma_semaphore, #tpu.memory_space<semaphore_mem>> -> memref<!tpu.dma_semaphore, #tpu.memory_space<semaphore_mem>>
    tpu.enqueue_indirect_dma source(%dma_start3A_638 : memref<2048x128xf32, #tpu.memory_space<vmem_shared>>) target(%dma_start3A_632 : memref<128x128xf32, #tpu.memory_space<vmem>>) offsets(%dma_start3A_635 : memref<128xi32, #tpu.memory_space<vmem>>) semaphore(%dma_start3A_640 : memref<!tpu.dma_semaphore, #tpu.memory_space<semaphore_mem>>)
    %dma_wait3A_641 = arith.constant 9 : i32
    %dma_wait3A_642 = arith.constant 1 : i32
    %dma_wait3A_643 = arith.constant 1 : i32
    %dma_wait3A_644 = arith.constant 0 : i32
    %dma_wait3A_645 = arith.constant 0 : i32
    %dma_wait3A_646 = tpu.memref_slice %arg6[%dma_wait3A_642, %dma_wait3A_644, %dma_wait3A_645] : memref<4x128x128xf32, #tpu.memory_space<vmem>> -> memref<1x128x128xf32, #tpu.memory_space<vmem>>
    %dma_wait3A_647 = tpu.memref_squeeze %dma_wait3A_646 : memref<1x128x128xf32, #tpu.memory_space<vmem>> -> memref<128x128xf32, #tpu.memory_space<vmem>>
    %dma_wait3A_648 = arith.constant 0 : i32
    %dma_wait3A_649 = tpu.memref_slice %arg5[%dma_wait3A_641, %dma_wait3A_648] : memref<16x128xi32, #tpu.memory_space<vmem>> -> memref<1x128xi32, #tpu.memory_space<vmem>>
    %dma_wait3A_650 = tpu.memref_squeeze %dma_wait3A_649 : memref<1x128xi32, #tpu.memory_space<vmem>> -> memref<128xi32, #tpu.memory_space<vmem>>
    %dma_wait3A_651 = arith.constant 0 : i32
    %dma_wait3A_652 = arith.constant 0 : i32
    %dma_wait3A_653 = tpu.memref_slice %arg7[%dma_wait3A_651, %dma_wait3A_652] : memref<2048x128xf32, #tpu.memory_space<vmem_shared>> -> memref<2048x128xf32, #tpu.memory_space<vmem_shared>>
    %dma_wait3A_654 = tpu.memref_slice %arg8[%dma_wait3A_643] : memref<4x!tpu.dma_semaphore, #tpu.memory_space<semaphore_mem>> -> memref<1x!tpu.dma_semaphore, #tpu.memory_space<semaphore_mem>>
    %dma_wait3A_655 = tpu.memref_squeeze %dma_wait3A_654 : memref<1x!tpu.dma_semaphore, #tpu.memory_space<semaphore_mem>> -> memref<!tpu.dma_semaphore, #tpu.memory_space<semaphore_mem>>
    tpu.wait_indirect_dma semaphore(%dma_wait3A_655 : memref<!tpu.dma_semaphore, #tpu.memory_space<semaphore_mem>>) src(%dma_wait3A_653 : memref<2048x128xf32, #tpu.memory_space<vmem_shared>>) dst(%dma_wait3A_647 : memref<128x128xf32, #tpu.memory_space<vmem>>)
    %add3A_656 = arith.constant 1152 : i32
    %add3A_657 = arith.addi %add3A_35, %add3A_656 : i32
    %dma_start3A_658 = arith.constant 1 : i32
    %dma_start3A_659 = arith.constant 1 : i32
    %dma_start3A_660 = arith.constant 0 : i32
    %dma_start3A_661 = arith.constant 0 : i32
    %dma_start3A_662 = tpu.memref_slice %arg6[%dma_start3A_658, %dma_start3A_660, %dma_start3A_661] : memref<4x128x128xf32, #tpu.memory_space<vmem>> -> memref<1x128x128xf32, #tpu.memory_space<vmem>>
    %dma_start3A_663 = tpu.memref_squeeze %dma_start3A_662 : memref<1x128x128xf32, #tpu.memory_space<vmem>> -> memref<128x128xf32, #tpu.memory_space<vmem>>
    %dma_start3A_664 = arith.constant 0 : i32
    %dma_start3A_665 = tpu.memref_slice %arg4[%add3A_657, %dma_start3A_664] : memref<65536x128xf32, #tpu.memory_space<hbm>> -> memref<128x128xf32, #tpu.memory_space<hbm>>
    %dma_start3A_666 = tpu.memref_slice %arg9[%dma_start3A_659] : memref<4x!tpu.dma_semaphore, #tpu.memory_space<semaphore_mem>> -> memref<1x!tpu.dma_semaphore, #tpu.memory_space<semaphore_mem>>
    %dma_start3A_667 = tpu.memref_squeeze %dma_start3A_666 : memref<1x!tpu.dma_semaphore, #tpu.memory_space<semaphore_mem>> -> memref<!tpu.dma_semaphore, #tpu.memory_space<semaphore_mem>>
    %dma_start3A_668 = arith.constant 0 : i32
    %dma_start3A_669 = tpu.memref_slice %arg4[%add3A_657, %dma_start3A_668] : memref<65536x128xf32, #tpu.memory_space<hbm>> -> memref<128x128xf32, #tpu.memory_space<hbm>>
    %dma_start3A_670 = arith.constant 0 : i32
    %dma_start3A_671 = arith.constant 0 : i32
    %dma_start3A_672 = tpu.memref_slice %arg6[%dma_start3A_658, %dma_start3A_670, %dma_start3A_671] : memref<4x128x128xf32, #tpu.memory_space<vmem>> -> memref<1x128x128xf32, #tpu.memory_space<vmem>>
    %dma_start3A_673 = tpu.memref_squeeze %dma_start3A_672 : memref<1x128x128xf32, #tpu.memory_space<vmem>> -> memref<128x128xf32, #tpu.memory_space<vmem>>
    tpu.enqueue_dma source(%dma_start3A_673 : memref<128x128xf32, #tpu.memory_space<vmem>>) target(%dma_start3A_669 : memref<128x128xf32, #tpu.memory_space<hbm>>) target_semaphore(%dma_start3A_667 : memref<!tpu.dma_semaphore, #tpu.memory_space<semaphore_mem>>)
    %dma_wait3A_674 = arith.constant 0 : i32
    %dma_wait3A_675 = arith.constant 0 : i32
    %dma_wait3A_676 = arith.constant 0 : i32
    %dma_wait3A_677 = arith.constant 0 : i32
    %dma_wait3A_678 = tpu.memref_slice %arg6[%dma_wait3A_674, %dma_wait3A_676, %dma_wait3A_677] : memref<4x128x128xf32, #tpu.memory_space<vmem>> -> memref<1x128x128xf32, #tpu.memory_space<vmem>>
    %dma_wait3A_679 = tpu.memref_squeeze %dma_wait3A_678 : memref<1x128x128xf32, #tpu.memory_space<vmem>> -> memref<128x128xf32, #tpu.memory_space<vmem>>
    %dma_wait3A_680 = arith.constant 0 : i32
    %dma_wait3A_681 = tpu.memref_slice %arg4[%add3A_593, %dma_wait3A_680] : memref<65536x128xf32, #tpu.memory_space<hbm>> -> memref<128x128xf32, #tpu.memory_space<hbm>>
    %dma_wait3A_682 = tpu.memref_slice %arg9[%dma_wait3A_675] : memref<4x!tpu.dma_semaphore, #tpu.memory_space<semaphore_mem>> -> memref<1x!tpu.dma_semaphore, #tpu.memory_space<semaphore_mem>>
    %dma_wait3A_683 = tpu.memref_squeeze %dma_wait3A_682 : memref<1x!tpu.dma_semaphore, #tpu.memory_space<semaphore_mem>> -> memref<!tpu.dma_semaphore, #tpu.memory_space<semaphore_mem>>
    %dma_wait3A_684 = arith.constant 0 : i32
    %dma_wait3A_685 = tpu.memref_slice %arg4[%add3A_593, %dma_wait3A_684] : memref<65536x128xf32, #tpu.memory_space<hbm>> -> memref<128x128xf32, #tpu.memory_space<hbm>>
    %dma_wait3A_686 = arith.constant 0 : i32
    %dma_wait3A_687 = arith.constant 0 : i32
    %dma_wait3A_688 = tpu.memref_slice %arg6[%dma_wait3A_674, %dma_wait3A_686, %dma_wait3A_687] : memref<4x128x128xf32, #tpu.memory_space<vmem>> -> memref<1x128x128xf32, #tpu.memory_space<vmem>>
    %dma_wait3A_689 = tpu.memref_squeeze %dma_wait3A_688 : memref<1x128x128xf32, #tpu.memory_space<vmem>> -> memref<128x128xf32, #tpu.memory_space<vmem>>
    tpu.wait_dma2 semaphore(%dma_wait3A_683 : memref<!tpu.dma_semaphore, #tpu.memory_space<semaphore_mem>>) src(%dma_wait3A_689 : memref<128x128xf32, #tpu.memory_space<vmem>>) dst(%dma_wait3A_685 : memref<128x128xf32, #tpu.memory_space<hbm>>)
    %dma_start3A_690 = arith.constant 12 : i32
    %dma_start3A_691 = arith.constant 0 : i32
    %dma_start3A_692 = arith.constant 0 : i32
    %dma_start3A_693 = arith.constant 0 : i32
    %dma_start3A_694 = arith.constant 0 : i32
    %dma_start3A_695 = tpu.memref_slice %arg6[%dma_start3A_691, %dma_start3A_693, %dma_start3A_694] : memref<4x128x128xf32, #tpu.memory_space<vmem>> -> memref<1x128x128xf32, #tpu.memory_space<vmem>>
    %dma_start3A_696 = tpu.memref_squeeze %dma_start3A_695 : memref<1x128x128xf32, #tpu.memory_space<vmem>> -> memref<128x128xf32, #tpu.memory_space<vmem>>
    %dma_start3A_697 = arith.constant 0 : i32
    %dma_start3A_698 = tpu.memref_slice %arg5[%dma_start3A_690, %dma_start3A_697] : memref<16x128xi32, #tpu.memory_space<vmem>> -> memref<1x128xi32, #tpu.memory_space<vmem>>
    %dma_start3A_699 = tpu.memref_squeeze %dma_start3A_698 : memref<1x128xi32, #tpu.memory_space<vmem>> -> memref<128xi32, #tpu.memory_space<vmem>>
    %dma_start3A_700 = arith.constant 0 : i32
    %dma_start3A_701 = arith.constant 0 : i32
    %dma_start3A_702 = tpu.memref_slice %arg7[%dma_start3A_700, %dma_start3A_701] : memref<2048x128xf32, #tpu.memory_space<vmem_shared>> -> memref<2048x128xf32, #tpu.memory_space<vmem_shared>>
    %dma_start3A_703 = tpu.memref_slice %arg8[%dma_start3A_692] : memref<4x!tpu.dma_semaphore, #tpu.memory_space<semaphore_mem>> -> memref<1x!tpu.dma_semaphore, #tpu.memory_space<semaphore_mem>>
    %dma_start3A_704 = tpu.memref_squeeze %dma_start3A_703 : memref<1x!tpu.dma_semaphore, #tpu.memory_space<semaphore_mem>> -> memref<!tpu.dma_semaphore, #tpu.memory_space<semaphore_mem>>
    tpu.enqueue_indirect_dma source(%dma_start3A_702 : memref<2048x128xf32, #tpu.memory_space<vmem_shared>>) target(%dma_start3A_696 : memref<128x128xf32, #tpu.memory_space<vmem>>) offsets(%dma_start3A_699 : memref<128xi32, #tpu.memory_space<vmem>>) semaphore(%dma_start3A_704 : memref<!tpu.dma_semaphore, #tpu.memory_space<semaphore_mem>>)
    %dma_wait3A_705 = arith.constant 10 : i32
    %dma_wait3A_706 = arith.constant 2 : i32
    %dma_wait3A_707 = arith.constant 2 : i32
    %dma_wait3A_708 = arith.constant 0 : i32
    %dma_wait3A_709 = arith.constant 0 : i32
    %dma_wait3A_710 = tpu.memref_slice %arg6[%dma_wait3A_706, %dma_wait3A_708, %dma_wait3A_709] : memref<4x128x128xf32, #tpu.memory_space<vmem>> -> memref<1x128x128xf32, #tpu.memory_space<vmem>>
    %dma_wait3A_711 = tpu.memref_squeeze %dma_wait3A_710 : memref<1x128x128xf32, #tpu.memory_space<vmem>> -> memref<128x128xf32, #tpu.memory_space<vmem>>
    %dma_wait3A_712 = arith.constant 0 : i32
    %dma_wait3A_713 = tpu.memref_slice %arg5[%dma_wait3A_705, %dma_wait3A_712] : memref<16x128xi32, #tpu.memory_space<vmem>> -> memref<1x128xi32, #tpu.memory_space<vmem>>
    %dma_wait3A_714 = tpu.memref_squeeze %dma_wait3A_713 : memref<1x128xi32, #tpu.memory_space<vmem>> -> memref<128xi32, #tpu.memory_space<vmem>>
    %dma_wait3A_715 = arith.constant 0 : i32
    %dma_wait3A_716 = arith.constant 0 : i32
    %dma_wait3A_717 = tpu.memref_slice %arg7[%dma_wait3A_715, %dma_wait3A_716] : memref<2048x128xf32, #tpu.memory_space<vmem_shared>> -> memref<2048x128xf32, #tpu.memory_space<vmem_shared>>
    %dma_wait3A_718 = tpu.memref_slice %arg8[%dma_wait3A_707] : memref<4x!tpu.dma_semaphore, #tpu.memory_space<semaphore_mem>> -> memref<1x!tpu.dma_semaphore, #tpu.memory_space<semaphore_mem>>
    %dma_wait3A_719 = tpu.memref_squeeze %dma_wait3A_718 : memref<1x!tpu.dma_semaphore, #tpu.memory_space<semaphore_mem>> -> memref<!tpu.dma_semaphore, #tpu.memory_space<semaphore_mem>>
    tpu.wait_indirect_dma semaphore(%dma_wait3A_719 : memref<!tpu.dma_semaphore, #tpu.memory_space<semaphore_mem>>) src(%dma_wait3A_717 : memref<2048x128xf32, #tpu.memory_space<vmem_shared>>) dst(%dma_wait3A_711 : memref<128x128xf32, #tpu.memory_space<vmem>>)
    %add3A_720 = arith.constant 1280 : i32
    %add3A_721 = arith.addi %add3A_35, %add3A_720 : i32
    %dma_start3A_722 = arith.constant 2 : i32
    %dma_start3A_723 = arith.constant 2 : i32
    %dma_start3A_724 = arith.constant 0 : i32
    %dma_start3A_725 = arith.constant 0 : i32
    %dma_start3A_726 = tpu.memref_slice %arg6[%dma_start3A_722, %dma_start3A_724, %dma_start3A_725] : memref<4x128x128xf32, #tpu.memory_space<vmem>> -> memref<1x128x128xf32, #tpu.memory_space<vmem>>
    %dma_start3A_727 = tpu.memref_squeeze %dma_start3A_726 : memref<1x128x128xf32, #tpu.memory_space<vmem>> -> memref<128x128xf32, #tpu.memory_space<vmem>>
    %dma_start3A_728 = arith.constant 0 : i32
    %dma_start3A_729 = tpu.memref_slice %arg4[%add3A_721, %dma_start3A_728] : memref<65536x128xf32, #tpu.memory_space<hbm>> -> memref<128x128xf32, #tpu.memory_space<hbm>>
    %dma_start3A_730 = tpu.memref_slice %arg9[%dma_start3A_723] : memref<4x!tpu.dma_semaphore, #tpu.memory_space<semaphore_mem>> -> memref<1x!tpu.dma_semaphore, #tpu.memory_space<semaphore_mem>>
    %dma_start3A_731 = tpu.memref_squeeze %dma_start3A_730 : memref<1x!tpu.dma_semaphore, #tpu.memory_space<semaphore_mem>> -> memref<!tpu.dma_semaphore, #tpu.memory_space<semaphore_mem>>
    %dma_start3A_732 = arith.constant 0 : i32
    %dma_start3A_733 = tpu.memref_slice %arg4[%add3A_721, %dma_start3A_732] : memref<65536x128xf32, #tpu.memory_space<hbm>> -> memref<128x128xf32, #tpu.memory_space<hbm>>
    %dma_start3A_734 = arith.constant 0 : i32
    %dma_start3A_735 = arith.constant 0 : i32
    %dma_start3A_736 = tpu.memref_slice %arg6[%dma_start3A_722, %dma_start3A_734, %dma_start3A_735] : memref<4x128x128xf32, #tpu.memory_space<vmem>> -> memref<1x128x128xf32, #tpu.memory_space<vmem>>
    %dma_start3A_737 = tpu.memref_squeeze %dma_start3A_736 : memref<1x128x128xf32, #tpu.memory_space<vmem>> -> memref<128x128xf32, #tpu.memory_space<vmem>>
    tpu.enqueue_dma source(%dma_start3A_737 : memref<128x128xf32, #tpu.memory_space<vmem>>) target(%dma_start3A_733 : memref<128x128xf32, #tpu.memory_space<hbm>>) target_semaphore(%dma_start3A_731 : memref<!tpu.dma_semaphore, #tpu.memory_space<semaphore_mem>>)
    %dma_wait3A_738 = arith.constant 1 : i32
    %dma_wait3A_739 = arith.constant 1 : i32
    %dma_wait3A_740 = arith.constant 0 : i32
    %dma_wait3A_741 = arith.constant 0 : i32
    %dma_wait3A_742 = tpu.memref_slice %arg6[%dma_wait3A_738, %dma_wait3A_740, %dma_wait3A_741] : memref<4x128x128xf32, #tpu.memory_space<vmem>> -> memref<1x128x128xf32, #tpu.memory_space<vmem>>
    %dma_wait3A_743 = tpu.memref_squeeze %dma_wait3A_742 : memref<1x128x128xf32, #tpu.memory_space<vmem>> -> memref<128x128xf32, #tpu.memory_space<vmem>>
    %dma_wait3A_744 = arith.constant 0 : i32
    %dma_wait3A_745 = tpu.memref_slice %arg4[%add3A_657, %dma_wait3A_744] : memref<65536x128xf32, #tpu.memory_space<hbm>> -> memref<128x128xf32, #tpu.memory_space<hbm>>
    %dma_wait3A_746 = tpu.memref_slice %arg9[%dma_wait3A_739] : memref<4x!tpu.dma_semaphore, #tpu.memory_space<semaphore_mem>> -> memref<1x!tpu.dma_semaphore, #tpu.memory_space<semaphore_mem>>
    %dma_wait3A_747 = tpu.memref_squeeze %dma_wait3A_746 : memref<1x!tpu.dma_semaphore, #tpu.memory_space<semaphore_mem>> -> memref<!tpu.dma_semaphore, #tpu.memory_space<semaphore_mem>>
    %dma_wait3A_748 = arith.constant 0 : i32
    %dma_wait3A_749 = tpu.memref_slice %arg4[%add3A_657, %dma_wait3A_748] : memref<65536x128xf32, #tpu.memory_space<hbm>> -> memref<128x128xf32, #tpu.memory_space<hbm>>
    %dma_wait3A_750 = arith.constant 0 : i32
    %dma_wait3A_751 = arith.constant 0 : i32
    %dma_wait3A_752 = tpu.memref_slice %arg6[%dma_wait3A_738, %dma_wait3A_750, %dma_wait3A_751] : memref<4x128x128xf32, #tpu.memory_space<vmem>> -> memref<1x128x128xf32, #tpu.memory_space<vmem>>
    %dma_wait3A_753 = tpu.memref_squeeze %dma_wait3A_752 : memref<1x128x128xf32, #tpu.memory_space<vmem>> -> memref<128x128xf32, #tpu.memory_space<vmem>>
    tpu.wait_dma2 semaphore(%dma_wait3A_747 : memref<!tpu.dma_semaphore, #tpu.memory_space<semaphore_mem>>) src(%dma_wait3A_753 : memref<128x128xf32, #tpu.memory_space<vmem>>) dst(%dma_wait3A_749 : memref<128x128xf32, #tpu.memory_space<hbm>>)
    %dma_start3A_754 = arith.constant 13 : i32
    %dma_start3A_755 = arith.constant 1 : i32
    %dma_start3A_756 = arith.constant 1 : i32
    %dma_start3A_757 = arith.constant 0 : i32
    %dma_start3A_758 = arith.constant 0 : i32
    %dma_start3A_759 = tpu.memref_slice %arg6[%dma_start3A_755, %dma_start3A_757, %dma_start3A_758] : memref<4x128x128xf32, #tpu.memory_space<vmem>> -> memref<1x128x128xf32, #tpu.memory_space<vmem>>
    %dma_start3A_760 = tpu.memref_squeeze %dma_start3A_759 : memref<1x128x128xf32, #tpu.memory_space<vmem>> -> memref<128x128xf32, #tpu.memory_space<vmem>>
    %dma_start3A_761 = arith.constant 0 : i32
    %dma_start3A_762 = tpu.memref_slice %arg5[%dma_start3A_754, %dma_start3A_761] : memref<16x128xi32, #tpu.memory_space<vmem>> -> memref<1x128xi32, #tpu.memory_space<vmem>>
    %dma_start3A_763 = tpu.memref_squeeze %dma_start3A_762 : memref<1x128xi32, #tpu.memory_space<vmem>> -> memref<128xi32, #tpu.memory_space<vmem>>
    %dma_start3A_764 = arith.constant 0 : i32
    %dma_start3A_765 = arith.constant 0 : i32
    %dma_start3A_766 = tpu.memref_slice %arg7[%dma_start3A_764, %dma_start3A_765] : memref<2048x128xf32, #tpu.memory_space<vmem_shared>> -> memref<2048x128xf32, #tpu.memory_space<vmem_shared>>
    %dma_start3A_767 = tpu.memref_slice %arg8[%dma_start3A_756] : memref<4x!tpu.dma_semaphore, #tpu.memory_space<semaphore_mem>> -> memref<1x!tpu.dma_semaphore, #tpu.memory_space<semaphore_mem>>
    %dma_start3A_768 = tpu.memref_squeeze %dma_start3A_767 : memref<1x!tpu.dma_semaphore, #tpu.memory_space<semaphore_mem>> -> memref<!tpu.dma_semaphore, #tpu.memory_space<semaphore_mem>>
    tpu.enqueue_indirect_dma source(%dma_start3A_766 : memref<2048x128xf32, #tpu.memory_space<vmem_shared>>) target(%dma_start3A_760 : memref<128x128xf32, #tpu.memory_space<vmem>>) offsets(%dma_start3A_763 : memref<128xi32, #tpu.memory_space<vmem>>) semaphore(%dma_start3A_768 : memref<!tpu.dma_semaphore, #tpu.memory_space<semaphore_mem>>)
    %dma_wait3A_769 = arith.constant 11 : i32
    %dma_wait3A_770 = arith.constant 3 : i32
    %dma_wait3A_771 = arith.constant 3 : i32
    %dma_wait3A_772 = arith.constant 0 : i32
    %dma_wait3A_773 = arith.constant 0 : i32
    %dma_wait3A_774 = tpu.memref_slice %arg6[%dma_wait3A_770, %dma_wait3A_772, %dma_wait3A_773] : memref<4x128x128xf32, #tpu.memory_space<vmem>> -> memref<1x128x128xf32, #tpu.memory_space<vmem>>
    %dma_wait3A_775 = tpu.memref_squeeze %dma_wait3A_774 : memref<1x128x128xf32, #tpu.memory_space<vmem>> -> memref<128x128xf32, #tpu.memory_space<vmem>>
    %dma_wait3A_776 = arith.constant 0 : i32
    %dma_wait3A_777 = tpu.memref_slice %arg5[%dma_wait3A_769, %dma_wait3A_776] : memref<16x128xi32, #tpu.memory_space<vmem>> -> memref<1x128xi32, #tpu.memory_space<vmem>>
    %dma_wait3A_778 = tpu.memref_squeeze %dma_wait3A_777 : memref<1x128xi32, #tpu.memory_space<vmem>> -> memref<128xi32, #tpu.memory_space<vmem>>
    %dma_wait3A_779 = arith.constant 0 : i32
    %dma_wait3A_780 = arith.constant 0 : i32
    %dma_wait3A_781 = tpu.memref_slice %arg7[%dma_wait3A_779, %dma_wait3A_780] : memref<2048x128xf32, #tpu.memory_space<vmem_shared>> -> memref<2048x128xf32, #tpu.memory_space<vmem_shared>>
    %dma_wait3A_782 = tpu.memref_slice %arg8[%dma_wait3A_771] : memref<4x!tpu.dma_semaphore, #tpu.memory_space<semaphore_mem>> -> memref<1x!tpu.dma_semaphore, #tpu.memory_space<semaphore_mem>>
    %dma_wait3A_783 = tpu.memref_squeeze %dma_wait3A_782 : memref<1x!tpu.dma_semaphore, #tpu.memory_space<semaphore_mem>> -> memref<!tpu.dma_semaphore, #tpu.memory_space<semaphore_mem>>
    tpu.wait_indirect_dma semaphore(%dma_wait3A_783 : memref<!tpu.dma_semaphore, #tpu.memory_space<semaphore_mem>>) src(%dma_wait3A_781 : memref<2048x128xf32, #tpu.memory_space<vmem_shared>>) dst(%dma_wait3A_775 : memref<128x128xf32, #tpu.memory_space<vmem>>)
    %add3A_784 = arith.constant 1408 : i32
    %add3A_785 = arith.addi %add3A_35, %add3A_784 : i32
    %dma_start3A_786 = arith.constant 3 : i32
    %dma_start3A_787 = arith.constant 3 : i32
    %dma_start3A_788 = arith.constant 0 : i32
    %dma_start3A_789 = arith.constant 0 : i32
    %dma_start3A_790 = tpu.memref_slice %arg6[%dma_start3A_786, %dma_start3A_788, %dma_start3A_789] : memref<4x128x128xf32, #tpu.memory_space<vmem>> -> memref<1x128x128xf32, #tpu.memory_space<vmem>>
    %dma_start3A_791 = tpu.memref_squeeze %dma_start3A_790 : memref<1x128x128xf32, #tpu.memory_space<vmem>> -> memref<128x128xf32, #tpu.memory_space<vmem>>
    %dma_start3A_792 = arith.constant 0 : i32
    %dma_start3A_793 = tpu.memref_slice %arg4[%add3A_785, %dma_start3A_792] : memref<65536x128xf32, #tpu.memory_space<hbm>> -> memref<128x128xf32, #tpu.memory_space<hbm>>
    %dma_start3A_794 = tpu.memref_slice %arg9[%dma_start3A_787] : memref<4x!tpu.dma_semaphore, #tpu.memory_space<semaphore_mem>> -> memref<1x!tpu.dma_semaphore, #tpu.memory_space<semaphore_mem>>
    %dma_start3A_795 = tpu.memref_squeeze %dma_start3A_794 : memref<1x!tpu.dma_semaphore, #tpu.memory_space<semaphore_mem>> -> memref<!tpu.dma_semaphore, #tpu.memory_space<semaphore_mem>>
    %dma_start3A_796 = arith.constant 0 : i32
    %dma_start3A_797 = tpu.memref_slice %arg4[%add3A_785, %dma_start3A_796] : memref<65536x128xf32, #tpu.memory_space<hbm>> -> memref<128x128xf32, #tpu.memory_space<hbm>>
    %dma_start3A_798 = arith.constant 0 : i32
    %dma_start3A_799 = arith.constant 0 : i32
    %dma_start3A_800 = tpu.memref_slice %arg6[%dma_start3A_786, %dma_start3A_798, %dma_start3A_799] : memref<4x128x128xf32, #tpu.memory_space<vmem>> -> memref<1x128x128xf32, #tpu.memory_space<vmem>>
    %dma_start3A_801 = tpu.memref_squeeze %dma_start3A_800 : memref<1x128x128xf32, #tpu.memory_space<vmem>> -> memref<128x128xf32, #tpu.memory_space<vmem>>
    tpu.enqueue_dma source(%dma_start3A_801 : memref<128x128xf32, #tpu.memory_space<vmem>>) target(%dma_start3A_797 : memref<128x128xf32, #tpu.memory_space<hbm>>) target_semaphore(%dma_start3A_795 : memref<!tpu.dma_semaphore, #tpu.memory_space<semaphore_mem>>)
    %dma_wait3A_802 = arith.constant 2 : i32
    %dma_wait3A_803 = arith.constant 2 : i32
    %dma_wait3A_804 = arith.constant 0 : i32
    %dma_wait3A_805 = arith.constant 0 : i32
    %dma_wait3A_806 = tpu.memref_slice %arg6[%dma_wait3A_802, %dma_wait3A_804, %dma_wait3A_805] : memref<4x128x128xf32, #tpu.memory_space<vmem>> -> memref<1x128x128xf32, #tpu.memory_space<vmem>>
    %dma_wait3A_807 = tpu.memref_squeeze %dma_wait3A_806 : memref<1x128x128xf32, #tpu.memory_space<vmem>> -> memref<128x128xf32, #tpu.memory_space<vmem>>
    %dma_wait3A_808 = arith.constant 0 : i32
    %dma_wait3A_809 = tpu.memref_slice %arg4[%add3A_721, %dma_wait3A_808] : memref<65536x128xf32, #tpu.memory_space<hbm>> -> memref<128x128xf32, #tpu.memory_space<hbm>>
    %dma_wait3A_810 = tpu.memref_slice %arg9[%dma_wait3A_803] : memref<4x!tpu.dma_semaphore, #tpu.memory_space<semaphore_mem>> -> memref<1x!tpu.dma_semaphore, #tpu.memory_space<semaphore_mem>>
    %dma_wait3A_811 = tpu.memref_squeeze %dma_wait3A_810 : memref<1x!tpu.dma_semaphore, #tpu.memory_space<semaphore_mem>> -> memref<!tpu.dma_semaphore, #tpu.memory_space<semaphore_mem>>
    %dma_wait3A_812 = arith.constant 0 : i32
    %dma_wait3A_813 = tpu.memref_slice %arg4[%add3A_721, %dma_wait3A_812] : memref<65536x128xf32, #tpu.memory_space<hbm>> -> memref<128x128xf32, #tpu.memory_space<hbm>>
    %dma_wait3A_814 = arith.constant 0 : i32
    %dma_wait3A_815 = arith.constant 0 : i32
    %dma_wait3A_816 = tpu.memref_slice %arg6[%dma_wait3A_802, %dma_wait3A_814, %dma_wait3A_815] : memref<4x128x128xf32, #tpu.memory_space<vmem>> -> memref<1x128x128xf32, #tpu.memory_space<vmem>>
    %dma_wait3A_817 = tpu.memref_squeeze %dma_wait3A_816 : memref<1x128x128xf32, #tpu.memory_space<vmem>> -> memref<128x128xf32, #tpu.memory_space<vmem>>
    tpu.wait_dma2 semaphore(%dma_wait3A_811 : memref<!tpu.dma_semaphore, #tpu.memory_space<semaphore_mem>>) src(%dma_wait3A_817 : memref<128x128xf32, #tpu.memory_space<vmem>>) dst(%dma_wait3A_813 : memref<128x128xf32, #tpu.memory_space<hbm>>)
    %dma_start3A_818 = arith.constant 14 : i32
    %dma_start3A_819 = arith.constant 2 : i32
    %dma_start3A_820 = arith.constant 2 : i32
    %dma_start3A_821 = arith.constant 0 : i32
    %dma_start3A_822 = arith.constant 0 : i32
    %dma_start3A_823 = tpu.memref_slice %arg6[%dma_start3A_819, %dma_start3A_821, %dma_start3A_822] : memref<4x128x128xf32, #tpu.memory_space<vmem>> -> memref<1x128x128xf32, #tpu.memory_space<vmem>>
    %dma_start3A_824 = tpu.memref_squeeze %dma_start3A_823 : memref<1x128x128xf32, #tpu.memory_space<vmem>> -> memref<128x128xf32, #tpu.memory_space<vmem>>
    %dma_start3A_825 = arith.constant 0 : i32
    %dma_start3A_826 = tpu.memref_slice %arg5[%dma_start3A_818, %dma_start3A_825] : memref<16x128xi32, #tpu.memory_space<vmem>> -> memref<1x128xi32, #tpu.memory_space<vmem>>
    %dma_start3A_827 = tpu.memref_squeeze %dma_start3A_826 : memref<1x128xi32, #tpu.memory_space<vmem>> -> memref<128xi32, #tpu.memory_space<vmem>>
    %dma_start3A_828 = arith.constant 0 : i32
    %dma_start3A_829 = arith.constant 0 : i32
    %dma_start3A_830 = tpu.memref_slice %arg7[%dma_start3A_828, %dma_start3A_829] : memref<2048x128xf32, #tpu.memory_space<vmem_shared>> -> memref<2048x128xf32, #tpu.memory_space<vmem_shared>>
    %dma_start3A_831 = tpu.memref_slice %arg8[%dma_start3A_820] : memref<4x!tpu.dma_semaphore, #tpu.memory_space<semaphore_mem>> -> memref<1x!tpu.dma_semaphore, #tpu.memory_space<semaphore_mem>>
    %dma_start3A_832 = tpu.memref_squeeze %dma_start3A_831 : memref<1x!tpu.dma_semaphore, #tpu.memory_space<semaphore_mem>> -> memref<!tpu.dma_semaphore, #tpu.memory_space<semaphore_mem>>
    tpu.enqueue_indirect_dma source(%dma_start3A_830 : memref<2048x128xf32, #tpu.memory_space<vmem_shared>>) target(%dma_start3A_824 : memref<128x128xf32, #tpu.memory_space<vmem>>) offsets(%dma_start3A_827 : memref<128xi32, #tpu.memory_space<vmem>>) semaphore(%dma_start3A_832 : memref<!tpu.dma_semaphore, #tpu.memory_space<semaphore_mem>>)
    %dma_wait3A_833 = arith.constant 12 : i32
    %dma_wait3A_834 = arith.constant 0 : i32
    %dma_wait3A_835 = arith.constant 0 : i32
    %dma_wait3A_836 = arith.constant 0 : i32
    %dma_wait3A_837 = arith.constant 0 : i32
    %dma_wait3A_838 = tpu.memref_slice %arg6[%dma_wait3A_834, %dma_wait3A_836, %dma_wait3A_837] : memref<4x128x128xf32, #tpu.memory_space<vmem>> -> memref<1x128x128xf32, #tpu.memory_space<vmem>>
    %dma_wait3A_839 = tpu.memref_squeeze %dma_wait3A_838 : memref<1x128x128xf32, #tpu.memory_space<vmem>> -> memref<128x128xf32, #tpu.memory_space<vmem>>
    %dma_wait3A_840 = arith.constant 0 : i32
    %dma_wait3A_841 = tpu.memref_slice %arg5[%dma_wait3A_833, %dma_wait3A_840] : memref<16x128xi32, #tpu.memory_space<vmem>> -> memref<1x128xi32, #tpu.memory_space<vmem>>
    %dma_wait3A_842 = tpu.memref_squeeze %dma_wait3A_841 : memref<1x128xi32, #tpu.memory_space<vmem>> -> memref<128xi32, #tpu.memory_space<vmem>>
    %dma_wait3A_843 = arith.constant 0 : i32
    %dma_wait3A_844 = arith.constant 0 : i32
    %dma_wait3A_845 = tpu.memref_slice %arg7[%dma_wait3A_843, %dma_wait3A_844] : memref<2048x128xf32, #tpu.memory_space<vmem_shared>> -> memref<2048x128xf32, #tpu.memory_space<vmem_shared>>
    %dma_wait3A_846 = tpu.memref_slice %arg8[%dma_wait3A_835] : memref<4x!tpu.dma_semaphore, #tpu.memory_space<semaphore_mem>> -> memref<1x!tpu.dma_semaphore, #tpu.memory_space<semaphore_mem>>
    %dma_wait3A_847 = tpu.memref_squeeze %dma_wait3A_846 : memref<1x!tpu.dma_semaphore, #tpu.memory_space<semaphore_mem>> -> memref<!tpu.dma_semaphore, #tpu.memory_space<semaphore_mem>>
    tpu.wait_indirect_dma semaphore(%dma_wait3A_847 : memref<!tpu.dma_semaphore, #tpu.memory_space<semaphore_mem>>) src(%dma_wait3A_845 : memref<2048x128xf32, #tpu.memory_space<vmem_shared>>) dst(%dma_wait3A_839 : memref<128x128xf32, #tpu.memory_space<vmem>>)
    %add3A_848 = arith.constant 1536 : i32
    %add3A_849 = arith.addi %add3A_35, %add3A_848 : i32
    %dma_start3A_850 = arith.constant 0 : i32
    %dma_start3A_851 = arith.constant 0 : i32
    %dma_start3A_852 = arith.constant 0 : i32
    %dma_start3A_853 = arith.constant 0 : i32
    %dma_start3A_854 = tpu.memref_slice %arg6[%dma_start3A_850, %dma_start3A_852, %dma_start3A_853] : memref<4x128x128xf32, #tpu.memory_space<vmem>> -> memref<1x128x128xf32, #tpu.memory_space<vmem>>
    %dma_start3A_855 = tpu.memref_squeeze %dma_start3A_854 : memref<1x128x128xf32, #tpu.memory_space<vmem>> -> memref<128x128xf32, #tpu.memory_space<vmem>>
    %dma_start3A_856 = arith.constant 0 : i32
    %dma_start3A_857 = tpu.memref_slice %arg4[%add3A_849, %dma_start3A_856] : memref<65536x128xf32, #tpu.memory_space<hbm>> -> memref<128x128xf32, #tpu.memory_space<hbm>>
    %dma_start3A_858 = tpu.memref_slice %arg9[%dma_start3A_851] : memref<4x!tpu.dma_semaphore, #tpu.memory_space<semaphore_mem>> -> memref<1x!tpu.dma_semaphore, #tpu.memory_space<semaphore_mem>>
    %dma_start3A_859 = tpu.memref_squeeze %dma_start3A_858 : memref<1x!tpu.dma_semaphore, #tpu.memory_space<semaphore_mem>> -> memref<!tpu.dma_semaphore, #tpu.memory_space<semaphore_mem>>
    %dma_start3A_860 = arith.constant 0 : i32
    %dma_start3A_861 = tpu.memref_slice %arg4[%add3A_849, %dma_start3A_860] : memref<65536x128xf32, #tpu.memory_space<hbm>> -> memref<128x128xf32, #tpu.memory_space<hbm>>
    %dma_start3A_862 = arith.constant 0 : i32
    %dma_start3A_863 = arith.constant 0 : i32
    %dma_start3A_864 = tpu.memref_slice %arg6[%dma_start3A_850, %dma_start3A_862, %dma_start3A_863] : memref<4x128x128xf32, #tpu.memory_space<vmem>> -> memref<1x128x128xf32, #tpu.memory_space<vmem>>
    %dma_start3A_865 = tpu.memref_squeeze %dma_start3A_864 : memref<1x128x128xf32, #tpu.memory_space<vmem>> -> memref<128x128xf32, #tpu.memory_space<vmem>>
    tpu.enqueue_dma source(%dma_start3A_865 : memref<128x128xf32, #tpu.memory_space<vmem>>) target(%dma_start3A_861 : memref<128x128xf32, #tpu.memory_space<hbm>>) target_semaphore(%dma_start3A_859 : memref<!tpu.dma_semaphore, #tpu.memory_space<semaphore_mem>>)
    %dma_wait3A_866 = arith.constant 3 : i32
    %dma_wait3A_867 = arith.constant 3 : i32
    %dma_wait3A_868 = arith.constant 0 : i32
    %dma_wait3A_869 = arith.constant 0 : i32
    %dma_wait3A_870 = tpu.memref_slice %arg6[%dma_wait3A_866, %dma_wait3A_868, %dma_wait3A_869] : memref<4x128x128xf32, #tpu.memory_space<vmem>> -> memref<1x128x128xf32, #tpu.memory_space<vmem>>
    %dma_wait3A_871 = tpu.memref_squeeze %dma_wait3A_870 : memref<1x128x128xf32, #tpu.memory_space<vmem>> -> memref<128x128xf32, #tpu.memory_space<vmem>>
    %dma_wait3A_872 = arith.constant 0 : i32
    %dma_wait3A_873 = tpu.memref_slice %arg4[%add3A_785, %dma_wait3A_872] : memref<65536x128xf32, #tpu.memory_space<hbm>> -> memref<128x128xf32, #tpu.memory_space<hbm>>
    %dma_wait3A_874 = tpu.memref_slice %arg9[%dma_wait3A_867] : memref<4x!tpu.dma_semaphore, #tpu.memory_space<semaphore_mem>> -> memref<1x!tpu.dma_semaphore, #tpu.memory_space<semaphore_mem>>
    %dma_wait3A_875 = tpu.memref_squeeze %dma_wait3A_874 : memref<1x!tpu.dma_semaphore, #tpu.memory_space<semaphore_mem>> -> memref<!tpu.dma_semaphore, #tpu.memory_space<semaphore_mem>>
    %dma_wait3A_876 = arith.constant 0 : i32
    %dma_wait3A_877 = tpu.memref_slice %arg4[%add3A_785, %dma_wait3A_876] : memref<65536x128xf32, #tpu.memory_space<hbm>> -> memref<128x128xf32, #tpu.memory_space<hbm>>
    %dma_wait3A_878 = arith.constant 0 : i32
    %dma_wait3A_879 = arith.constant 0 : i32
    %dma_wait3A_880 = tpu.memref_slice %arg6[%dma_wait3A_866, %dma_wait3A_878, %dma_wait3A_879] : memref<4x128x128xf32, #tpu.memory_space<vmem>> -> memref<1x128x128xf32, #tpu.memory_space<vmem>>
    %dma_wait3A_881 = tpu.memref_squeeze %dma_wait3A_880 : memref<1x128x128xf32, #tpu.memory_space<vmem>> -> memref<128x128xf32, #tpu.memory_space<vmem>>
    tpu.wait_dma2 semaphore(%dma_wait3A_875 : memref<!tpu.dma_semaphore, #tpu.memory_space<semaphore_mem>>) src(%dma_wait3A_881 : memref<128x128xf32, #tpu.memory_space<vmem>>) dst(%dma_wait3A_877 : memref<128x128xf32, #tpu.memory_space<hbm>>)
    %dma_start3A_882 = arith.constant 15 : i32
    %dma_start3A_883 = arith.constant 3 : i32
    %dma_start3A_884 = arith.constant 3 : i32
    %dma_start3A_885 = arith.constant 0 : i32
    %dma_start3A_886 = arith.constant 0 : i32
    %dma_start3A_887 = tpu.memref_slice %arg6[%dma_start3A_883, %dma_start3A_885, %dma_start3A_886] : memref<4x128x128xf32, #tpu.memory_space<vmem>> -> memref<1x128x128xf32, #tpu.memory_space<vmem>>
    %dma_start3A_888 = tpu.memref_squeeze %dma_start3A_887 : memref<1x128x128xf32, #tpu.memory_space<vmem>> -> memref<128x128xf32, #tpu.memory_space<vmem>>
    %dma_start3A_889 = arith.constant 0 : i32
    %dma_start3A_890 = tpu.memref_slice %arg5[%dma_start3A_882, %dma_start3A_889] : memref<16x128xi32, #tpu.memory_space<vmem>> -> memref<1x128xi32, #tpu.memory_space<vmem>>
    %dma_start3A_891 = tpu.memref_squeeze %dma_start3A_890 : memref<1x128xi32, #tpu.memory_space<vmem>> -> memref<128xi32, #tpu.memory_space<vmem>>
    %dma_start3A_892 = arith.constant 0 : i32
    %dma_start3A_893 = arith.constant 0 : i32
    %dma_start3A_894 = tpu.memref_slice %arg7[%dma_start3A_892, %dma_start3A_893] : memref<2048x128xf32, #tpu.memory_space<vmem_shared>> -> memref<2048x128xf32, #tpu.memory_space<vmem_shared>>
    %dma_start3A_895 = tpu.memref_slice %arg8[%dma_start3A_884] : memref<4x!tpu.dma_semaphore, #tpu.memory_space<semaphore_mem>> -> memref<1x!tpu.dma_semaphore, #tpu.memory_space<semaphore_mem>>
    %dma_start3A_896 = tpu.memref_squeeze %dma_start3A_895 : memref<1x!tpu.dma_semaphore, #tpu.memory_space<semaphore_mem>> -> memref<!tpu.dma_semaphore, #tpu.memory_space<semaphore_mem>>
    tpu.enqueue_indirect_dma source(%dma_start3A_894 : memref<2048x128xf32, #tpu.memory_space<vmem_shared>>) target(%dma_start3A_888 : memref<128x128xf32, #tpu.memory_space<vmem>>) offsets(%dma_start3A_891 : memref<128xi32, #tpu.memory_space<vmem>>) semaphore(%dma_start3A_896 : memref<!tpu.dma_semaphore, #tpu.memory_space<semaphore_mem>>)
    %dma_wait3A_897 = arith.constant 13 : i32
    %dma_wait3A_898 = arith.constant 1 : i32
    %dma_wait3A_899 = arith.constant 1 : i32
    %dma_wait3A_900 = arith.constant 0 : i32
    %dma_wait3A_901 = arith.constant 0 : i32
    %dma_wait3A_902 = tpu.memref_slice %arg6[%dma_wait3A_898, %dma_wait3A_900, %dma_wait3A_901] : memref<4x128x128xf32, #tpu.memory_space<vmem>> -> memref<1x128x128xf32, #tpu.memory_space<vmem>>
    %dma_wait3A_903 = tpu.memref_squeeze %dma_wait3A_902 : memref<1x128x128xf32, #tpu.memory_space<vmem>> -> memref<128x128xf32, #tpu.memory_space<vmem>>
    %dma_wait3A_904 = arith.constant 0 : i32
    %dma_wait3A_905 = tpu.memref_slice %arg5[%dma_wait3A_897, %dma_wait3A_904] : memref<16x128xi32, #tpu.memory_space<vmem>> -> memref<1x128xi32, #tpu.memory_space<vmem>>
    %dma_wait3A_906 = tpu.memref_squeeze %dma_wait3A_905 : memref<1x128xi32, #tpu.memory_space<vmem>> -> memref<128xi32, #tpu.memory_space<vmem>>
    %dma_wait3A_907 = arith.constant 0 : i32
    %dma_wait3A_908 = arith.constant 0 : i32
    %dma_wait3A_909 = tpu.memref_slice %arg7[%dma_wait3A_907, %dma_wait3A_908] : memref<2048x128xf32, #tpu.memory_space<vmem_shared>> -> memref<2048x128xf32, #tpu.memory_space<vmem_shared>>
    %dma_wait3A_910 = tpu.memref_slice %arg8[%dma_wait3A_899] : memref<4x!tpu.dma_semaphore, #tpu.memory_space<semaphore_mem>> -> memref<1x!tpu.dma_semaphore, #tpu.memory_space<semaphore_mem>>
    %dma_wait3A_911 = tpu.memref_squeeze %dma_wait3A_910 : memref<1x!tpu.dma_semaphore, #tpu.memory_space<semaphore_mem>> -> memref<!tpu.dma_semaphore, #tpu.memory_space<semaphore_mem>>
    tpu.wait_indirect_dma semaphore(%dma_wait3A_911 : memref<!tpu.dma_semaphore, #tpu.memory_space<semaphore_mem>>) src(%dma_wait3A_909 : memref<2048x128xf32, #tpu.memory_space<vmem_shared>>) dst(%dma_wait3A_903 : memref<128x128xf32, #tpu.memory_space<vmem>>)
    %add3A_912 = arith.constant 1664 : i32
    %add3A_913 = arith.addi %add3A_35, %add3A_912 : i32
    %dma_start3A_914 = arith.constant 1 : i32
    %dma_start3A_915 = arith.constant 1 : i32
    %dma_start3A_916 = arith.constant 0 : i32
    %dma_start3A_917 = arith.constant 0 : i32
    %dma_start3A_918 = tpu.memref_slice %arg6[%dma_start3A_914, %dma_start3A_916, %dma_start3A_917] : memref<4x128x128xf32, #tpu.memory_space<vmem>> -> memref<1x128x128xf32, #tpu.memory_space<vmem>>
    %dma_start3A_919 = tpu.memref_squeeze %dma_start3A_918 : memref<1x128x128xf32, #tpu.memory_space<vmem>> -> memref<128x128xf32, #tpu.memory_space<vmem>>
    %dma_start3A_920 = arith.constant 0 : i32
    %dma_start3A_921 = tpu.memref_slice %arg4[%add3A_913, %dma_start3A_920] : memref<65536x128xf32, #tpu.memory_space<hbm>> -> memref<128x128xf32, #tpu.memory_space<hbm>>
    %dma_start3A_922 = tpu.memref_slice %arg9[%dma_start3A_915] : memref<4x!tpu.dma_semaphore, #tpu.memory_space<semaphore_mem>> -> memref<1x!tpu.dma_semaphore, #tpu.memory_space<semaphore_mem>>
    %dma_start3A_923 = tpu.memref_squeeze %dma_start3A_922 : memref<1x!tpu.dma_semaphore, #tpu.memory_space<semaphore_mem>> -> memref<!tpu.dma_semaphore, #tpu.memory_space<semaphore_mem>>
    %dma_start3A_924 = arith.constant 0 : i32
    %dma_start3A_925 = tpu.memref_slice %arg4[%add3A_913, %dma_start3A_924] : memref<65536x128xf32, #tpu.memory_space<hbm>> -> memref<128x128xf32, #tpu.memory_space<hbm>>
    %dma_start3A_926 = arith.constant 0 : i32
    %dma_start3A_927 = arith.constant 0 : i32
    %dma_start3A_928 = tpu.memref_slice %arg6[%dma_start3A_914, %dma_start3A_926, %dma_start3A_927] : memref<4x128x128xf32, #tpu.memory_space<vmem>> -> memref<1x128x128xf32, #tpu.memory_space<vmem>>
    %dma_start3A_929 = tpu.memref_squeeze %dma_start3A_928 : memref<1x128x128xf32, #tpu.memory_space<vmem>> -> memref<128x128xf32, #tpu.memory_space<vmem>>
    tpu.enqueue_dma source(%dma_start3A_929 : memref<128x128xf32, #tpu.memory_space<vmem>>) target(%dma_start3A_925 : memref<128x128xf32, #tpu.memory_space<hbm>>) target_semaphore(%dma_start3A_923 : memref<!tpu.dma_semaphore, #tpu.memory_space<semaphore_mem>>)
    %dma_wait3A_930 = arith.constant 0 : i32
    %dma_wait3A_931 = arith.constant 0 : i32
    %dma_wait3A_932 = arith.constant 0 : i32
    %dma_wait3A_933 = arith.constant 0 : i32
    %dma_wait3A_934 = tpu.memref_slice %arg6[%dma_wait3A_930, %dma_wait3A_932, %dma_wait3A_933] : memref<4x128x128xf32, #tpu.memory_space<vmem>> -> memref<1x128x128xf32, #tpu.memory_space<vmem>>
    %dma_wait3A_935 = tpu.memref_squeeze %dma_wait3A_934 : memref<1x128x128xf32, #tpu.memory_space<vmem>> -> memref<128x128xf32, #tpu.memory_space<vmem>>
    %dma_wait3A_936 = arith.constant 0 : i32
    %dma_wait3A_937 = tpu.memref_slice %arg4[%add3A_849, %dma_wait3A_936] : memref<65536x128xf32, #tpu.memory_space<hbm>> -> memref<128x128xf32, #tpu.memory_space<hbm>>
    %dma_wait3A_938 = tpu.memref_slice %arg9[%dma_wait3A_931] : memref<4x!tpu.dma_semaphore, #tpu.memory_space<semaphore_mem>> -> memref<1x!tpu.dma_semaphore, #tpu.memory_space<semaphore_mem>>
    %dma_wait3A_939 = tpu.memref_squeeze %dma_wait3A_938 : memref<1x!tpu.dma_semaphore, #tpu.memory_space<semaphore_mem>> -> memref<!tpu.dma_semaphore, #tpu.memory_space<semaphore_mem>>
    %dma_wait3A_940 = arith.constant 0 : i32
    %dma_wait3A_941 = tpu.memref_slice %arg4[%add3A_849, %dma_wait3A_940] : memref<65536x128xf32, #tpu.memory_space<hbm>> -> memref<128x128xf32, #tpu.memory_space<hbm>>
    %dma_wait3A_942 = arith.constant 0 : i32
    %dma_wait3A_943 = arith.constant 0 : i32
    %dma_wait3A_944 = tpu.memref_slice %arg6[%dma_wait3A_930, %dma_wait3A_942, %dma_wait3A_943] : memref<4x128x128xf32, #tpu.memory_space<vmem>> -> memref<1x128x128xf32, #tpu.memory_space<vmem>>
    %dma_wait3A_945 = tpu.memref_squeeze %dma_wait3A_944 : memref<1x128x128xf32, #tpu.memory_space<vmem>> -> memref<128x128xf32, #tpu.memory_space<vmem>>
    tpu.wait_dma2 semaphore(%dma_wait3A_939 : memref<!tpu.dma_semaphore, #tpu.memory_space<semaphore_mem>>) src(%dma_wait3A_945 : memref<128x128xf32, #tpu.memory_space<vmem>>) dst(%dma_wait3A_941 : memref<128x128xf32, #tpu.memory_space<hbm>>)
    %dma_wait3A_946 = arith.constant 14 : i32
    %dma_wait3A_947 = arith.constant 2 : i32
    %dma_wait3A_948 = arith.constant 2 : i32
    %dma_wait3A_949 = arith.constant 0 : i32
    %dma_wait3A_950 = arith.constant 0 : i32
    %dma_wait3A_951 = tpu.memref_slice %arg6[%dma_wait3A_947, %dma_wait3A_949, %dma_wait3A_950] : memref<4x128x128xf32, #tpu.memory_space<vmem>> -> memref<1x128x128xf32, #tpu.memory_space<vmem>>
    %dma_wait3A_952 = tpu.memref_squeeze %dma_wait3A_951 : memref<1x128x128xf32, #tpu.memory_space<vmem>> -> memref<128x128xf32, #tpu.memory_space<vmem>>
    %dma_wait3A_953 = arith.constant 0 : i32
    %dma_wait3A_954 = tpu.memref_slice %arg5[%dma_wait3A_946, %dma_wait3A_953] : memref<16x128xi32, #tpu.memory_space<vmem>> -> memref<1x128xi32, #tpu.memory_space<vmem>>
    %dma_wait3A_955 = tpu.memref_squeeze %dma_wait3A_954 : memref<1x128xi32, #tpu.memory_space<vmem>> -> memref<128xi32, #tpu.memory_space<vmem>>
    %dma_wait3A_956 = arith.constant 0 : i32
    %dma_wait3A_957 = arith.constant 0 : i32
    %dma_wait3A_958 = tpu.memref_slice %arg7[%dma_wait3A_956, %dma_wait3A_957] : memref<2048x128xf32, #tpu.memory_space<vmem_shared>> -> memref<2048x128xf32, #tpu.memory_space<vmem_shared>>
    %dma_wait3A_959 = tpu.memref_slice %arg8[%dma_wait3A_948] : memref<4x!tpu.dma_semaphore, #tpu.memory_space<semaphore_mem>> -> memref<1x!tpu.dma_semaphore, #tpu.memory_space<semaphore_mem>>
    %dma_wait3A_960 = tpu.memref_squeeze %dma_wait3A_959 : memref<1x!tpu.dma_semaphore, #tpu.memory_space<semaphore_mem>> -> memref<!tpu.dma_semaphore, #tpu.memory_space<semaphore_mem>>
    tpu.wait_indirect_dma semaphore(%dma_wait3A_960 : memref<!tpu.dma_semaphore, #tpu.memory_space<semaphore_mem>>) src(%dma_wait3A_958 : memref<2048x128xf32, #tpu.memory_space<vmem_shared>>) dst(%dma_wait3A_952 : memref<128x128xf32, #tpu.memory_space<vmem>>)
    %add3A_961 = arith.constant 1792 : i32
    %add3A_962 = arith.addi %add3A_35, %add3A_961 : i32
    %dma_start3A_963 = arith.constant 2 : i32
    %dma_start3A_964 = arith.constant 2 : i32
    %dma_start3A_965 = arith.constant 0 : i32
    %dma_start3A_966 = arith.constant 0 : i32
    %dma_start3A_967 = tpu.memref_slice %arg6[%dma_start3A_963, %dma_start3A_965, %dma_start3A_966] : memref<4x128x128xf32, #tpu.memory_space<vmem>> -> memref<1x128x128xf32, #tpu.memory_space<vmem>>
    %dma_start3A_968 = tpu.memref_squeeze %dma_start3A_967 : memref<1x128x128xf32, #tpu.memory_space<vmem>> -> memref<128x128xf32, #tpu.memory_space<vmem>>
    %dma_start3A_969 = arith.constant 0 : i32
    %dma_start3A_970 = tpu.memref_slice %arg4[%add3A_962, %dma_start3A_969] : memref<65536x128xf32, #tpu.memory_space<hbm>> -> memref<128x128xf32, #tpu.memory_space<hbm>>
    %dma_start3A_971 = tpu.memref_slice %arg9[%dma_start3A_964] : memref<4x!tpu.dma_semaphore, #tpu.memory_space<semaphore_mem>> -> memref<1x!tpu.dma_semaphore, #tpu.memory_space<semaphore_mem>>
    %dma_start3A_972 = tpu.memref_squeeze %dma_start3A_971 : memref<1x!tpu.dma_semaphore, #tpu.memory_space<semaphore_mem>> -> memref<!tpu.dma_semaphore, #tpu.memory_space<semaphore_mem>>
    %dma_start3A_973 = arith.constant 0 : i32
    %dma_start3A_974 = tpu.memref_slice %arg4[%add3A_962, %dma_start3A_973] : memref<65536x128xf32, #tpu.memory_space<hbm>> -> memref<128x128xf32, #tpu.memory_space<hbm>>
    %dma_start3A_975 = arith.constant 0 : i32
    %dma_start3A_976 = arith.constant 0 : i32
    %dma_start3A_977 = tpu.memref_slice %arg6[%dma_start3A_963, %dma_start3A_975, %dma_start3A_976] : memref<4x128x128xf32, #tpu.memory_space<vmem>> -> memref<1x128x128xf32, #tpu.memory_space<vmem>>
    %dma_start3A_978 = tpu.memref_squeeze %dma_start3A_977 : memref<1x128x128xf32, #tpu.memory_space<vmem>> -> memref<128x128xf32, #tpu.memory_space<vmem>>
    tpu.enqueue_dma source(%dma_start3A_978 : memref<128x128xf32, #tpu.memory_space<vmem>>) target(%dma_start3A_974 : memref<128x128xf32, #tpu.memory_space<hbm>>) target_semaphore(%dma_start3A_972 : memref<!tpu.dma_semaphore, #tpu.memory_space<semaphore_mem>>)
    %dma_wait3A_979 = arith.constant 1 : i32
    %dma_wait3A_980 = arith.constant 1 : i32
    %dma_wait3A_981 = arith.constant 0 : i32
    %dma_wait3A_982 = arith.constant 0 : i32
    %dma_wait3A_983 = tpu.memref_slice %arg6[%dma_wait3A_979, %dma_wait3A_981, %dma_wait3A_982] : memref<4x128x128xf32, #tpu.memory_space<vmem>> -> memref<1x128x128xf32, #tpu.memory_space<vmem>>
    %dma_wait3A_984 = tpu.memref_squeeze %dma_wait3A_983 : memref<1x128x128xf32, #tpu.memory_space<vmem>> -> memref<128x128xf32, #tpu.memory_space<vmem>>
    %dma_wait3A_985 = arith.constant 0 : i32
    %dma_wait3A_986 = tpu.memref_slice %arg4[%add3A_913, %dma_wait3A_985] : memref<65536x128xf32, #tpu.memory_space<hbm>> -> memref<128x128xf32, #tpu.memory_space<hbm>>
    %dma_wait3A_987 = tpu.memref_slice %arg9[%dma_wait3A_980] : memref<4x!tpu.dma_semaphore, #tpu.memory_space<semaphore_mem>> -> memref<1x!tpu.dma_semaphore, #tpu.memory_space<semaphore_mem>>
    %dma_wait3A_988 = tpu.memref_squeeze %dma_wait3A_987 : memref<1x!tpu.dma_semaphore, #tpu.memory_space<semaphore_mem>> -> memref<!tpu.dma_semaphore, #tpu.memory_space<semaphore_mem>>
    %dma_wait3A_989 = arith.constant 0 : i32
    %dma_wait3A_990 = tpu.memref_slice %arg4[%add3A_913, %dma_wait3A_989] : memref<65536x128xf32, #tpu.memory_space<hbm>> -> memref<128x128xf32, #tpu.memory_space<hbm>>
    %dma_wait3A_991 = arith.constant 0 : i32
    %dma_wait3A_992 = arith.constant 0 : i32
    %dma_wait3A_993 = tpu.memref_slice %arg6[%dma_wait3A_979, %dma_wait3A_991, %dma_wait3A_992] : memref<4x128x128xf32, #tpu.memory_space<vmem>> -> memref<1x128x128xf32, #tpu.memory_space<vmem>>
    %dma_wait3A_994 = tpu.memref_squeeze %dma_wait3A_993 : memref<1x128x128xf32, #tpu.memory_space<vmem>> -> memref<128x128xf32, #tpu.memory_space<vmem>>
    tpu.wait_dma2 semaphore(%dma_wait3A_988 : memref<!tpu.dma_semaphore, #tpu.memory_space<semaphore_mem>>) src(%dma_wait3A_994 : memref<128x128xf32, #tpu.memory_space<vmem>>) dst(%dma_wait3A_990 : memref<128x128xf32, #tpu.memory_space<hbm>>)
    %dma_wait3A_995 = arith.constant 15 : i32
    %dma_wait3A_996 = arith.constant 3 : i32
    %dma_wait3A_997 = arith.constant 3 : i32
    %dma_wait3A_998 = arith.constant 0 : i32
    %dma_wait3A_999 = arith.constant 0 : i32
    %dma_wait3A_1000 = tpu.memref_slice %arg6[%dma_wait3A_996, %dma_wait3A_998, %dma_wait3A_999] : memref<4x128x128xf32, #tpu.memory_space<vmem>> -> memref<1x128x128xf32, #tpu.memory_space<vmem>>
    %dma_wait3A_1001 = tpu.memref_squeeze %dma_wait3A_1000 : memref<1x128x128xf32, #tpu.memory_space<vmem>> -> memref<128x128xf32, #tpu.memory_space<vmem>>
    %dma_wait3A_1002 = arith.constant 0 : i32
    %dma_wait3A_1003 = tpu.memref_slice %arg5[%dma_wait3A_995, %dma_wait3A_1002] : memref<16x128xi32, #tpu.memory_space<vmem>> -> memref<1x128xi32, #tpu.memory_space<vmem>>
    %dma_wait3A_1004 = tpu.memref_squeeze %dma_wait3A_1003 : memref<1x128xi32, #tpu.memory_space<vmem>> -> memref<128xi32, #tpu.memory_space<vmem>>
    %dma_wait3A_1005 = arith.constant 0 : i32
    %dma_wait3A_1006 = arith.constant 0 : i32
    %dma_wait3A_1007 = tpu.memref_slice %arg7[%dma_wait3A_1005, %dma_wait3A_1006] : memref<2048x128xf32, #tpu.memory_space<vmem_shared>> -> memref<2048x128xf32, #tpu.memory_space<vmem_shared>>
    %dma_wait3A_1008 = tpu.memref_slice %arg8[%dma_wait3A_997] : memref<4x!tpu.dma_semaphore, #tpu.memory_space<semaphore_mem>> -> memref<1x!tpu.dma_semaphore, #tpu.memory_space<semaphore_mem>>
    %dma_wait3A_1009 = tpu.memref_squeeze %dma_wait3A_1008 : memref<1x!tpu.dma_semaphore, #tpu.memory_space<semaphore_mem>> -> memref<!tpu.dma_semaphore, #tpu.memory_space<semaphore_mem>>
    tpu.wait_indirect_dma semaphore(%dma_wait3A_1009 : memref<!tpu.dma_semaphore, #tpu.memory_space<semaphore_mem>>) src(%dma_wait3A_1007 : memref<2048x128xf32, #tpu.memory_space<vmem_shared>>) dst(%dma_wait3A_1001 : memref<128x128xf32, #tpu.memory_space<vmem>>)
    %add3A_1010 = arith.constant 1920 : i32
    %add3A_1011 = arith.addi %add3A_35, %add3A_1010 : i32
    %dma_start3A_1012 = arith.constant 3 : i32
    %dma_start3A_1013 = arith.constant 3 : i32
    %dma_start3A_1014 = arith.constant 0 : i32
    %dma_start3A_1015 = arith.constant 0 : i32
    %dma_start3A_1016 = tpu.memref_slice %arg6[%dma_start3A_1012, %dma_start3A_1014, %dma_start3A_1015] : memref<4x128x128xf32, #tpu.memory_space<vmem>> -> memref<1x128x128xf32, #tpu.memory_space<vmem>>
    %dma_start3A_1017 = tpu.memref_squeeze %dma_start3A_1016 : memref<1x128x128xf32, #tpu.memory_space<vmem>> -> memref<128x128xf32, #tpu.memory_space<vmem>>
    %dma_start3A_1018 = arith.constant 0 : i32
    %dma_start3A_1019 = tpu.memref_slice %arg4[%add3A_1011, %dma_start3A_1018] : memref<65536x128xf32, #tpu.memory_space<hbm>> -> memref<128x128xf32, #tpu.memory_space<hbm>>
    %dma_start3A_1020 = tpu.memref_slice %arg9[%dma_start3A_1013] : memref<4x!tpu.dma_semaphore, #tpu.memory_space<semaphore_mem>> -> memref<1x!tpu.dma_semaphore, #tpu.memory_space<semaphore_mem>>
    %dma_start3A_1021 = tpu.memref_squeeze %dma_start3A_1020 : memref<1x!tpu.dma_semaphore, #tpu.memory_space<semaphore_mem>> -> memref<!tpu.dma_semaphore, #tpu.memory_space<semaphore_mem>>
    %dma_start3A_1022 = arith.constant 0 : i32
    %dma_start3A_1023 = tpu.memref_slice %arg4[%add3A_1011, %dma_start3A_1022] : memref<65536x128xf32, #tpu.memory_space<hbm>> -> memref<128x128xf32, #tpu.memory_space<hbm>>
    %dma_start3A_1024 = arith.constant 0 : i32
    %dma_start3A_1025 = arith.constant 0 : i32
    %dma_start3A_1026 = tpu.memref_slice %arg6[%dma_start3A_1012, %dma_start3A_1024, %dma_start3A_1025] : memref<4x128x128xf32, #tpu.memory_space<vmem>> -> memref<1x128x128xf32, #tpu.memory_space<vmem>>
    %dma_start3A_1027 = tpu.memref_squeeze %dma_start3A_1026 : memref<1x128x128xf32, #tpu.memory_space<vmem>> -> memref<128x128xf32, #tpu.memory_space<vmem>>
    tpu.enqueue_dma source(%dma_start3A_1027 : memref<128x128xf32, #tpu.memory_space<vmem>>) target(%dma_start3A_1023 : memref<128x128xf32, #tpu.memory_space<hbm>>) target_semaphore(%dma_start3A_1021 : memref<!tpu.dma_semaphore, #tpu.memory_space<semaphore_mem>>)
    %dma_wait3A_1028 = arith.constant 2 : i32
    %dma_wait3A_1029 = arith.constant 2 : i32
    %dma_wait3A_1030 = arith.constant 0 : i32
    %dma_wait3A_1031 = arith.constant 0 : i32
    %dma_wait3A_1032 = tpu.memref_slice %arg6[%dma_wait3A_1028, %dma_wait3A_1030, %dma_wait3A_1031] : memref<4x128x128xf32, #tpu.memory_space<vmem>> -> memref<1x128x128xf32, #tpu.memory_space<vmem>>
    %dma_wait3A_1033 = tpu.memref_squeeze %dma_wait3A_1032 : memref<1x128x128xf32, #tpu.memory_space<vmem>> -> memref<128x128xf32, #tpu.memory_space<vmem>>
    %dma_wait3A_1034 = arith.constant 0 : i32
    %dma_wait3A_1035 = tpu.memref_slice %arg4[%add3A_962, %dma_wait3A_1034] : memref<65536x128xf32, #tpu.memory_space<hbm>> -> memref<128x128xf32, #tpu.memory_space<hbm>>
    %dma_wait3A_1036 = tpu.memref_slice %arg9[%dma_wait3A_1029] : memref<4x!tpu.dma_semaphore, #tpu.memory_space<semaphore_mem>> -> memref<1x!tpu.dma_semaphore, #tpu.memory_space<semaphore_mem>>
    %dma_wait3A_1037 = tpu.memref_squeeze %dma_wait3A_1036 : memref<1x!tpu.dma_semaphore, #tpu.memory_space<semaphore_mem>> -> memref<!tpu.dma_semaphore, #tpu.memory_space<semaphore_mem>>
    %dma_wait3A_1038 = arith.constant 0 : i32
    %dma_wait3A_1039 = tpu.memref_slice %arg4[%add3A_962, %dma_wait3A_1038] : memref<65536x128xf32, #tpu.memory_space<hbm>> -> memref<128x128xf32, #tpu.memory_space<hbm>>
    %dma_wait3A_1040 = arith.constant 0 : i32
    %dma_wait3A_1041 = arith.constant 0 : i32
    %dma_wait3A_1042 = tpu.memref_slice %arg6[%dma_wait3A_1028, %dma_wait3A_1040, %dma_wait3A_1041] : memref<4x128x128xf32, #tpu.memory_space<vmem>> -> memref<1x128x128xf32, #tpu.memory_space<vmem>>
    %dma_wait3A_1043 = tpu.memref_squeeze %dma_wait3A_1042 : memref<1x128x128xf32, #tpu.memory_space<vmem>> -> memref<128x128xf32, #tpu.memory_space<vmem>>
    tpu.wait_dma2 semaphore(%dma_wait3A_1037 : memref<!tpu.dma_semaphore, #tpu.memory_space<semaphore_mem>>) src(%dma_wait3A_1043 : memref<128x128xf32, #tpu.memory_space<vmem>>) dst(%dma_wait3A_1039 : memref<128x128xf32, #tpu.memory_space<hbm>>)
    %dma_wait3A_1044 = arith.constant 3 : i32
    %dma_wait3A_1045 = arith.constant 3 : i32
    %dma_wait3A_1046 = arith.constant 0 : i32
    %dma_wait3A_1047 = arith.constant 0 : i32
    %dma_wait3A_1048 = tpu.memref_slice %arg6[%dma_wait3A_1044, %dma_wait3A_1046, %dma_wait3A_1047] : memref<4x128x128xf32, #tpu.memory_space<vmem>> -> memref<1x128x128xf32, #tpu.memory_space<vmem>>
    %dma_wait3A_1049 = tpu.memref_squeeze %dma_wait3A_1048 : memref<1x128x128xf32, #tpu.memory_space<vmem>> -> memref<128x128xf32, #tpu.memory_space<vmem>>
    %dma_wait3A_1050 = arith.constant 0 : i32
    %dma_wait3A_1051 = tpu.memref_slice %arg4[%add3A_1011, %dma_wait3A_1050] : memref<65536x128xf32, #tpu.memory_space<hbm>> -> memref<128x128xf32, #tpu.memory_space<hbm>>
    %dma_wait3A_1052 = tpu.memref_slice %arg9[%dma_wait3A_1045] : memref<4x!tpu.dma_semaphore, #tpu.memory_space<semaphore_mem>> -> memref<1x!tpu.dma_semaphore, #tpu.memory_space<semaphore_mem>>
    %dma_wait3A_1053 = tpu.memref_squeeze %dma_wait3A_1052 : memref<1x!tpu.dma_semaphore, #tpu.memory_space<semaphore_mem>> -> memref<!tpu.dma_semaphore, #tpu.memory_space<semaphore_mem>>
    %dma_wait3A_1054 = arith.constant 0 : i32
    %dma_wait3A_1055 = tpu.memref_slice %arg4[%add3A_1011, %dma_wait3A_1054] : memref<65536x128xf32, #tpu.memory_space<hbm>> -> memref<128x128xf32, #tpu.memory_space<hbm>>
    %dma_wait3A_1056 = arith.constant 0 : i32
    %dma_wait3A_1057 = arith.constant 0 : i32
    %dma_wait3A_1058 = tpu.memref_slice %arg6[%dma_wait3A_1044, %dma_wait3A_1056, %dma_wait3A_1057] : memref<4x128x128xf32, #tpu.memory_space<vmem>> -> memref<1x128x128xf32, #tpu.memory_space<vmem>>
    %dma_wait3A_1059 = tpu.memref_squeeze %dma_wait3A_1058 : memref<1x128x128xf32, #tpu.memory_space<vmem>> -> memref<128x128xf32, #tpu.memory_space<vmem>>
    tpu.wait_dma2 semaphore(%dma_wait3A_1053 : memref<!tpu.dma_semaphore, #tpu.memory_space<semaphore_mem>>) src(%dma_wait3A_1059 : memref<128x128xf32, #tpu.memory_space<vmem>>) dst(%dma_wait3A_1055 : memref<128x128xf32, #tpu.memory_space<hbm>>)
    return
  }
}

#map = affine_map<(d0, d1) -> (0, 0)>
#map1 = affine_map<(d0, d1) -> (0, 0, 0)>
module attributes {stable_mosaic.version = 14 : i64} {
  func.func @_seg_sum(%arg0: i32, %arg1: i32, %arg2: memref<65536x128xf32, #tpu.memory_space<hbm>>, %arg3: memref<32x16x128xi32, #tpu.memory_space<hbm>>, %arg4: memref<32x128x128xf32, #tpu.memory_space<hbm>>, %arg5: memref<16x128xi32, #tpu.memory_space<vmem>>, %arg6: memref<128x128xf32, #tpu.memory_space<vmem>>, %arg7: memref<128x128xf32, #tpu.memory_space<vmem>>, %arg8: memref<2048x128xf32, #tpu.memory_space<vmem_shared>>) attributes {dimension_semantics = [#tpu.dimension_semantics<core_parallel>, #tpu.dimension_semantics<subcore_parallel>], iteration_bounds = array<i64: 2, 16>, scalar_prefetch = 0 : i64, scratch_operands = 4 : i64, tpu.core_type = #tpu.core_type<sc_vector_subcore>, window_params = [{transform_indices = #map}, {transform_indices = #map1}, {transform_indices = #map1}]} {
    %mul3A = arith.constant 2 : i32
    %mul3A_0 = arith.muli %arg1, %mul3A : i32
    %add3A = arith.addi %mul3A_0, %arg0 : i32
    %jit3A = arith.constant 2 : i32
    %div3A = arith.divsi %add3A, %jit3A : i32
    %sign3A = arith.constant 0 : i32
    %sign3A_1 = arith.cmpi sgt, %add3A, %sign3A : i32
    %sign3A_2 = arith.extui %sign3A_1 : i1 to i32
    %sign3A_3 = arith.constant 0 : i32
    %sign3A_4 = arith.cmpi slt, %add3A, %sign3A_3 : i32
    %sign3A_5 = arith.extui %sign3A_4 : i1 to i32
    %sign3A_6 = arith.subi %sign3A_2, %sign3A_5 : i32
    %sign3A_7 = arith.constant 0 : i32
    %sign3A_8 = arith.cmpi sgt, %jit3A, %sign3A_7 : i32
    %sign3A_9 = arith.extui %sign3A_8 : i1 to i32
    %sign3A_10 = arith.constant 0 : i32
    %sign3A_11 = arith.cmpi slt, %jit3A, %sign3A_10 : i32
    %sign3A_12 = arith.extui %sign3A_11 : i1 to i32
    %sign3A_13 = arith.subi %sign3A_9, %sign3A_12 : i32
    %ne3A = arith.cmpi ne, %sign3A_6, %sign3A_13 : i32
    %rem3A = arith.remsi %add3A, %jit3A : i32
    %ne3A_14 = arith.constant 0 : i32
    %ne3A_15 = arith.cmpi ne, %rem3A, %ne3A_14 : i32
    %and3A = arith.andi %ne3A, %ne3A_15 : i1
    %sub3A = arith.constant 1 : i32
    %sub3A_16 = arith.subi %div3A, %sub3A : i32
    %select_n3A = arith.select %and3A, %sub3A_16, %div3A : i32
    %jit3A_17 = arith.constant 2 : i32
    %eq3A = arith.constant 0 : i32
    %eq3A_18 = arith.cmpi eq, %jit3A_17, %eq3A : i32
    %jit3A_19 = arith.constant 1 : i32
    %select_n3A_20 = arith.select %eq3A_18, %jit3A_19, %jit3A_17 : i32
    %rem3A_21 = arith.remsi %add3A, %select_n3A_20 : i32
    %ne3A_22 = arith.constant 0 : i32
    %ne3A_23 = arith.cmpi ne, %rem3A_21, %ne3A_22 : i32
    %lt3A = arith.constant 0 : i32
    %lt3A_24 = arith.cmpi slt, %rem3A_21, %lt3A : i32
    %lt3A_25 = arith.constant 0 : i32
    %lt3A_26 = arith.cmpi slt, %select_n3A_20, %lt3A_25 : i32
    %ne3A_27 = arith.xori %lt3A_24, %lt3A_26 : i1
    %and3A_28 = arith.andi %ne3A_27, %ne3A_23 : i1
    %add3A_29 = arith.addi %rem3A_21, %select_n3A_20 : i32
    %select_n3A_30 = arith.select %and3A_28, %add3A_29, %rem3A_21 : i32
    %mul3A_31 = arith.constant 4096 : i32
    %mul3A_32 = arith.muli %select_n3A, %mul3A_31 : i32
    %mul3A_33 = arith.constant 2048 : i32
    %mul3A_34 = arith.muli %select_n3A_30, %mul3A_33 : i32
    %add3A_35 = arith.addi %mul3A_32, %mul3A_34 : i32
    "tpu.region"() ({
      %run_scoped3A_91 = tpu.sem_alloc : memref<!tpu.dma_semaphore, #tpu.memory_space<semaphore_mem>>
      %dma_start3A = arith.constant 0 : i32
      %dma_start3A_92 = arith.constant 0 : i32
      %dma_start3A_93 = tpu.memref_slice %arg3[%add3A, %dma_start3A, %dma_start3A_92] : memref<32x16x128xi32, #tpu.memory_space<hbm>> -> memref<1x16x128xi32, #tpu.memory_space<hbm>>
      %dma_start3A_94 = tpu.memref_squeeze %dma_start3A_93 : memref<1x16x128xi32, #tpu.memory_space<hbm>> -> memref<16x128xi32, #tpu.memory_space<hbm>>
      %dma_start3A_95 = arith.constant 0 : i32
      %dma_start3A_96 = arith.constant 0 : i32
      %dma_start3A_97 = tpu.memref_slice %arg3[%add3A, %dma_start3A_95, %dma_start3A_96] : memref<32x16x128xi32, #tpu.memory_space<hbm>> -> memref<1x16x128xi32, #tpu.memory_space<hbm>>
      %dma_start3A_98 = tpu.memref_squeeze %dma_start3A_97 : memref<1x16x128xi32, #tpu.memory_space<hbm>> -> memref<16x128xi32, #tpu.memory_space<hbm>>
      tpu.enqueue_dma source(%dma_start3A_98 : memref<16x128xi32, #tpu.memory_space<hbm>>) target(%arg5 : memref<16x128xi32, #tpu.memory_space<vmem>>) target_semaphore(%run_scoped3A_91 : memref<!tpu.dma_semaphore, #tpu.memory_space<semaphore_mem>>)
      %dma_wait3A = arith.constant 0 : i32
      %dma_wait3A_99 = arith.constant 0 : i32
      %dma_wait3A_100 = tpu.memref_slice %arg3[%add3A, %dma_wait3A, %dma_wait3A_99] : memref<32x16x128xi32, #tpu.memory_space<hbm>> -> memref<1x16x128xi32, #tpu.memory_space<hbm>>
      %dma_wait3A_101 = tpu.memref_squeeze %dma_wait3A_100 : memref<1x16x128xi32, #tpu.memory_space<hbm>> -> memref<16x128xi32, #tpu.memory_space<hbm>>
      %dma_wait3A_102 = arith.constant 0 : i32
      %dma_wait3A_103 = arith.constant 0 : i32
      %dma_wait3A_104 = tpu.memref_slice %arg3[%add3A, %dma_wait3A_102, %dma_wait3A_103] : memref<32x16x128xi32, #tpu.memory_space<hbm>> -> memref<1x16x128xi32, #tpu.memory_space<hbm>>
      %dma_wait3A_105 = tpu.memref_squeeze %dma_wait3A_104 : memref<1x16x128xi32, #tpu.memory_space<hbm>> -> memref<16x128xi32, #tpu.memory_space<hbm>>
      tpu.wait_dma2 semaphore(%run_scoped3A_91 : memref<!tpu.dma_semaphore, #tpu.memory_space<semaphore_mem>>) src(%dma_wait3A_105 : memref<16x128xi32, #tpu.memory_space<hbm>>) dst(%arg5 : memref<16x128xi32, #tpu.memory_space<vmem>>)
      tpu.yield
    }) : () -> ()
    %broadcast_in_dim3A = arith.constant 0.000000e+00 : f32
    %broadcast_in_dim3A_36 = vector.broadcast %broadcast_in_dim3A : f32 to vector<16xf32>
    %scan3A = arith.constant 0 : i32
    %scan3A_37 = arith.constant 0 : i32
    %scan3A_38 = arith.constant 128 : i32
    %scan3A_39 = arith.addi %scan3A_37, %scan3A_38 : i32
    %scan3A_40 = arith.constant 1 : i32
    scf.for %scan3A_91 = %scan3A_37 to %scan3A_39 step %scan3A_40  : i32 {
      %swap3A = arith.index_cast %scan3A_91 : i32 to index
      %swap3A_92 = arith.constant 0 : index
      %swap3A_93 = tpu.vector_load %arg7[%swap3A, %swap3A_92] {strides = array<i32>} : memref<128x128xf32, #tpu.memory_space<vmem>>, vector<1x16xf32>,
      %swap3A_94 = vector.shape_cast %swap3A_93 : vector<1x16xf32> to vector<16xf32>
      %swap3A_95 = vector.shape_cast %broadcast_in_dim3A_36 : vector<16xf32> to vector<1x16xf32>
      tpu.vector_store %arg7[%swap3A, %swap3A_92], %swap3A_95 {strides = array<i32>} : memref<128x128xf32, #tpu.memory_space<vmem>>, vector<1x16xf32>,
      %swap3A_96 = arith.index_cast %scan3A_91 : i32 to index
      %swap3A_97 = arith.constant 16 : index
      %swap3A_98 = tpu.vector_load %arg7[%swap3A_96, %swap3A_97] {strides = array<i32>} : memref<128x128xf32, #tpu.memory_space<vmem>>, vector<1x16xf32>,
      %swap3A_99 = vector.shape_cast %swap3A_98 : vector<1x16xf32> to vector<16xf32>
      %swap3A_100 = vector.shape_cast %broadcast_in_dim3A_36 : vector<16xf32> to vector<1x16xf32>
      tpu.vector_store %arg7[%swap3A_96, %swap3A_97], %swap3A_100 {strides = array<i32>} : memref<128x128xf32, #tpu.memory_space<vmem>>, vector<1x16xf32>,
      %swap3A_101 = arith.index_cast %scan3A_91 : i32 to index
      %swap3A_102 = arith.constant 32 : index
      %swap3A_103 = tpu.vector_load %arg7[%swap3A_101, %swap3A_102] {strides = array<i32>} : memref<128x128xf32, #tpu.memory_space<vmem>>, vector<1x16xf32>,
      %swap3A_104 = vector.shape_cast %swap3A_103 : vector<1x16xf32> to vector<16xf32>
      %swap3A_105 = vector.shape_cast %broadcast_in_dim3A_36 : vector<16xf32> to vector<1x16xf32>
      tpu.vector_store %arg7[%swap3A_101, %swap3A_102], %swap3A_105 {strides = array<i32>} : memref<128x128xf32, #tpu.memory_space<vmem>>, vector<1x16xf32>,
      %swap3A_106 = arith.index_cast %scan3A_91 : i32 to index
      %swap3A_107 = arith.constant 48 : index
      %swap3A_108 = tpu.vector_load %arg7[%swap3A_106, %swap3A_107] {strides = array<i32>} : memref<128x128xf32, #tpu.memory_space<vmem>>, vector<1x16xf32>,
      %swap3A_109 = vector.shape_cast %swap3A_108 : vector<1x16xf32> to vector<16xf32>
      %swap3A_110 = vector.shape_cast %broadcast_in_dim3A_36 : vector<16xf32> to vector<1x16xf32>
      tpu.vector_store %arg7[%swap3A_106, %swap3A_107], %swap3A_110 {strides = array<i32>} : memref<128x128xf32, #tpu.memory_space<vmem>>, vector<1x16xf32>,
      %swap3A_111 = arith.index_cast %scan3A_91 : i32 to index
      %swap3A_112 = arith.constant 64 : index
      %swap3A_113 = tpu.vector_load %arg7[%swap3A_111, %swap3A_112] {strides = array<i32>} : memref<128x128xf32, #tpu.memory_space<vmem>>, vector<1x16xf32>,
      %swap3A_114 = vector.shape_cast %swap3A_113 : vector<1x16xf32> to vector<16xf32>
      %swap3A_115 = vector.shape_cast %broadcast_in_dim3A_36 : vector<16xf32> to vector<1x16xf32>
      tpu.vector_store %arg7[%swap3A_111, %swap3A_112], %swap3A_115 {strides = array<i32>} : memref<128x128xf32, #tpu.memory_space<vmem>>, vector<1x16xf32>,
      %swap3A_116 = arith.index_cast %scan3A_91 : i32 to index
      %swap3A_117 = arith.constant 80 : index
      %swap3A_118 = tpu.vector_load %arg7[%swap3A_116, %swap3A_117] {strides = array<i32>} : memref<128x128xf32, #tpu.memory_space<vmem>>, vector<1x16xf32>,
      %swap3A_119 = vector.shape_cast %swap3A_118 : vector<1x16xf32> to vector<16xf32>
      %swap3A_120 = vector.shape_cast %broadcast_in_dim3A_36 : vector<16xf32> to vector<1x16xf32>
      tpu.vector_store %arg7[%swap3A_116, %swap3A_117], %swap3A_120 {strides = array<i32>} : memref<128x128xf32, #tpu.memory_space<vmem>>, vector<1x16xf32>,
      %swap3A_121 = arith.index_cast %scan3A_91 : i32 to index
      %swap3A_122 = arith.constant 96 : index
      %swap3A_123 = tpu.vector_load %arg7[%swap3A_121, %swap3A_122] {strides = array<i32>} : memref<128x128xf32, #tpu.memory_space<vmem>>, vector<1x16xf32>,
      %swap3A_124 = vector.shape_cast %swap3A_123 : vector<1x16xf32> to vector<16xf32>
      %swap3A_125 = vector.shape_cast %broadcast_in_dim3A_36 : vector<16xf32> to vector<1x16xf32>
      tpu.vector_store %arg7[%swap3A_121, %swap3A_122], %swap3A_125 {strides = array<i32>} : memref<128x128xf32, #tpu.memory_space<vmem>>, vector<1x16xf32>,
      %swap3A_126 = arith.index_cast %scan3A_91 : i32 to index
      %swap3A_127 = arith.constant 112 : index
      %swap3A_128 = tpu.vector_load %arg7[%swap3A_126, %swap3A_127] {strides = array<i32>} : memref<128x128xf32, #tpu.memory_space<vmem>>, vector<1x16xf32>,
      %swap3A_129 = vector.shape_cast %swap3A_128 : vector<1x16xf32> to vector<16xf32>
      %swap3A_130 = vector.shape_cast %broadcast_in_dim3A_36 : vector<16xf32> to vector<1x16xf32>
      tpu.vector_store %arg7[%swap3A_126, %swap3A_127], %swap3A_130 {strides = array<i32>} : memref<128x128xf32, #tpu.memory_space<vmem>>, vector<1x16xf32>,
    }
    %scan3A_41 = arith.constant 128 : i32
    %mul3A_42 = arith.constant 128 : i32
    %mul3A_43 = arith.muli %arg1, %mul3A_42 : i32
    "tpu.region"() ({
      %run_scoped3A_91 = tpu.sem_alloc : memref<!tpu.dma_semaphore, #tpu.memory_space<semaphore_mem>>
      %dma_start3A = arith.constant 0 : i32
      %dma_start3A_92 = tpu.memref_slice %arg8[%mul3A_43, %dma_start3A] : memref<2048x128xf32, #tpu.memory_space<vmem_shared>> -> memref<128x128xf32, #tpu.memory_space<vmem_shared>>
      %dma_start3A_93 = arith.constant 0 : i32
      %dma_start3A_94 = tpu.memref_slice %arg8[%mul3A_43, %dma_start3A_93] : memref<2048x128xf32, #tpu.memory_space<vmem_shared>> -> memref<128x128xf32, #tpu.memory_space<vmem_shared>>
      tpu.enqueue_dma source(%arg7 : memref<128x128xf32, #tpu.memory_space<vmem>>) target(%dma_start3A_94 : memref<128x128xf32, #tpu.memory_space<vmem_shared>>) target_semaphore(%run_scoped3A_91 : memref<!tpu.dma_semaphore, #tpu.memory_space<semaphore_mem>>)
      %dma_wait3A = arith.constant 0 : i32
      %dma_wait3A_95 = tpu.memref_slice %arg8[%mul3A_43, %dma_wait3A] : memref<2048x128xf32, #tpu.memory_space<vmem_shared>> -> memref<128x128xf32, #tpu.memory_space<vmem_shared>>
      %dma_wait3A_96 = arith.constant 0 : i32
      %dma_wait3A_97 = tpu.memref_slice %arg8[%mul3A_43, %dma_wait3A_96] : memref<2048x128xf32, #tpu.memory_space<vmem_shared>> -> memref<128x128xf32, #tpu.memory_space<vmem_shared>>
      tpu.wait_dma2 semaphore(%run_scoped3A_91 : memref<!tpu.dma_semaphore, #tpu.memory_space<semaphore_mem>>) src(%arg7 : memref<128x128xf32, #tpu.memory_space<vmem>>) dst(%dma_wait3A_97 : memref<128x128xf32, #tpu.memory_space<vmem_shared>>)
      tpu.yield
    }) : () -> ()
    %add3A_44 = arith.constant 0 : i32
    %add3A_45 = arith.addi %add3A_35, %add3A_44 : i32
    "tpu.region"() ({
      %run_scoped3A_91 = tpu.sem_alloc : memref<!tpu.dma_semaphore, #tpu.memory_space<semaphore_mem>>
      %dma_start3A = arith.constant 0 : i32
      %dma_start3A_92 = tpu.memref_slice %arg2[%add3A_45, %dma_start3A] : memref<65536x128xf32, #tpu.memory_space<hbm>> -> memref<128x128xf32, #tpu.memory_space<hbm>>
      %dma_start3A_93 = arith.constant 0 : i32
      %dma_start3A_94 = tpu.memref_slice %arg2[%add3A_45, %dma_start3A_93] : memref<65536x128xf32, #tpu.memory_space<hbm>> -> memref<128x128xf32, #tpu.memory_space<hbm>>
      tpu.enqueue_dma source(%dma_start3A_94 : memref<128x128xf32, #tpu.memory_space<hbm>>) target(%arg6 : memref<128x128xf32, #tpu.memory_space<vmem>>) target_semaphore(%run_scoped3A_91 : memref<!tpu.dma_semaphore, #tpu.memory_space<semaphore_mem>>)
      %dma_wait3A = arith.constant 0 : i32
      %dma_wait3A_95 = tpu.memref_slice %arg2[%add3A_45, %dma_wait3A] : memref<65536x128xf32, #tpu.memory_space<hbm>> -> memref<128x128xf32, #tpu.memory_space<hbm>>
      %dma_wait3A_96 = arith.constant 0 : i32
      %dma_wait3A_97 = tpu.memref_slice %arg2[%add3A_45, %dma_wait3A_96] : memref<65536x128xf32, #tpu.memory_space<hbm>> -> memref<128x128xf32, #tpu.memory_space<hbm>>
      tpu.wait_dma2 semaphore(%run_scoped3A_91 : memref<!tpu.dma_semaphore, #tpu.memory_space<semaphore_mem>>) src(%dma_wait3A_97 : memref<128x128xf32, #tpu.memory_space<hbm>>) dst(%arg6 : memref<128x128xf32, #tpu.memory_space<vmem>>)
      tpu.yield
    }) : () -> ()
    %run_scoped3A = arith.constant 0 : i32
    "tpu.region"() ({
      %run_scoped3A_91 = tpu.sem_alloc : memref<!tpu.dma_semaphore, #tpu.memory_space<semaphore_mem>>
      %dma_start3A = arith.constant 0 : i32
      %dma_start3A_92 = tpu.memref_slice %arg5[%run_scoped3A, %dma_start3A] : memref<16x128xi32, #tpu.memory_space<vmem>> -> memref<1x128xi32, #tpu.memory_space<vmem>>
      %dma_start3A_93 = tpu.memref_squeeze %dma_start3A_92 : memref<1x128xi32, #tpu.memory_space<vmem>> -> memref<128xi32, #tpu.memory_space<vmem>>
      %dma_start3A_94 = arith.constant 0 : i32
      %dma_start3A_95 = arith.constant 0 : i32
      %dma_start3A_96 = tpu.memref_slice %arg8[%dma_start3A_94, %dma_start3A_95] : memref<2048x128xf32, #tpu.memory_space<vmem_shared>> -> memref<2048x128xf32, #tpu.memory_space<vmem_shared>>
      tpu.enqueue_indirect_dma source(%arg6 : memref<128x128xf32, #tpu.memory_space<vmem>>) target(%dma_start3A_96 : memref<2048x128xf32, #tpu.memory_space<vmem_shared>>) offsets(%dma_start3A_93 : memref<128xi32, #tpu.memory_space<vmem>>) semaphore(%run_scoped3A_91 : memref<!tpu.dma_semaphore, #tpu.memory_space<semaphore_mem>>) {add = true}
      %dma_wait3A = arith.constant 0 : i32
      %dma_wait3A_97 = tpu.memref_slice %arg5[%run_scoped3A, %dma_wait3A] : memref<16x128xi32, #tpu.memory_space<vmem>> -> memref<1x128xi32, #tpu.memory_space<vmem>>
      %dma_wait3A_98 = tpu.memref_squeeze %dma_wait3A_97 : memref<1x128xi32, #tpu.memory_space<vmem>> -> memref<128xi32, #tpu.memory_space<vmem>>
      %dma_wait3A_99 = arith.constant 0 : i32
      %dma_wait3A_100 = arith.constant 0 : i32
      %dma_wait3A_101 = tpu.memref_slice %arg8[%dma_wait3A_99, %dma_wait3A_100] : memref<2048x128xf32, #tpu.memory_space<vmem_shared>> -> memref<2048x128xf32, #tpu.memory_space<vmem_shared>>
      tpu.wait_indirect_dma semaphore(%run_scoped3A_91 : memref<!tpu.dma_semaphore, #tpu.memory_space<semaphore_mem>>) src(%arg6 : memref<128x128xf32, #tpu.memory_space<vmem>>) dst(%dma_wait3A_101 : memref<2048x128xf32, #tpu.memory_space<vmem_shared>>)
      tpu.yield
    }) : () -> ()
    %add3A_46 = arith.constant 128 : i32
    %add3A_47 = arith.addi %add3A_35, %add3A_46 : i32
    "tpu.region"() ({
      %run_scoped3A_91 = tpu.sem_alloc : memref<!tpu.dma_semaphore, #tpu.memory_space<semaphore_mem>>
      %dma_start3A = arith.constant 0 : i32
      %dma_start3A_92 = tpu.memref_slice %arg2[%add3A_47, %dma_start3A] : memref<65536x128xf32, #tpu.memory_space<hbm>> -> memref<128x128xf32, #tpu.memory_space<hbm>>
      %dma_start3A_93 = arith.constant 0 : i32
      %dma_start3A_94 = tpu.memref_slice %arg2[%add3A_47, %dma_start3A_93] : memref<65536x128xf32, #tpu.memory_space<hbm>> -> memref<128x128xf32, #tpu.memory_space<hbm>>
      tpu.enqueue_dma source(%dma_start3A_94 : memref<128x128xf32, #tpu.memory_space<hbm>>) target(%arg6 : memref<128x128xf32, #tpu.memory_space<vmem>>) target_semaphore(%run_scoped3A_91 : memref<!tpu.dma_semaphore, #tpu.memory_space<semaphore_mem>>)
      %dma_wait3A = arith.constant 0 : i32
      %dma_wait3A_95 = tpu.memref_slice %arg2[%add3A_47, %dma_wait3A] : memref<65536x128xf32, #tpu.memory_space<hbm>> -> memref<128x128xf32, #tpu.memory_space<hbm>>
      %dma_wait3A_96 = arith.constant 0 : i32
      %dma_wait3A_97 = tpu.memref_slice %arg2[%add3A_47, %dma_wait3A_96] : memref<65536x128xf32, #tpu.memory_space<hbm>> -> memref<128x128xf32, #tpu.memory_space<hbm>>
      tpu.wait_dma2 semaphore(%run_scoped3A_91 : memref<!tpu.dma_semaphore, #tpu.memory_space<semaphore_mem>>) src(%dma_wait3A_97 : memref<128x128xf32, #tpu.memory_space<hbm>>) dst(%arg6 : memref<128x128xf32, #tpu.memory_space<vmem>>)
      tpu.yield
    }) : () -> ()
    %run_scoped3A_48 = arith.constant 1 : i32
    "tpu.region"() ({
      %run_scoped3A_91 = tpu.sem_alloc : memref<!tpu.dma_semaphore, #tpu.memory_space<semaphore_mem>>
      %dma_start3A = arith.constant 0 : i32
      %dma_start3A_92 = tpu.memref_slice %arg5[%run_scoped3A_48, %dma_start3A] : memref<16x128xi32, #tpu.memory_space<vmem>> -> memref<1x128xi32, #tpu.memory_space<vmem>>
      %dma_start3A_93 = tpu.memref_squeeze %dma_start3A_92 : memref<1x128xi32, #tpu.memory_space<vmem>> -> memref<128xi32, #tpu.memory_space<vmem>>
      %dma_start3A_94 = arith.constant 0 : i32
      %dma_start3A_95 = arith.constant 0 : i32
      %dma_start3A_96 = tpu.memref_slice %arg8[%dma_start3A_94, %dma_start3A_95] : memref<2048x128xf32, #tpu.memory_space<vmem_shared>> -> memref<2048x128xf32, #tpu.memory_space<vmem_shared>>
      tpu.enqueue_indirect_dma source(%arg6 : memref<128x128xf32, #tpu.memory_space<vmem>>) target(%dma_start3A_96 : memref<2048x128xf32, #tpu.memory_space<vmem_shared>>) offsets(%dma_start3A_93 : memref<128xi32, #tpu.memory_space<vmem>>) semaphore(%run_scoped3A_91 : memref<!tpu.dma_semaphore, #tpu.memory_space<semaphore_mem>>) {add = true}
      %dma_wait3A = arith.constant 0 : i32
      %dma_wait3A_97 = tpu.memref_slice %arg5[%run_scoped3A_48, %dma_wait3A] : memref<16x128xi32, #tpu.memory_space<vmem>> -> memref<1x128xi32, #tpu.memory_space<vmem>>
      %dma_wait3A_98 = tpu.memref_squeeze %dma_wait3A_97 : memref<1x128xi32, #tpu.memory_space<vmem>> -> memref<128xi32, #tpu.memory_space<vmem>>
      %dma_wait3A_99 = arith.constant 0 : i32
      %dma_wait3A_100 = arith.constant 0 : i32
      %dma_wait3A_101 = tpu.memref_slice %arg8[%dma_wait3A_99, %dma_wait3A_100] : memref<2048x128xf32, #tpu.memory_space<vmem_shared>> -> memref<2048x128xf32, #tpu.memory_space<vmem_shared>>
      tpu.wait_indirect_dma semaphore(%run_scoped3A_91 : memref<!tpu.dma_semaphore, #tpu.memory_space<semaphore_mem>>) src(%arg6 : memref<128x128xf32, #tpu.memory_space<vmem>>) dst(%dma_wait3A_101 : memref<2048x128xf32, #tpu.memory_space<vmem_shared>>)
      tpu.yield
    }) : () -> ()
    %add3A_49 = arith.constant 256 : i32
    %add3A_50 = arith.addi %add3A_35, %add3A_49 : i32
    "tpu.region"() ({
      %run_scoped3A_91 = tpu.sem_alloc : memref<!tpu.dma_semaphore, #tpu.memory_space<semaphore_mem>>
      %dma_start3A = arith.constant 0 : i32
      %dma_start3A_92 = tpu.memref_slice %arg2[%add3A_50, %dma_start3A] : memref<65536x128xf32, #tpu.memory_space<hbm>> -> memref<128x128xf32, #tpu.memory_space<hbm>>
      %dma_start3A_93 = arith.constant 0 : i32
      %dma_start3A_94 = tpu.memref_slice %arg2[%add3A_50, %dma_start3A_93] : memref<65536x128xf32, #tpu.memory_space<hbm>> -> memref<128x128xf32, #tpu.memory_space<hbm>>
      tpu.enqueue_dma source(%dma_start3A_94 : memref<128x128xf32, #tpu.memory_space<hbm>>) target(%arg6 : memref<128x128xf32, #tpu.memory_space<vmem>>) target_semaphore(%run_scoped3A_91 : memref<!tpu.dma_semaphore, #tpu.memory_space<semaphore_mem>>)
      %dma_wait3A = arith.constant 0 : i32
      %dma_wait3A_95 = tpu.memref_slice %arg2[%add3A_50, %dma_wait3A] : memref<65536x128xf32, #tpu.memory_space<hbm>> -> memref<128x128xf32, #tpu.memory_space<hbm>>
      %dma_wait3A_96 = arith.constant 0 : i32
      %dma_wait3A_97 = tpu.memref_slice %arg2[%add3A_50, %dma_wait3A_96] : memref<65536x128xf32, #tpu.memory_space<hbm>> -> memref<128x128xf32, #tpu.memory_space<hbm>>
      tpu.wait_dma2 semaphore(%run_scoped3A_91 : memref<!tpu.dma_semaphore, #tpu.memory_space<semaphore_mem>>) src(%dma_wait3A_97 : memref<128x128xf32, #tpu.memory_space<hbm>>) dst(%arg6 : memref<128x128xf32, #tpu.memory_space<vmem>>)
      tpu.yield
    }) : () -> ()
    %run_scoped3A_51 = arith.constant 2 : i32
    "tpu.region"() ({
      %run_scoped3A_91 = tpu.sem_alloc : memref<!tpu.dma_semaphore, #tpu.memory_space<semaphore_mem>>
      %dma_start3A = arith.constant 0 : i32
      %dma_start3A_92 = tpu.memref_slice %arg5[%run_scoped3A_51, %dma_start3A] : memref<16x128xi32, #tpu.memory_space<vmem>> -> memref<1x128xi32, #tpu.memory_space<vmem>>
      %dma_start3A_93 = tpu.memref_squeeze %dma_start3A_92 : memref<1x128xi32, #tpu.memory_space<vmem>> -> memref<128xi32, #tpu.memory_space<vmem>>
      %dma_start3A_94 = arith.constant 0 : i32
      %dma_start3A_95 = arith.constant 0 : i32
      %dma_start3A_96 = tpu.memref_slice %arg8[%dma_start3A_94, %dma_start3A_95] : memref<2048x128xf32, #tpu.memory_space<vmem_shared>> -> memref<2048x128xf32, #tpu.memory_space<vmem_shared>>
      tpu.enqueue_indirect_dma source(%arg6 : memref<128x128xf32, #tpu.memory_space<vmem>>) target(%dma_start3A_96 : memref<2048x128xf32, #tpu.memory_space<vmem_shared>>) offsets(%dma_start3A_93 : memref<128xi32, #tpu.memory_space<vmem>>) semaphore(%run_scoped3A_91 : memref<!tpu.dma_semaphore, #tpu.memory_space<semaphore_mem>>) {add = true}
      %dma_wait3A = arith.constant 0 : i32
      %dma_wait3A_97 = tpu.memref_slice %arg5[%run_scoped3A_51, %dma_wait3A] : memref<16x128xi32, #tpu.memory_space<vmem>> -> memref<1x128xi32, #tpu.memory_space<vmem>>
      %dma_wait3A_98 = tpu.memref_squeeze %dma_wait3A_97 : memref<1x128xi32, #tpu.memory_space<vmem>> -> memref<128xi32, #tpu.memory_space<vmem>>
      %dma_wait3A_99 = arith.constant 0 : i32
      %dma_wait3A_100 = arith.constant 0 : i32
      %dma_wait3A_101 = tpu.memref_slice %arg8[%dma_wait3A_99, %dma_wait3A_100] : memref<2048x128xf32, #tpu.memory_space<vmem_shared>> -> memref<2048x128xf32, #tpu.memory_space<vmem_shared>>
      tpu.wait_indirect_dma semaphore(%run_scoped3A_91 : memref<!tpu.dma_semaphore, #tpu.memory_space<semaphore_mem>>) src(%arg6 : memref<128x128xf32, #tpu.memory_space<vmem>>) dst(%dma_wait3A_101 : memref<2048x128xf32, #tpu.memory_space<vmem_shared>>)
      tpu.yield
    }) : () -> ()
    %add3A_52 = arith.constant 384 : i32
    %add3A_53 = arith.addi %add3A_35, %add3A_52 : i32
    "tpu.region"() ({
      %run_scoped3A_91 = tpu.sem_alloc : memref<!tpu.dma_semaphore, #tpu.memory_space<semaphore_mem>>
      %dma_start3A = arith.constant 0 : i32
      %dma_start3A_92 = tpu.memref_slice %arg2[%add3A_53, %dma_start3A] : memref<65536x128xf32, #tpu.memory_space<hbm>> -> memref<128x128xf32, #tpu.memory_space<hbm>>
      %dma_start3A_93 = arith.constant 0 : i32
      %dma_start3A_94 = tpu.memref_slice %arg2[%add3A_53, %dma_start3A_93] : memref<65536x128xf32, #tpu.memory_space<hbm>> -> memref<128x128xf32, #tpu.memory_space<hbm>>
      tpu.enqueue_dma source(%dma_start3A_94 : memref<128x128xf32, #tpu.memory_space<hbm>>) target(%arg6 : memref<128x128xf32, #tpu.memory_space<vmem>>) target_semaphore(%run_scoped3A_91 : memref<!tpu.dma_semaphore, #tpu.memory_space<semaphore_mem>>)
      %dma_wait3A = arith.constant 0 : i32
      %dma_wait3A_95 = tpu.memref_slice %arg2[%add3A_53, %dma_wait3A] : memref<65536x128xf32, #tpu.memory_space<hbm>> -> memref<128x128xf32, #tpu.memory_space<hbm>>
      %dma_wait3A_96 = arith.constant 0 : i32
      %dma_wait3A_97 = tpu.memref_slice %arg2[%add3A_53, %dma_wait3A_96] : memref<65536x128xf32, #tpu.memory_space<hbm>> -> memref<128x128xf32, #tpu.memory_space<hbm>>
      tpu.wait_dma2 semaphore(%run_scoped3A_91 : memref<!tpu.dma_semaphore, #tpu.memory_space<semaphore_mem>>) src(%dma_wait3A_97 : memref<128x128xf32, #tpu.memory_space<hbm>>) dst(%arg6 : memref<128x128xf32, #tpu.memory_space<vmem>>)
      tpu.yield
    }) : () -> ()
    %run_scoped3A_54 = arith.constant 3 : i32
    "tpu.region"() ({
      %run_scoped3A_91 = tpu.sem_alloc : memref<!tpu.dma_semaphore, #tpu.memory_space<semaphore_mem>>
      %dma_start3A = arith.constant 0 : i32
      %dma_start3A_92 = tpu.memref_slice %arg5[%run_scoped3A_54, %dma_start3A] : memref<16x128xi32, #tpu.memory_space<vmem>> -> memref<1x128xi32, #tpu.memory_space<vmem>>
      %dma_start3A_93 = tpu.memref_squeeze %dma_start3A_92 : memref<1x128xi32, #tpu.memory_space<vmem>> -> memref<128xi32, #tpu.memory_space<vmem>>
      %dma_start3A_94 = arith.constant 0 : i32
      %dma_start3A_95 = arith.constant 0 : i32
      %dma_start3A_96 = tpu.memref_slice %arg8[%dma_start3A_94, %dma_start3A_95] : memref<2048x128xf32, #tpu.memory_space<vmem_shared>> -> memref<2048x128xf32, #tpu.memory_space<vmem_shared>>
      tpu.enqueue_indirect_dma source(%arg6 : memref<128x128xf32, #tpu.memory_space<vmem>>) target(%dma_start3A_96 : memref<2048x128xf32, #tpu.memory_space<vmem_shared>>) offsets(%dma_start3A_93 : memref<128xi32, #tpu.memory_space<vmem>>) semaphore(%run_scoped3A_91 : memref<!tpu.dma_semaphore, #tpu.memory_space<semaphore_mem>>) {add = true}
      %dma_wait3A = arith.constant 0 : i32
      %dma_wait3A_97 = tpu.memref_slice %arg5[%run_scoped3A_54, %dma_wait3A] : memref<16x128xi32, #tpu.memory_space<vmem>> -> memref<1x128xi32, #tpu.memory_space<vmem>>
      %dma_wait3A_98 = tpu.memref_squeeze %dma_wait3A_97 : memref<1x128xi32, #tpu.memory_space<vmem>> -> memref<128xi32, #tpu.memory_space<vmem>>
      %dma_wait3A_99 = arith.constant 0 : i32
      %dma_wait3A_100 = arith.constant 0 : i32
      %dma_wait3A_101 = tpu.memref_slice %arg8[%dma_wait3A_99, %dma_wait3A_100] : memref<2048x128xf32, #tpu.memory_space<vmem_shared>> -> memref<2048x128xf32, #tpu.memory_space<vmem_shared>>
      tpu.wait_indirect_dma semaphore(%run_scoped3A_91 : memref<!tpu.dma_semaphore, #tpu.memory_space<semaphore_mem>>) src(%arg6 : memref<128x128xf32, #tpu.memory_space<vmem>>) dst(%dma_wait3A_101 : memref<2048x128xf32, #tpu.memory_space<vmem_shared>>)
      tpu.yield
    }) : () -> ()
    %add3A_55 = arith.constant 512 : i32
    %add3A_56 = arith.addi %add3A_35, %add3A_55 : i32
    "tpu.region"() ({
      %run_scoped3A_91 = tpu.sem_alloc : memref<!tpu.dma_semaphore, #tpu.memory_space<semaphore_mem>>
      %dma_start3A = arith.constant 0 : i32
      %dma_start3A_92 = tpu.memref_slice %arg2[%add3A_56, %dma_start3A] : memref<65536x128xf32, #tpu.memory_space<hbm>> -> memref<128x128xf32, #tpu.memory_space<hbm>>
      %dma_start3A_93 = arith.constant 0 : i32
      %dma_start3A_94 = tpu.memref_slice %arg2[%add3A_56, %dma_start3A_93] : memref<65536x128xf32, #tpu.memory_space<hbm>> -> memref<128x128xf32, #tpu.memory_space<hbm>>
      tpu.enqueue_dma source(%dma_start3A_94 : memref<128x128xf32, #tpu.memory_space<hbm>>) target(%arg6 : memref<128x128xf32, #tpu.memory_space<vmem>>) target_semaphore(%run_scoped3A_91 : memref<!tpu.dma_semaphore, #tpu.memory_space<semaphore_mem>>)
      %dma_wait3A = arith.constant 0 : i32
      %dma_wait3A_95 = tpu.memref_slice %arg2[%add3A_56, %dma_wait3A] : memref<65536x128xf32, #tpu.memory_space<hbm>> -> memref<128x128xf32, #tpu.memory_space<hbm>>
      %dma_wait3A_96 = arith.constant 0 : i32
      %dma_wait3A_97 = tpu.memref_slice %arg2[%add3A_56, %dma_wait3A_96] : memref<65536x128xf32, #tpu.memory_space<hbm>> -> memref<128x128xf32, #tpu.memory_space<hbm>>
      tpu.wait_dma2 semaphore(%run_scoped3A_91 : memref<!tpu.dma_semaphore, #tpu.memory_space<semaphore_mem>>) src(%dma_wait3A_97 : memref<128x128xf32, #tpu.memory_space<hbm>>) dst(%arg6 : memref<128x128xf32, #tpu.memory_space<vmem>>)
      tpu.yield
    }) : () -> ()
    %run_scoped3A_57 = arith.constant 4 : i32
    "tpu.region"() ({
      %run_scoped3A_91 = tpu.sem_alloc : memref<!tpu.dma_semaphore, #tpu.memory_space<semaphore_mem>>
      %dma_start3A = arith.constant 0 : i32
      %dma_start3A_92 = tpu.memref_slice %arg5[%run_scoped3A_57, %dma_start3A] : memref<16x128xi32, #tpu.memory_space<vmem>> -> memref<1x128xi32, #tpu.memory_space<vmem>>
      %dma_start3A_93 = tpu.memref_squeeze %dma_start3A_92 : memref<1x128xi32, #tpu.memory_space<vmem>> -> memref<128xi32, #tpu.memory_space<vmem>>
      %dma_start3A_94 = arith.constant 0 : i32
      %dma_start3A_95 = arith.constant 0 : i32
      %dma_start3A_96 = tpu.memref_slice %arg8[%dma_start3A_94, %dma_start3A_95] : memref<2048x128xf32, #tpu.memory_space<vmem_shared>> -> memref<2048x128xf32, #tpu.memory_space<vmem_shared>>
      tpu.enqueue_indirect_dma source(%arg6 : memref<128x128xf32, #tpu.memory_space<vmem>>) target(%dma_start3A_96 : memref<2048x128xf32, #tpu.memory_space<vmem_shared>>) offsets(%dma_start3A_93 : memref<128xi32, #tpu.memory_space<vmem>>) semaphore(%run_scoped3A_91 : memref<!tpu.dma_semaphore, #tpu.memory_space<semaphore_mem>>) {add = true}
      %dma_wait3A = arith.constant 0 : i32
      %dma_wait3A_97 = tpu.memref_slice %arg5[%run_scoped3A_57, %dma_wait3A] : memref<16x128xi32, #tpu.memory_space<vmem>> -> memref<1x128xi32, #tpu.memory_space<vmem>>
      %dma_wait3A_98 = tpu.memref_squeeze %dma_wait3A_97 : memref<1x128xi32, #tpu.memory_space<vmem>> -> memref<128xi32, #tpu.memory_space<vmem>>
      %dma_wait3A_99 = arith.constant 0 : i32
      %dma_wait3A_100 = arith.constant 0 : i32
      %dma_wait3A_101 = tpu.memref_slice %arg8[%dma_wait3A_99, %dma_wait3A_100] : memref<2048x128xf32, #tpu.memory_space<vmem_shared>> -> memref<2048x128xf32, #tpu.memory_space<vmem_shared>>
      tpu.wait_indirect_dma semaphore(%run_scoped3A_91 : memref<!tpu.dma_semaphore, #tpu.memory_space<semaphore_mem>>) src(%arg6 : memref<128x128xf32, #tpu.memory_space<vmem>>) dst(%dma_wait3A_101 : memref<2048x128xf32, #tpu.memory_space<vmem_shared>>)
      tpu.yield
    }) : () -> ()
    %add3A_58 = arith.constant 640 : i32
    %add3A_59 = arith.addi %add3A_35, %add3A_58 : i32
    "tpu.region"() ({
      %run_scoped3A_91 = tpu.sem_alloc : memref<!tpu.dma_semaphore, #tpu.memory_space<semaphore_mem>>
      %dma_start3A = arith.constant 0 : i32
      %dma_start3A_92 = tpu.memref_slice %arg2[%add3A_59, %dma_start3A] : memref<65536x128xf32, #tpu.memory_space<hbm>> -> memref<128x128xf32, #tpu.memory_space<hbm>>
      %dma_start3A_93 = arith.constant 0 : i32
      %dma_start3A_94 = tpu.memref_slice %arg2[%add3A_59, %dma_start3A_93] : memref<65536x128xf32, #tpu.memory_space<hbm>> -> memref<128x128xf32, #tpu.memory_space<hbm>>
      tpu.enqueue_dma source(%dma_start3A_94 : memref<128x128xf32, #tpu.memory_space<hbm>>) target(%arg6 : memref<128x128xf32, #tpu.memory_space<vmem>>) target_semaphore(%run_scoped3A_91 : memref<!tpu.dma_semaphore, #tpu.memory_space<semaphore_mem>>)
      %dma_wait3A = arith.constant 0 : i32
      %dma_wait3A_95 = tpu.memref_slice %arg2[%add3A_59, %dma_wait3A] : memref<65536x128xf32, #tpu.memory_space<hbm>> -> memref<128x128xf32, #tpu.memory_space<hbm>>
      %dma_wait3A_96 = arith.constant 0 : i32
      %dma_wait3A_97 = tpu.memref_slice %arg2[%add3A_59, %dma_wait3A_96] : memref<65536x128xf32, #tpu.memory_space<hbm>> -> memref<128x128xf32, #tpu.memory_space<hbm>>
      tpu.wait_dma2 semaphore(%run_scoped3A_91 : memref<!tpu.dma_semaphore, #tpu.memory_space<semaphore_mem>>) src(%dma_wait3A_97 : memref<128x128xf32, #tpu.memory_space<hbm>>) dst(%arg6 : memref<128x128xf32, #tpu.memory_space<vmem>>)
      tpu.yield
    }) : () -> ()
    %run_scoped3A_60 = arith.constant 5 : i32
    "tpu.region"() ({
      %run_scoped3A_91 = tpu.sem_alloc : memref<!tpu.dma_semaphore, #tpu.memory_space<semaphore_mem>>
      %dma_start3A = arith.constant 0 : i32
      %dma_start3A_92 = tpu.memref_slice %arg5[%run_scoped3A_60, %dma_start3A] : memref<16x128xi32, #tpu.memory_space<vmem>> -> memref<1x128xi32, #tpu.memory_space<vmem>>
      %dma_start3A_93 = tpu.memref_squeeze %dma_start3A_92 : memref<1x128xi32, #tpu.memory_space<vmem>> -> memref<128xi32, #tpu.memory_space<vmem>>
      %dma_start3A_94 = arith.constant 0 : i32
      %dma_start3A_95 = arith.constant 0 : i32
      %dma_start3A_96 = tpu.memref_slice %arg8[%dma_start3A_94, %dma_start3A_95] : memref<2048x128xf32, #tpu.memory_space<vmem_shared>> -> memref<2048x128xf32, #tpu.memory_space<vmem_shared>>
      tpu.enqueue_indirect_dma source(%arg6 : memref<128x128xf32, #tpu.memory_space<vmem>>) target(%dma_start3A_96 : memref<2048x128xf32, #tpu.memory_space<vmem_shared>>) offsets(%dma_start3A_93 : memref<128xi32, #tpu.memory_space<vmem>>) semaphore(%run_scoped3A_91 : memref<!tpu.dma_semaphore, #tpu.memory_space<semaphore_mem>>) {add = true}
      %dma_wait3A = arith.constant 0 : i32
      %dma_wait3A_97 = tpu.memref_slice %arg5[%run_scoped3A_60, %dma_wait3A] : memref<16x128xi32, #tpu.memory_space<vmem>> -> memref<1x128xi32, #tpu.memory_space<vmem>>
      %dma_wait3A_98 = tpu.memref_squeeze %dma_wait3A_97 : memref<1x128xi32, #tpu.memory_space<vmem>> -> memref<128xi32, #tpu.memory_space<vmem>>
      %dma_wait3A_99 = arith.constant 0 : i32
      %dma_wait3A_100 = arith.constant 0 : i32
      %dma_wait3A_101 = tpu.memref_slice %arg8[%dma_wait3A_99, %dma_wait3A_100] : memref<2048x128xf32, #tpu.memory_space<vmem_shared>> -> memref<2048x128xf32, #tpu.memory_space<vmem_shared>>
      tpu.wait_indirect_dma semaphore(%run_scoped3A_91 : memref<!tpu.dma_semaphore, #tpu.memory_space<semaphore_mem>>) src(%arg6 : memref<128x128xf32, #tpu.memory_space<vmem>>) dst(%dma_wait3A_101 : memref<2048x128xf32, #tpu.memory_space<vmem_shared>>)
      tpu.yield
    }) : () -> ()
    %add3A_61 = arith.constant 768 : i32
    %add3A_62 = arith.addi %add3A_35, %add3A_61 : i32
    "tpu.region"() ({
      %run_scoped3A_91 = tpu.sem_alloc : memref<!tpu.dma_semaphore, #tpu.memory_space<semaphore_mem>>
      %dma_start3A = arith.constant 0 : i32
      %dma_start3A_92 = tpu.memref_slice %arg2[%add3A_62, %dma_start3A] : memref<65536x128xf32, #tpu.memory_space<hbm>> -> memref<128x128xf32, #tpu.memory_space<hbm>>
      %dma_start3A_93 = arith.constant 0 : i32
      %dma_start3A_94 = tpu.memref_slice %arg2[%add3A_62, %dma_start3A_93] : memref<65536x128xf32, #tpu.memory_space<hbm>> -> memref<128x128xf32, #tpu.memory_space<hbm>>
      tpu.enqueue_dma source(%dma_start3A_94 : memref<128x128xf32, #tpu.memory_space<hbm>>) target(%arg6 : memref<128x128xf32, #tpu.memory_space<vmem>>) target_semaphore(%run_scoped3A_91 : memref<!tpu.dma_semaphore, #tpu.memory_space<semaphore_mem>>)
      %dma_wait3A = arith.constant 0 : i32
      %dma_wait3A_95 = tpu.memref_slice %arg2[%add3A_62, %dma_wait3A] : memref<65536x128xf32, #tpu.memory_space<hbm>> -> memref<128x128xf32, #tpu.memory_space<hbm>>
      %dma_wait3A_96 = arith.constant 0 : i32
      %dma_wait3A_97 = tpu.memref_slice %arg2[%add3A_62, %dma_wait3A_96] : memref<65536x128xf32, #tpu.memory_space<hbm>> -> memref<128x128xf32, #tpu.memory_space<hbm>>
      tpu.wait_dma2 semaphore(%run_scoped3A_91 : memref<!tpu.dma_semaphore, #tpu.memory_space<semaphore_mem>>) src(%dma_wait3A_97 : memref<128x128xf32, #tpu.memory_space<hbm>>) dst(%arg6 : memref<128x128xf32, #tpu.memory_space<vmem>>)
      tpu.yield
    }) : () -> ()
    %run_scoped3A_63 = arith.constant 6 : i32
    "tpu.region"() ({
      %run_scoped3A_91 = tpu.sem_alloc : memref<!tpu.dma_semaphore, #tpu.memory_space<semaphore_mem>>
      %dma_start3A = arith.constant 0 : i32
      %dma_start3A_92 = tpu.memref_slice %arg5[%run_scoped3A_63, %dma_start3A] : memref<16x128xi32, #tpu.memory_space<vmem>> -> memref<1x128xi32, #tpu.memory_space<vmem>>
      %dma_start3A_93 = tpu.memref_squeeze %dma_start3A_92 : memref<1x128xi32, #tpu.memory_space<vmem>> -> memref<128xi32, #tpu.memory_space<vmem>>
      %dma_start3A_94 = arith.constant 0 : i32
      %dma_start3A_95 = arith.constant 0 : i32
      %dma_start3A_96 = tpu.memref_slice %arg8[%dma_start3A_94, %dma_start3A_95] : memref<2048x128xf32, #tpu.memory_space<vmem_shared>> -> memref<2048x128xf32, #tpu.memory_space<vmem_shared>>
      tpu.enqueue_indirect_dma source(%arg6 : memref<128x128xf32, #tpu.memory_space<vmem>>) target(%dma_start3A_96 : memref<2048x128xf32, #tpu.memory_space<vmem_shared>>) offsets(%dma_start3A_93 : memref<128xi32, #tpu.memory_space<vmem>>) semaphore(%run_scoped3A_91 : memref<!tpu.dma_semaphore, #tpu.memory_space<semaphore_mem>>) {add = true}
      %dma_wait3A = arith.constant 0 : i32
      %dma_wait3A_97 = tpu.memref_slice %arg5[%run_scoped3A_63, %dma_wait3A] : memref<16x128xi32, #tpu.memory_space<vmem>> -> memref<1x128xi32, #tpu.memory_space<vmem>>
      %dma_wait3A_98 = tpu.memref_squeeze %dma_wait3A_97 : memref<1x128xi32, #tpu.memory_space<vmem>> -> memref<128xi32, #tpu.memory_space<vmem>>
      %dma_wait3A_99 = arith.constant 0 : i32
      %dma_wait3A_100 = arith.constant 0 : i32
      %dma_wait3A_101 = tpu.memref_slice %arg8[%dma_wait3A_99, %dma_wait3A_100] : memref<2048x128xf32, #tpu.memory_space<vmem_shared>> -> memref<2048x128xf32, #tpu.memory_space<vmem_shared>>
      tpu.wait_indirect_dma semaphore(%run_scoped3A_91 : memref<!tpu.dma_semaphore, #tpu.memory_space<semaphore_mem>>) src(%arg6 : memref<128x128xf32, #tpu.memory_space<vmem>>) dst(%dma_wait3A_101 : memref<2048x128xf32, #tpu.memory_space<vmem_shared>>)
      tpu.yield
    }) : () -> ()
    %add3A_64 = arith.constant 896 : i32
    %add3A_65 = arith.addi %add3A_35, %add3A_64 : i32
    "tpu.region"() ({
      %run_scoped3A_91 = tpu.sem_alloc : memref<!tpu.dma_semaphore, #tpu.memory_space<semaphore_mem>>
      %dma_start3A = arith.constant 0 : i32
      %dma_start3A_92 = tpu.memref_slice %arg2[%add3A_65, %dma_start3A] : memref<65536x128xf32, #tpu.memory_space<hbm>> -> memref<128x128xf32, #tpu.memory_space<hbm>>
      %dma_start3A_93 = arith.constant 0 : i32
      %dma_start3A_94 = tpu.memref_slice %arg2[%add3A_65, %dma_start3A_93] : memref<65536x128xf32, #tpu.memory_space<hbm>> -> memref<128x128xf32, #tpu.memory_space<hbm>>
      tpu.enqueue_dma source(%dma_start3A_94 : memref<128x128xf32, #tpu.memory_space<hbm>>) target(%arg6 : memref<128x128xf32, #tpu.memory_space<vmem>>) target_semaphore(%run_scoped3A_91 : memref<!tpu.dma_semaphore, #tpu.memory_space<semaphore_mem>>)
      %dma_wait3A = arith.constant 0 : i32
      %dma_wait3A_95 = tpu.memref_slice %arg2[%add3A_65, %dma_wait3A] : memref<65536x128xf32, #tpu.memory_space<hbm>> -> memref<128x128xf32, #tpu.memory_space<hbm>>
      %dma_wait3A_96 = arith.constant 0 : i32
      %dma_wait3A_97 = tpu.memref_slice %arg2[%add3A_65, %dma_wait3A_96] : memref<65536x128xf32, #tpu.memory_space<hbm>> -> memref<128x128xf32, #tpu.memory_space<hbm>>
      tpu.wait_dma2 semaphore(%run_scoped3A_91 : memref<!tpu.dma_semaphore, #tpu.memory_space<semaphore_mem>>) src(%dma_wait3A_97 : memref<128x128xf32, #tpu.memory_space<hbm>>) dst(%arg6 : memref<128x128xf32, #tpu.memory_space<vmem>>)
      tpu.yield
    }) : () -> ()
    %run_scoped3A_66 = arith.constant 7 : i32
    "tpu.region"() ({
      %run_scoped3A_91 = tpu.sem_alloc : memref<!tpu.dma_semaphore, #tpu.memory_space<semaphore_mem>>
      %dma_start3A = arith.constant 0 : i32
      %dma_start3A_92 = tpu.memref_slice %arg5[%run_scoped3A_66, %dma_start3A] : memref<16x128xi32, #tpu.memory_space<vmem>> -> memref<1x128xi32, #tpu.memory_space<vmem>>
      %dma_start3A_93 = tpu.memref_squeeze %dma_start3A_92 : memref<1x128xi32, #tpu.memory_space<vmem>> -> memref<128xi32, #tpu.memory_space<vmem>>
      %dma_start3A_94 = arith.constant 0 : i32
      %dma_start3A_95 = arith.constant 0 : i32
      %dma_start3A_96 = tpu.memref_slice %arg8[%dma_start3A_94, %dma_start3A_95] : memref<2048x128xf32, #tpu.memory_space<vmem_shared>> -> memref<2048x128xf32, #tpu.memory_space<vmem_shared>>
      tpu.enqueue_indirect_dma source(%arg6 : memref<128x128xf32, #tpu.memory_space<vmem>>) target(%dma_start3A_96 : memref<2048x128xf32, #tpu.memory_space<vmem_shared>>) offsets(%dma_start3A_93 : memref<128xi32, #tpu.memory_space<vmem>>) semaphore(%run_scoped3A_91 : memref<!tpu.dma_semaphore, #tpu.memory_space<semaphore_mem>>) {add = true}
      %dma_wait3A = arith.constant 0 : i32
      %dma_wait3A_97 = tpu.memref_slice %arg5[%run_scoped3A_66, %dma_wait3A] : memref<16x128xi32, #tpu.memory_space<vmem>> -> memref<1x128xi32, #tpu.memory_space<vmem>>
      %dma_wait3A_98 = tpu.memref_squeeze %dma_wait3A_97 : memref<1x128xi32, #tpu.memory_space<vmem>> -> memref<128xi32, #tpu.memory_space<vmem>>
      %dma_wait3A_99 = arith.constant 0 : i32
      %dma_wait3A_100 = arith.constant 0 : i32
      %dma_wait3A_101 = tpu.memref_slice %arg8[%dma_wait3A_99, %dma_wait3A_100] : memref<2048x128xf32, #tpu.memory_space<vmem_shared>> -> memref<2048x128xf32, #tpu.memory_space<vmem_shared>>
      tpu.wait_indirect_dma semaphore(%run_scoped3A_91 : memref<!tpu.dma_semaphore, #tpu.memory_space<semaphore_mem>>) src(%arg6 : memref<128x128xf32, #tpu.memory_space<vmem>>) dst(%dma_wait3A_101 : memref<2048x128xf32, #tpu.memory_space<vmem_shared>>)
      tpu.yield
    }) : () -> ()
    %add3A_67 = arith.constant 1024 : i32
    %add3A_68 = arith.addi %add3A_35, %add3A_67 : i32
    "tpu.region"() ({
      %run_scoped3A_91 = tpu.sem_alloc : memref<!tpu.dma_semaphore, #tpu.memory_space<semaphore_mem>>
      %dma_start3A = arith.constant 0 : i32
      %dma_start3A_92 = tpu.memref_slice %arg2[%add3A_68, %dma_start3A] : memref<65536x128xf32, #tpu.memory_space<hbm>> -> memref<128x128xf32, #tpu.memory_space<hbm>>
      %dma_start3A_93 = arith.constant 0 : i32
      %dma_start3A_94 = tpu.memref_slice %arg2[%add3A_68, %dma_start3A_93] : memref<65536x128xf32, #tpu.memory_space<hbm>> -> memref<128x128xf32, #tpu.memory_space<hbm>>
      tpu.enqueue_dma source(%dma_start3A_94 : memref<128x128xf32, #tpu.memory_space<hbm>>) target(%arg6 : memref<128x128xf32, #tpu.memory_space<vmem>>) target_semaphore(%run_scoped3A_91 : memref<!tpu.dma_semaphore, #tpu.memory_space<semaphore_mem>>)
      %dma_wait3A = arith.constant 0 : i32
      %dma_wait3A_95 = tpu.memref_slice %arg2[%add3A_68, %dma_wait3A] : memref<65536x128xf32, #tpu.memory_space<hbm>> -> memref<128x128xf32, #tpu.memory_space<hbm>>
      %dma_wait3A_96 = arith.constant 0 : i32
      %dma_wait3A_97 = tpu.memref_slice %arg2[%add3A_68, %dma_wait3A_96] : memref<65536x128xf32, #tpu.memory_space<hbm>> -> memref<128x128xf32, #tpu.memory_space<hbm>>
      tpu.wait_dma2 semaphore(%run_scoped3A_91 : memref<!tpu.dma_semaphore, #tpu.memory_space<semaphore_mem>>) src(%dma_wait3A_97 : memref<128x128xf32, #tpu.memory_space<hbm>>) dst(%arg6 : memref<128x128xf32, #tpu.memory_space<vmem>>)
      tpu.yield
    }) : () -> ()
    %run_scoped3A_69 = arith.constant 8 : i32
    "tpu.region"() ({
      %run_scoped3A_91 = tpu.sem_alloc : memref<!tpu.dma_semaphore, #tpu.memory_space<semaphore_mem>>
      %dma_start3A = arith.constant 0 : i32
      %dma_start3A_92 = tpu.memref_slice %arg5[%run_scoped3A_69, %dma_start3A] : memref<16x128xi32, #tpu.memory_space<vmem>> -> memref<1x128xi32, #tpu.memory_space<vmem>>
      %dma_start3A_93 = tpu.memref_squeeze %dma_start3A_92 : memref<1x128xi32, #tpu.memory_space<vmem>> -> memref<128xi32, #tpu.memory_space<vmem>>
      %dma_start3A_94 = arith.constant 0 : i32
      %dma_start3A_95 = arith.constant 0 : i32
      %dma_start3A_96 = tpu.memref_slice %arg8[%dma_start3A_94, %dma_start3A_95] : memref<2048x128xf32, #tpu.memory_space<vmem_shared>> -> memref<2048x128xf32, #tpu.memory_space<vmem_shared>>
      tpu.enqueue_indirect_dma source(%arg6 : memref<128x128xf32, #tpu.memory_space<vmem>>) target(%dma_start3A_96 : memref<2048x128xf32, #tpu.memory_space<vmem_shared>>) offsets(%dma_start3A_93 : memref<128xi32, #tpu.memory_space<vmem>>) semaphore(%run_scoped3A_91 : memref<!tpu.dma_semaphore, #tpu.memory_space<semaphore_mem>>) {add = true}
      %dma_wait3A = arith.constant 0 : i32
      %dma_wait3A_97 = tpu.memref_slice %arg5[%run_scoped3A_69, %dma_wait3A] : memref<16x128xi32, #tpu.memory_space<vmem>> -> memref<1x128xi32, #tpu.memory_space<vmem>>
      %dma_wait3A_98 = tpu.memref_squeeze %dma_wait3A_97 : memref<1x128xi32, #tpu.memory_space<vmem>> -> memref<128xi32, #tpu.memory_space<vmem>>
      %dma_wait3A_99 = arith.constant 0 : i32
      %dma_wait3A_100 = arith.constant 0 : i32
      %dma_wait3A_101 = tpu.memref_slice %arg8[%dma_wait3A_99, %dma_wait3A_100] : memref<2048x128xf32, #tpu.memory_space<vmem_shared>> -> memref<2048x128xf32, #tpu.memory_space<vmem_shared>>
      tpu.wait_indirect_dma semaphore(%run_scoped3A_91 : memref<!tpu.dma_semaphore, #tpu.memory_space<semaphore_mem>>) src(%arg6 : memref<128x128xf32, #tpu.memory_space<vmem>>) dst(%dma_wait3A_101 : memref<2048x128xf32, #tpu.memory_space<vmem_shared>>)
      tpu.yield
    }) : () -> ()
    %add3A_70 = arith.constant 1152 : i32
    %add3A_71 = arith.addi %add3A_35, %add3A_70 : i32
    "tpu.region"() ({
      %run_scoped3A_91 = tpu.sem_alloc : memref<!tpu.dma_semaphore, #tpu.memory_space<semaphore_mem>>
      %dma_start3A = arith.constant 0 : i32
      %dma_start3A_92 = tpu.memref_slice %arg2[%add3A_71, %dma_start3A] : memref<65536x128xf32, #tpu.memory_space<hbm>> -> memref<128x128xf32, #tpu.memory_space<hbm>>
      %dma_start3A_93 = arith.constant 0 : i32
      %dma_start3A_94 = tpu.memref_slice %arg2[%add3A_71, %dma_start3A_93] : memref<65536x128xf32, #tpu.memory_space<hbm>> -> memref<128x128xf32, #tpu.memory_space<hbm>>
      tpu.enqueue_dma source(%dma_start3A_94 : memref<128x128xf32, #tpu.memory_space<hbm>>) target(%arg6 : memref<128x128xf32, #tpu.memory_space<vmem>>) target_semaphore(%run_scoped3A_91 : memref<!tpu.dma_semaphore, #tpu.memory_space<semaphore_mem>>)
      %dma_wait3A = arith.constant 0 : i32
      %dma_wait3A_95 = tpu.memref_slice %arg2[%add3A_71, %dma_wait3A] : memref<65536x128xf32, #tpu.memory_space<hbm>> -> memref<128x128xf32, #tpu.memory_space<hbm>>
      %dma_wait3A_96 = arith.constant 0 : i32
      %dma_wait3A_97 = tpu.memref_slice %arg2[%add3A_71, %dma_wait3A_96] : memref<65536x128xf32, #tpu.memory_space<hbm>> -> memref<128x128xf32, #tpu.memory_space<hbm>>
      tpu.wait_dma2 semaphore(%run_scoped3A_91 : memref<!tpu.dma_semaphore, #tpu.memory_space<semaphore_mem>>) src(%dma_wait3A_97 : memref<128x128xf32, #tpu.memory_space<hbm>>) dst(%arg6 : memref<128x128xf32, #tpu.memory_space<vmem>>)
      tpu.yield
    }) : () -> ()
    %run_scoped3A_72 = arith.constant 9 : i32
    "tpu.region"() ({
      %run_scoped3A_91 = tpu.sem_alloc : memref<!tpu.dma_semaphore, #tpu.memory_space<semaphore_mem>>
      %dma_start3A = arith.constant 0 : i32
      %dma_start3A_92 = tpu.memref_slice %arg5[%run_scoped3A_72, %dma_start3A] : memref<16x128xi32, #tpu.memory_space<vmem>> -> memref<1x128xi32, #tpu.memory_space<vmem>>
      %dma_start3A_93 = tpu.memref_squeeze %dma_start3A_92 : memref<1x128xi32, #tpu.memory_space<vmem>> -> memref<128xi32, #tpu.memory_space<vmem>>
      %dma_start3A_94 = arith.constant 0 : i32
      %dma_start3A_95 = arith.constant 0 : i32
      %dma_start3A_96 = tpu.memref_slice %arg8[%dma_start3A_94, %dma_start3A_95] : memref<2048x128xf32, #tpu.memory_space<vmem_shared>> -> memref<2048x128xf32, #tpu.memory_space<vmem_shared>>
      tpu.enqueue_indirect_dma source(%arg6 : memref<128x128xf32, #tpu.memory_space<vmem>>) target(%dma_start3A_96 : memref<2048x128xf32, #tpu.memory_space<vmem_shared>>) offsets(%dma_start3A_93 : memref<128xi32, #tpu.memory_space<vmem>>) semaphore(%run_scoped3A_91 : memref<!tpu.dma_semaphore, #tpu.memory_space<semaphore_mem>>) {add = true}
      %dma_wait3A = arith.constant 0 : i32
      %dma_wait3A_97 = tpu.memref_slice %arg5[%run_scoped3A_72, %dma_wait3A] : memref<16x128xi32, #tpu.memory_space<vmem>> -> memref<1x128xi32, #tpu.memory_space<vmem>>
      %dma_wait3A_98 = tpu.memref_squeeze %dma_wait3A_97 : memref<1x128xi32, #tpu.memory_space<vmem>> -> memref<128xi32, #tpu.memory_space<vmem>>
      %dma_wait3A_99 = arith.constant 0 : i32
      %dma_wait3A_100 = arith.constant 0 : i32
      %dma_wait3A_101 = tpu.memref_slice %arg8[%dma_wait3A_99, %dma_wait3A_100] : memref<2048x128xf32, #tpu.memory_space<vmem_shared>> -> memref<2048x128xf32, #tpu.memory_space<vmem_shared>>
      tpu.wait_indirect_dma semaphore(%run_scoped3A_91 : memref<!tpu.dma_semaphore, #tpu.memory_space<semaphore_mem>>) src(%arg6 : memref<128x128xf32, #tpu.memory_space<vmem>>) dst(%dma_wait3A_101 : memref<2048x128xf32, #tpu.memory_space<vmem_shared>>)
      tpu.yield
    }) : () -> ()
    %add3A_73 = arith.constant 1280 : i32
    %add3A_74 = arith.addi %add3A_35, %add3A_73 : i32
    "tpu.region"() ({
      %run_scoped3A_91 = tpu.sem_alloc : memref<!tpu.dma_semaphore, #tpu.memory_space<semaphore_mem>>
      %dma_start3A = arith.constant 0 : i32
      %dma_start3A_92 = tpu.memref_slice %arg2[%add3A_74, %dma_start3A] : memref<65536x128xf32, #tpu.memory_space<hbm>> -> memref<128x128xf32, #tpu.memory_space<hbm>>
      %dma_start3A_93 = arith.constant 0 : i32
      %dma_start3A_94 = tpu.memref_slice %arg2[%add3A_74, %dma_start3A_93] : memref<65536x128xf32, #tpu.memory_space<hbm>> -> memref<128x128xf32, #tpu.memory_space<hbm>>
      tpu.enqueue_dma source(%dma_start3A_94 : memref<128x128xf32, #tpu.memory_space<hbm>>) target(%arg6 : memref<128x128xf32, #tpu.memory_space<vmem>>) target_semaphore(%run_scoped3A_91 : memref<!tpu.dma_semaphore, #tpu.memory_space<semaphore_mem>>)
      %dma_wait3A = arith.constant 0 : i32
      %dma_wait3A_95 = tpu.memref_slice %arg2[%add3A_74, %dma_wait3A] : memref<65536x128xf32, #tpu.memory_space<hbm>> -> memref<128x128xf32, #tpu.memory_space<hbm>>
      %dma_wait3A_96 = arith.constant 0 : i32
      %dma_wait3A_97 = tpu.memref_slice %arg2[%add3A_74, %dma_wait3A_96] : memref<65536x128xf32, #tpu.memory_space<hbm>> -> memref<128x128xf32, #tpu.memory_space<hbm>>
      tpu.wait_dma2 semaphore(%run_scoped3A_91 : memref<!tpu.dma_semaphore, #tpu.memory_space<semaphore_mem>>) src(%dma_wait3A_97 : memref<128x128xf32, #tpu.memory_space<hbm>>) dst(%arg6 : memref<128x128xf32, #tpu.memory_space<vmem>>)
      tpu.yield
    }) : () -> ()
    %run_scoped3A_75 = arith.constant 10 : i32
    "tpu.region"() ({
      %run_scoped3A_91 = tpu.sem_alloc : memref<!tpu.dma_semaphore, #tpu.memory_space<semaphore_mem>>
      %dma_start3A = arith.constant 0 : i32
      %dma_start3A_92 = tpu.memref_slice %arg5[%run_scoped3A_75, %dma_start3A] : memref<16x128xi32, #tpu.memory_space<vmem>> -> memref<1x128xi32, #tpu.memory_space<vmem>>
      %dma_start3A_93 = tpu.memref_squeeze %dma_start3A_92 : memref<1x128xi32, #tpu.memory_space<vmem>> -> memref<128xi32, #tpu.memory_space<vmem>>
      %dma_start3A_94 = arith.constant 0 : i32
      %dma_start3A_95 = arith.constant 0 : i32
      %dma_start3A_96 = tpu.memref_slice %arg8[%dma_start3A_94, %dma_start3A_95] : memref<2048x128xf32, #tpu.memory_space<vmem_shared>> -> memref<2048x128xf32, #tpu.memory_space<vmem_shared>>
      tpu.enqueue_indirect_dma source(%arg6 : memref<128x128xf32, #tpu.memory_space<vmem>>) target(%dma_start3A_96 : memref<2048x128xf32, #tpu.memory_space<vmem_shared>>) offsets(%dma_start3A_93 : memref<128xi32, #tpu.memory_space<vmem>>) semaphore(%run_scoped3A_91 : memref<!tpu.dma_semaphore, #tpu.memory_space<semaphore_mem>>) {add = true}
      %dma_wait3A = arith.constant 0 : i32
      %dma_wait3A_97 = tpu.memref_slice %arg5[%run_scoped3A_75, %dma_wait3A] : memref<16x128xi32, #tpu.memory_space<vmem>> -> memref<1x128xi32, #tpu.memory_space<vmem>>
      %dma_wait3A_98 = tpu.memref_squeeze %dma_wait3A_97 : memref<1x128xi32, #tpu.memory_space<vmem>> -> memref<128xi32, #tpu.memory_space<vmem>>
      %dma_wait3A_99 = arith.constant 0 : i32
      %dma_wait3A_100 = arith.constant 0 : i32
      %dma_wait3A_101 = tpu.memref_slice %arg8[%dma_wait3A_99, %dma_wait3A_100] : memref<2048x128xf32, #tpu.memory_space<vmem_shared>> -> memref<2048x128xf32, #tpu.memory_space<vmem_shared>>
      tpu.wait_indirect_dma semaphore(%run_scoped3A_91 : memref<!tpu.dma_semaphore, #tpu.memory_space<semaphore_mem>>) src(%arg6 : memref<128x128xf32, #tpu.memory_space<vmem>>) dst(%dma_wait3A_101 : memref<2048x128xf32, #tpu.memory_space<vmem_shared>>)
      tpu.yield
    }) : () -> ()
    %add3A_76 = arith.constant 1408 : i32
    %add3A_77 = arith.addi %add3A_35, %add3A_76 : i32
    "tpu.region"() ({
      %run_scoped3A_91 = tpu.sem_alloc : memref<!tpu.dma_semaphore, #tpu.memory_space<semaphore_mem>>
      %dma_start3A = arith.constant 0 : i32
      %dma_start3A_92 = tpu.memref_slice %arg2[%add3A_77, %dma_start3A] : memref<65536x128xf32, #tpu.memory_space<hbm>> -> memref<128x128xf32, #tpu.memory_space<hbm>>
      %dma_start3A_93 = arith.constant 0 : i32
      %dma_start3A_94 = tpu.memref_slice %arg2[%add3A_77, %dma_start3A_93] : memref<65536x128xf32, #tpu.memory_space<hbm>> -> memref<128x128xf32, #tpu.memory_space<hbm>>
      tpu.enqueue_dma source(%dma_start3A_94 : memref<128x128xf32, #tpu.memory_space<hbm>>) target(%arg6 : memref<128x128xf32, #tpu.memory_space<vmem>>) target_semaphore(%run_scoped3A_91 : memref<!tpu.dma_semaphore, #tpu.memory_space<semaphore_mem>>)
      %dma_wait3A = arith.constant 0 : i32
      %dma_wait3A_95 = tpu.memref_slice %arg2[%add3A_77, %dma_wait3A] : memref<65536x128xf32, #tpu.memory_space<hbm>> -> memref<128x128xf32, #tpu.memory_space<hbm>>
      %dma_wait3A_96 = arith.constant 0 : i32
      %dma_wait3A_97 = tpu.memref_slice %arg2[%add3A_77, %dma_wait3A_96] : memref<65536x128xf32, #tpu.memory_space<hbm>> -> memref<128x128xf32, #tpu.memory_space<hbm>>
      tpu.wait_dma2 semaphore(%run_scoped3A_91 : memref<!tpu.dma_semaphore, #tpu.memory_space<semaphore_mem>>) src(%dma_wait3A_97 : memref<128x128xf32, #tpu.memory_space<hbm>>) dst(%arg6 : memref<128x128xf32, #tpu.memory_space<vmem>>)
      tpu.yield
    }) : () -> ()
    %run_scoped3A_78 = arith.constant 11 : i32
    "tpu.region"() ({
      %run_scoped3A_91 = tpu.sem_alloc : memref<!tpu.dma_semaphore, #tpu.memory_space<semaphore_mem>>
      %dma_start3A = arith.constant 0 : i32
      %dma_start3A_92 = tpu.memref_slice %arg5[%run_scoped3A_78, %dma_start3A] : memref<16x128xi32, #tpu.memory_space<vmem>> -> memref<1x128xi32, #tpu.memory_space<vmem>>
      %dma_start3A_93 = tpu.memref_squeeze %dma_start3A_92 : memref<1x128xi32, #tpu.memory_space<vmem>> -> memref<128xi32, #tpu.memory_space<vmem>>
      %dma_start3A_94 = arith.constant 0 : i32
      %dma_start3A_95 = arith.constant 0 : i32
      %dma_start3A_96 = tpu.memref_slice %arg8[%dma_start3A_94, %dma_start3A_95] : memref<2048x128xf32, #tpu.memory_space<vmem_shared>> -> memref<2048x128xf32, #tpu.memory_space<vmem_shared>>
      tpu.enqueue_indirect_dma source(%arg6 : memref<128x128xf32, #tpu.memory_space<vmem>>) target(%dma_start3A_96 : memref<2048x128xf32, #tpu.memory_space<vmem_shared>>) offsets(%dma_start3A_93 : memref<128xi32, #tpu.memory_space<vmem>>) semaphore(%run_scoped3A_91 : memref<!tpu.dma_semaphore, #tpu.memory_space<semaphore_mem>>) {add = true}
      %dma_wait3A = arith.constant 0 : i32
      %dma_wait3A_97 = tpu.memref_slice %arg5[%run_scoped3A_78, %dma_wait3A] : memref<16x128xi32, #tpu.memory_space<vmem>> -> memref<1x128xi32, #tpu.memory_space<vmem>>
      %dma_wait3A_98 = tpu.memref_squeeze %dma_wait3A_97 : memref<1x128xi32, #tpu.memory_space<vmem>> -> memref<128xi32, #tpu.memory_space<vmem>>
      %dma_wait3A_99 = arith.constant 0 : i32
      %dma_wait3A_100 = arith.constant 0 : i32
      %dma_wait3A_101 = tpu.memref_slice %arg8[%dma_wait3A_99, %dma_wait3A_100] : memref<2048x128xf32, #tpu.memory_space<vmem_shared>> -> memref<2048x128xf32, #tpu.memory_space<vmem_shared>>
      tpu.wait_indirect_dma semaphore(%run_scoped3A_91 : memref<!tpu.dma_semaphore, #tpu.memory_space<semaphore_mem>>) src(%arg6 : memref<128x128xf32, #tpu.memory_space<vmem>>) dst(%dma_wait3A_101 : memref<2048x128xf32, #tpu.memory_space<vmem_shared>>)
      tpu.yield
    }) : () -> ()
    %add3A_79 = arith.constant 1536 : i32
    %add3A_80 = arith.addi %add3A_35, %add3A_79 : i32
    "tpu.region"() ({
      %run_scoped3A_91 = tpu.sem_alloc : memref<!tpu.dma_semaphore, #tpu.memory_space<semaphore_mem>>
      %dma_start3A = arith.constant 0 : i32
      %dma_start3A_92 = tpu.memref_slice %arg2[%add3A_80, %dma_start3A] : memref<65536x128xf32, #tpu.memory_space<hbm>> -> memref<128x128xf32, #tpu.memory_space<hbm>>
      %dma_start3A_93 = arith.constant 0 : i32
      %dma_start3A_94 = tpu.memref_slice %arg2[%add3A_80, %dma_start3A_93] : memref<65536x128xf32, #tpu.memory_space<hbm>> -> memref<128x128xf32, #tpu.memory_space<hbm>>
      tpu.enqueue_dma source(%dma_start3A_94 : memref<128x128xf32, #tpu.memory_space<hbm>>) target(%arg6 : memref<128x128xf32, #tpu.memory_space<vmem>>) target_semaphore(%run_scoped3A_91 : memref<!tpu.dma_semaphore, #tpu.memory_space<semaphore_mem>>)
      %dma_wait3A = arith.constant 0 : i32
      %dma_wait3A_95 = tpu.memref_slice %arg2[%add3A_80, %dma_wait3A] : memref<65536x128xf32, #tpu.memory_space<hbm>> -> memref<128x128xf32, #tpu.memory_space<hbm>>
      %dma_wait3A_96 = arith.constant 0 : i32
      %dma_wait3A_97 = tpu.memref_slice %arg2[%add3A_80, %dma_wait3A_96] : memref<65536x128xf32, #tpu.memory_space<hbm>> -> memref<128x128xf32, #tpu.memory_space<hbm>>
      tpu.wait_dma2 semaphore(%run_scoped3A_91 : memref<!tpu.dma_semaphore, #tpu.memory_space<semaphore_mem>>) src(%dma_wait3A_97 : memref<128x128xf32, #tpu.memory_space<hbm>>) dst(%arg6 : memref<128x128xf32, #tpu.memory_space<vmem>>)
      tpu.yield
    }) : () -> ()
    %run_scoped3A_81 = arith.constant 12 : i32
    "tpu.region"() ({
      %run_scoped3A_91 = tpu.sem_alloc : memref<!tpu.dma_semaphore, #tpu.memory_space<semaphore_mem>>
      %dma_start3A = arith.constant 0 : i32
      %dma_start3A_92 = tpu.memref_slice %arg5[%run_scoped3A_81, %dma_start3A] : memref<16x128xi32, #tpu.memory_space<vmem>> -> memref<1x128xi32, #tpu.memory_space<vmem>>
      %dma_start3A_93 = tpu.memref_squeeze %dma_start3A_92 : memref<1x128xi32, #tpu.memory_space<vmem>> -> memref<128xi32, #tpu.memory_space<vmem>>
      %dma_start3A_94 = arith.constant 0 : i32
      %dma_start3A_95 = arith.constant 0 : i32
      %dma_start3A_96 = tpu.memref_slice %arg8[%dma_start3A_94, %dma_start3A_95] : memref<2048x128xf32, #tpu.memory_space<vmem_shared>> -> memref<2048x128xf32, #tpu.memory_space<vmem_shared>>
      tpu.enqueue_indirect_dma source(%arg6 : memref<128x128xf32, #tpu.memory_space<vmem>>) target(%dma_start3A_96 : memref<2048x128xf32, #tpu.memory_space<vmem_shared>>) offsets(%dma_start3A_93 : memref<128xi32, #tpu.memory_space<vmem>>) semaphore(%run_scoped3A_91 : memref<!tpu.dma_semaphore, #tpu.memory_space<semaphore_mem>>) {add = true}
      %dma_wait3A = arith.constant 0 : i32
      %dma_wait3A_97 = tpu.memref_slice %arg5[%run_scoped3A_81, %dma_wait3A] : memref<16x128xi32, #tpu.memory_space<vmem>> -> memref<1x128xi32, #tpu.memory_space<vmem>>
      %dma_wait3A_98 = tpu.memref_squeeze %dma_wait3A_97 : memref<1x128xi32, #tpu.memory_space<vmem>> -> memref<128xi32, #tpu.memory_space<vmem>>
      %dma_wait3A_99 = arith.constant 0 : i32
      %dma_wait3A_100 = arith.constant 0 : i32
      %dma_wait3A_101 = tpu.memref_slice %arg8[%dma_wait3A_99, %dma_wait3A_100] : memref<2048x128xf32, #tpu.memory_space<vmem_shared>> -> memref<2048x128xf32, #tpu.memory_space<vmem_shared>>
      tpu.wait_indirect_dma semaphore(%run_scoped3A_91 : memref<!tpu.dma_semaphore, #tpu.memory_space<semaphore_mem>>) src(%arg6 : memref<128x128xf32, #tpu.memory_space<vmem>>) dst(%dma_wait3A_101 : memref<2048x128xf32, #tpu.memory_space<vmem_shared>>)
      tpu.yield
    }) : () -> ()
    %add3A_82 = arith.constant 1664 : i32
    %add3A_83 = arith.addi %add3A_35, %add3A_82 : i32
    "tpu.region"() ({
      %run_scoped3A_91 = tpu.sem_alloc : memref<!tpu.dma_semaphore, #tpu.memory_space<semaphore_mem>>
      %dma_start3A = arith.constant 0 : i32
      %dma_start3A_92 = tpu.memref_slice %arg2[%add3A_83, %dma_start3A] : memref<65536x128xf32, #tpu.memory_space<hbm>> -> memref<128x128xf32, #tpu.memory_space<hbm>>
      %dma_start3A_93 = arith.constant 0 : i32
      %dma_start3A_94 = tpu.memref_slice %arg2[%add3A_83, %dma_start3A_93] : memref<65536x128xf32, #tpu.memory_space<hbm>> -> memref<128x128xf32, #tpu.memory_space<hbm>>
      tpu.enqueue_dma source(%dma_start3A_94 : memref<128x128xf32, #tpu.memory_space<hbm>>) target(%arg6 : memref<128x128xf32, #tpu.memory_space<vmem>>) target_semaphore(%run_scoped3A_91 : memref<!tpu.dma_semaphore, #tpu.memory_space<semaphore_mem>>)
      %dma_wait3A = arith.constant 0 : i32
      %dma_wait3A_95 = tpu.memref_slice %arg2[%add3A_83, %dma_wait3A] : memref<65536x128xf32, #tpu.memory_space<hbm>> -> memref<128x128xf32, #tpu.memory_space<hbm>>
      %dma_wait3A_96 = arith.constant 0 : i32
      %dma_wait3A_97 = tpu.memref_slice %arg2[%add3A_83, %dma_wait3A_96] : memref<65536x128xf32, #tpu.memory_space<hbm>> -> memref<128x128xf32, #tpu.memory_space<hbm>>
      tpu.wait_dma2 semaphore(%run_scoped3A_91 : memref<!tpu.dma_semaphore, #tpu.memory_space<semaphore_mem>>) src(%dma_wait3A_97 : memref<128x128xf32, #tpu.memory_space<hbm>>) dst(%arg6 : memref<128x128xf32, #tpu.memory_space<vmem>>)
      tpu.yield
    }) : () -> ()
    %run_scoped3A_84 = arith.constant 13 : i32
    "tpu.region"() ({
      %run_scoped3A_91 = tpu.sem_alloc : memref<!tpu.dma_semaphore, #tpu.memory_space<semaphore_mem>>
      %dma_start3A = arith.constant 0 : i32
      %dma_start3A_92 = tpu.memref_slice %arg5[%run_scoped3A_84, %dma_start3A] : memref<16x128xi32, #tpu.memory_space<vmem>> -> memref<1x128xi32, #tpu.memory_space<vmem>>
      %dma_start3A_93 = tpu.memref_squeeze %dma_start3A_92 : memref<1x128xi32, #tpu.memory_space<vmem>> -> memref<128xi32, #tpu.memory_space<vmem>>
      %dma_start3A_94 = arith.constant 0 : i32
      %dma_start3A_95 = arith.constant 0 : i32
      %dma_start3A_96 = tpu.memref_slice %arg8[%dma_start3A_94, %dma_start3A_95] : memref<2048x128xf32, #tpu.memory_space<vmem_shared>> -> memref<2048x128xf32, #tpu.memory_space<vmem_shared>>
      tpu.enqueue_indirect_dma source(%arg6 : memref<128x128xf32, #tpu.memory_space<vmem>>) target(%dma_start3A_96 : memref<2048x128xf32, #tpu.memory_space<vmem_shared>>) offsets(%dma_start3A_93 : memref<128xi32, #tpu.memory_space<vmem>>) semaphore(%run_scoped3A_91 : memref<!tpu.dma_semaphore, #tpu.memory_space<semaphore_mem>>) {add = true}
      %dma_wait3A = arith.constant 0 : i32
      %dma_wait3A_97 = tpu.memref_slice %arg5[%run_scoped3A_84, %dma_wait3A] : memref<16x128xi32, #tpu.memory_space<vmem>> -> memref<1x128xi32, #tpu.memory_space<vmem>>
      %dma_wait3A_98 = tpu.memref_squeeze %dma_wait3A_97 : memref<1x128xi32, #tpu.memory_space<vmem>> -> memref<128xi32, #tpu.memory_space<vmem>>
      %dma_wait3A_99 = arith.constant 0 : i32
      %dma_wait3A_100 = arith.constant 0 : i32
      %dma_wait3A_101 = tpu.memref_slice %arg8[%dma_wait3A_99, %dma_wait3A_100] : memref<2048x128xf32, #tpu.memory_space<vmem_shared>> -> memref<2048x128xf32, #tpu.memory_space<vmem_shared>>
      tpu.wait_indirect_dma semaphore(%run_scoped3A_91 : memref<!tpu.dma_semaphore, #tpu.memory_space<semaphore_mem>>) src(%arg6 : memref<128x128xf32, #tpu.memory_space<vmem>>) dst(%dma_wait3A_101 : memref<2048x128xf32, #tpu.memory_space<vmem_shared>>)
      tpu.yield
    }) : () -> ()
    %add3A_85 = arith.constant 1792 : i32
    %add3A_86 = arith.addi %add3A_35, %add3A_85 : i32
    "tpu.region"() ({
      %run_scoped3A_91 = tpu.sem_alloc : memref<!tpu.dma_semaphore, #tpu.memory_space<semaphore_mem>>
      %dma_start3A = arith.constant 0 : i32
      %dma_start3A_92 = tpu.memref_slice %arg2[%add3A_86, %dma_start3A] : memref<65536x128xf32, #tpu.memory_space<hbm>> -> memref<128x128xf32, #tpu.memory_space<hbm>>
      %dma_start3A_93 = arith.constant 0 : i32
      %dma_start3A_94 = tpu.memref_slice %arg2[%add3A_86, %dma_start3A_93] : memref<65536x128xf32, #tpu.memory_space<hbm>> -> memref<128x128xf32, #tpu.memory_space<hbm>>
      tpu.enqueue_dma source(%dma_start3A_94 : memref<128x128xf32, #tpu.memory_space<hbm>>) target(%arg6 : memref<128x128xf32, #tpu.memory_space<vmem>>) target_semaphore(%run_scoped3A_91 : memref<!tpu.dma_semaphore, #tpu.memory_space<semaphore_mem>>)
      %dma_wait3A = arith.constant 0 : i32
      %dma_wait3A_95 = tpu.memref_slice %arg2[%add3A_86, %dma_wait3A] : memref<65536x128xf32, #tpu.memory_space<hbm>> -> memref<128x128xf32, #tpu.memory_space<hbm>>
      %dma_wait3A_96 = arith.constant 0 : i32
      %dma_wait3A_97 = tpu.memref_slice %arg2[%add3A_86, %dma_wait3A_96] : memref<65536x128xf32, #tpu.memory_space<hbm>> -> memref<128x128xf32, #tpu.memory_space<hbm>>
      tpu.wait_dma2 semaphore(%run_scoped3A_91 : memref<!tpu.dma_semaphore, #tpu.memory_space<semaphore_mem>>) src(%dma_wait3A_97 : memref<128x128xf32, #tpu.memory_space<hbm>>) dst(%arg6 : memref<128x128xf32, #tpu.memory_space<vmem>>)
      tpu.yield
    }) : () -> ()
    %run_scoped3A_87 = arith.constant 14 : i32
    "tpu.region"() ({
      %run_scoped3A_91 = tpu.sem_alloc : memref<!tpu.dma_semaphore, #tpu.memory_space<semaphore_mem>>
      %dma_start3A = arith.constant 0 : i32
      %dma_start3A_92 = tpu.memref_slice %arg5[%run_scoped3A_87, %dma_start3A] : memref<16x128xi32, #tpu.memory_space<vmem>> -> memref<1x128xi32, #tpu.memory_space<vmem>>
      %dma_start3A_93 = tpu.memref_squeeze %dma_start3A_92 : memref<1x128xi32, #tpu.memory_space<vmem>> -> memref<128xi32, #tpu.memory_space<vmem>>
      %dma_start3A_94 = arith.constant 0 : i32
      %dma_start3A_95 = arith.constant 0 : i32
      %dma_start3A_96 = tpu.memref_slice %arg8[%dma_start3A_94, %dma_start3A_95] : memref<2048x128xf32, #tpu.memory_space<vmem_shared>> -> memref<2048x128xf32, #tpu.memory_space<vmem_shared>>
      tpu.enqueue_indirect_dma source(%arg6 : memref<128x128xf32, #tpu.memory_space<vmem>>) target(%dma_start3A_96 : memref<2048x128xf32, #tpu.memory_space<vmem_shared>>) offsets(%dma_start3A_93 : memref<128xi32, #tpu.memory_space<vmem>>) semaphore(%run_scoped3A_91 : memref<!tpu.dma_semaphore, #tpu.memory_space<semaphore_mem>>) {add = true}
      %dma_wait3A = arith.constant 0 : i32
      %dma_wait3A_97 = tpu.memref_slice %arg5[%run_scoped3A_87, %dma_wait3A] : memref<16x128xi32, #tpu.memory_space<vmem>> -> memref<1x128xi32, #tpu.memory_space<vmem>>
      %dma_wait3A_98 = tpu.memref_squeeze %dma_wait3A_97 : memref<1x128xi32, #tpu.memory_space<vmem>> -> memref<128xi32, #tpu.memory_space<vmem>>
      %dma_wait3A_99 = arith.constant 0 : i32
      %dma_wait3A_100 = arith.constant 0 : i32
      %dma_wait3A_101 = tpu.memref_slice %arg8[%dma_wait3A_99, %dma_wait3A_100] : memref<2048x128xf32, #tpu.memory_space<vmem_shared>> -> memref<2048x128xf32, #tpu.memory_space<vmem_shared>>
      tpu.wait_indirect_dma semaphore(%run_scoped3A_91 : memref<!tpu.dma_semaphore, #tpu.memory_space<semaphore_mem>>) src(%arg6 : memref<128x128xf32, #tpu.memory_space<vmem>>) dst(%dma_wait3A_101 : memref<2048x128xf32, #tpu.memory_space<vmem_shared>>)
      tpu.yield
    }) : () -> ()
    %add3A_88 = arith.constant 1920 : i32
    %add3A_89 = arith.addi %add3A_35, %add3A_88 : i32
    "tpu.region"() ({
      %run_scoped3A_91 = tpu.sem_alloc : memref<!tpu.dma_semaphore, #tpu.memory_space<semaphore_mem>>
      %dma_start3A = arith.constant 0 : i32
      %dma_start3A_92 = tpu.memref_slice %arg2[%add3A_89, %dma_start3A] : memref<65536x128xf32, #tpu.memory_space<hbm>> -> memref<128x128xf32, #tpu.memory_space<hbm>>
      %dma_start3A_93 = arith.constant 0 : i32
      %dma_start3A_94 = tpu.memref_slice %arg2[%add3A_89, %dma_start3A_93] : memref<65536x128xf32, #tpu.memory_space<hbm>> -> memref<128x128xf32, #tpu.memory_space<hbm>>
      tpu.enqueue_dma source(%dma_start3A_94 : memref<128x128xf32, #tpu.memory_space<hbm>>) target(%arg6 : memref<128x128xf32, #tpu.memory_space<vmem>>) target_semaphore(%run_scoped3A_91 : memref<!tpu.dma_semaphore, #tpu.memory_space<semaphore_mem>>)
      %dma_wait3A = arith.constant 0 : i32
      %dma_wait3A_95 = tpu.memref_slice %arg2[%add3A_89, %dma_wait3A] : memref<65536x128xf32, #tpu.memory_space<hbm>> -> memref<128x128xf32, #tpu.memory_space<hbm>>
      %dma_wait3A_96 = arith.constant 0 : i32
      %dma_wait3A_97 = tpu.memref_slice %arg2[%add3A_89, %dma_wait3A_96] : memref<65536x128xf32, #tpu.memory_space<hbm>> -> memref<128x128xf32, #tpu.memory_space<hbm>>
      tpu.wait_dma2 semaphore(%run_scoped3A_91 : memref<!tpu.dma_semaphore, #tpu.memory_space<semaphore_mem>>) src(%dma_wait3A_97 : memref<128x128xf32, #tpu.memory_space<hbm>>) dst(%arg6 : memref<128x128xf32, #tpu.memory_space<vmem>>)
      tpu.yield
    }) : () -> ()
    %run_scoped3A_90 = arith.constant 15 : i32
    "tpu.region"() ({
      %run_scoped3A_91 = tpu.sem_alloc : memref<!tpu.dma_semaphore, #tpu.memory_space<semaphore_mem>>
      %dma_start3A = arith.constant 0 : i32
      %dma_start3A_92 = tpu.memref_slice %arg5[%run_scoped3A_90, %dma_start3A] : memref<16x128xi32, #tpu.memory_space<vmem>> -> memref<1x128xi32, #tpu.memory_space<vmem>>
      %dma_start3A_93 = tpu.memref_squeeze %dma_start3A_92 : memref<1x128xi32, #tpu.memory_space<vmem>> -> memref<128xi32, #tpu.memory_space<vmem>>
      %dma_start3A_94 = arith.constant 0 : i32
      %dma_start3A_95 = arith.constant 0 : i32
      %dma_start3A_96 = tpu.memref_slice %arg8[%dma_start3A_94, %dma_start3A_95] : memref<2048x128xf32, #tpu.memory_space<vmem_shared>> -> memref<2048x128xf32, #tpu.memory_space<vmem_shared>>
      tpu.enqueue_indirect_dma source(%arg6 : memref<128x128xf32, #tpu.memory_space<vmem>>) target(%dma_start3A_96 : memref<2048x128xf32, #tpu.memory_space<vmem_shared>>) offsets(%dma_start3A_93 : memref<128xi32, #tpu.memory_space<vmem>>) semaphore(%run_scoped3A_91 : memref<!tpu.dma_semaphore, #tpu.memory_space<semaphore_mem>>) {add = true}
      %dma_wait3A = arith.constant 0 : i32
      %dma_wait3A_97 = tpu.memref_slice %arg5[%run_scoped3A_90, %dma_wait3A] : memref<16x128xi32, #tpu.memory_space<vmem>> -> memref<1x128xi32, #tpu.memory_space<vmem>>
      %dma_wait3A_98 = tpu.memref_squeeze %dma_wait3A_97 : memref<1x128xi32, #tpu.memory_space<vmem>> -> memref<128xi32, #tpu.memory_space<vmem>>
      %dma_wait3A_99 = arith.constant 0 : i32
      %dma_wait3A_100 = arith.constant 0 : i32
      %dma_wait3A_101 = tpu.memref_slice %arg8[%dma_wait3A_99, %dma_wait3A_100] : memref<2048x128xf32, #tpu.memory_space<vmem_shared>> -> memref<2048x128xf32, #tpu.memory_space<vmem_shared>>
      tpu.wait_indirect_dma semaphore(%run_scoped3A_91 : memref<!tpu.dma_semaphore, #tpu.memory_space<semaphore_mem>>) src(%arg6 : memref<128x128xf32, #tpu.memory_space<vmem>>) dst(%dma_wait3A_101 : memref<2048x128xf32, #tpu.memory_space<vmem_shared>>)
      tpu.yield
    }) : () -> ()
    "tpu.region"() ({
      %run_scoped3A_91 = tpu.sem_alloc : memref<!tpu.dma_semaphore, #tpu.memory_space<semaphore_mem>>
      %dma_start3A = arith.constant 0 : i32
      %dma_start3A_92 = arith.constant 0 : i32
      %dma_start3A_93 = tpu.memref_slice %arg4[%add3A, %dma_start3A, %dma_start3A_92] : memref<32x128x128xf32, #tpu.memory_space<hbm>> -> memref<1x128x128xf32, #tpu.memory_space<hbm>>
      %dma_start3A_94 = tpu.memref_squeeze %dma_start3A_93 : memref<1x128x128xf32, #tpu.memory_space<hbm>> -> memref<128x128xf32, #tpu.memory_space<hbm>>
      %dma_start3A_95 = arith.constant 0 : i32
      %dma_start3A_96 = tpu.memref_slice %arg8[%mul3A_43, %dma_start3A_95] : memref<2048x128xf32, #tpu.memory_space<vmem_shared>> -> memref<128x128xf32, #tpu.memory_space<vmem_shared>>
      tpu.enqueue_dma source(%dma_start3A_96 : memref<128x128xf32, #tpu.memory_space<vmem_shared>>) target(%dma_start3A_94 : memref<128x128xf32, #tpu.memory_space<hbm>>) target_semaphore(%run_scoped3A_91 : memref<!tpu.dma_semaphore, #tpu.memory_space<semaphore_mem>>)
      %dma_wait3A = arith.constant 0 : i32
      %dma_wait3A_97 = arith.constant 0 : i32
      %dma_wait3A_98 = tpu.memref_slice %arg4[%add3A, %dma_wait3A, %dma_wait3A_97] : memref<32x128x128xf32, #tpu.memory_space<hbm>> -> memref<1x128x128xf32, #tpu.memory_space<hbm>>
      %dma_wait3A_99 = tpu.memref_squeeze %dma_wait3A_98 : memref<1x128x128xf32, #tpu.memory_space<hbm>> -> memref<128x128xf32, #tpu.memory_space<hbm>>
      %dma_wait3A_100 = arith.constant 0 : i32
      %dma_wait3A_101 = tpu.memref_slice %arg8[%mul3A_43, %dma_wait3A_100] : memref<2048x128xf32, #tpu.memory_space<vmem_shared>> -> memref<128x128xf32, #tpu.memory_space<vmem_shared>>
      tpu.wait_dma2 semaphore(%run_scoped3A_91 : memref<!tpu.dma_semaphore, #tpu.memory_space<semaphore_mem>>) src(%dma_wait3A_101 : memref<128x128xf32, #tpu.memory_space<vmem_shared>>) dst(%dma_wait3A_99 : memref<128x128xf32, #tpu.memory_space<hbm>>)
      tpu.yield
    }) : () -> ()
    return
  }
}

module attributes {stable_mosaic.version = 14 : i64} {
  func.func @_tc_body(%arg0: i32, %arg1: memref<1x2x128x128xf32, #tpu.memory_space<vmem>>, %arg2: memref<1x32x128xi32, #tpu.memory_space<vmem>>, %arg3: memref<128x128xf32, #tpu.memory_space<vmem>>, %arg4: memref<1x128xf32, #tpu.memory_space<vmem>>, %arg5: memref<1x128x128xf32, #tpu.memory_space<vmem>>) attributes {dimension_semantics = [#tpu.dimension_semantics<arbitrary>], iteration_bounds = array<i64: 16>, scalar_prefetch = 0 : i64, scratch_operands = 0 : i64, tpu.core_type = #tpu.core_type<tc>, window_params = [{transform_indices = @transform_0, window_bounds = array<i64: 1, 2, 128, 128>}, {transform_indices = @transform_1, window_bounds = array<i64: 1, 32, 128>}, {pipeline_mode = #tpu.pipeline_mode<synchronous>, transform_indices = @transform_2, window_bounds = array<i64: 128, 128>}, {pipeline_mode = #tpu.pipeline_mode<synchronous>, transform_indices = @transform_3, window_bounds = array<i64: 1, 128>}, {transform_indices = @transform_4, window_bounds = array<i64: 1, 128, 128>}]} {
    %get3A = arith.constant 0 : index
    %get3A_0 = arith.constant 0 : index
    %get3A_1 = arith.constant 0 : index
    %get3A_2 = arith.constant 0 : index
    %get3A_3 = vector.load %arg1[%get3A, %get3A_0, %get3A_1, %get3A_2] : memref<1x2x128x128xf32, #tpu.memory_space<vmem>>, vector<1x1x128x128xf32>
    %get3A_4 = vector.shape_cast %get3A_3 : vector<1x1x128x128xf32> to vector<128x128xf32>
    %get3A_5 = arith.constant 0 : index
    %get3A_6 = arith.constant 1 : index
    %get3A_7 = arith.constant 0 : index
    %get3A_8 = arith.constant 0 : index
    %get3A_9 = vector.load %arg1[%get3A_5, %get3A_6, %get3A_7, %get3A_8] : memref<1x2x128x128xf32, #tpu.memory_space<vmem>>, vector<1x1x128x128xf32>
    %get3A_10 = vector.shape_cast %get3A_9 : vector<1x1x128x128xf32> to vector<128x128xf32>
    %add3A = arith.addf %get3A_4, %get3A_10 : vector<128x128xf32>
    %iota3A = tpu.iota {dimensions = array<i32: 0>} : vector<128x128xi32>
    %broadcast_in_dim3A = arith.constant 0.000000e+00 : f32
    %broadcast_in_dim3A_11 = vector.broadcast %broadcast_in_dim3A : f32 to vector<128x128xf32>
    %get3A_12 = arith.constant 0 : index
    %get3A_13 = arith.constant 0 : index
    %get3A_14 = arith.constant 0 : index
    %get3A_15 = vector.load %arg2[%get3A_12, %get3A_13, %get3A_14] : memref<1x32x128xi32, #tpu.memory_space<vmem>>, vector<1x1x128xi32>
    %get3A_16 = vector.shape_cast %get3A_15 : vector<1x1x128xi32> to vector<128xi32>
    %broadcast_in_dim3A_17 = vector.shape_cast %get3A_16 : vector<128xi32> to vector<1x128xi32>
    %eq3A = vector.broadcast %broadcast_in_dim3A_17 : vector<1x128xi32> to vector<128x128xi32>
    %eq3A_18 = arith.cmpi eq, %eq3A, %iota3A : vector<128x128xi32>
    %convert_element_type3A = arith.extui %eq3A_18 : vector<128x128xi1> to vector<128x128xi32>
    %convert_element_type3A_19 = arith.sitofp %convert_element_type3A : vector<128x128xi32> to vector<128x128xf32>
    %add3A_20 = arith.addf %broadcast_in_dim3A_11, %convert_element_type3A_19 : vector<128x128xf32>
    %get3A_21 = arith.constant 0 : index
    %get3A_22 = arith.constant 1 : index
    %get3A_23 = arith.constant 0 : index
    %get3A_24 = vector.load %arg2[%get3A_21, %get3A_22, %get3A_23] : memref<1x32x128xi32, #tpu.memory_space<vmem>>, vector<1x1x128xi32>
    %get3A_25 = vector.shape_cast %get3A_24 : vector<1x1x128xi32> to vector<128xi32>
    %broadcast_in_dim3A_26 = vector.shape_cast %get3A_25 : vector<128xi32> to vector<1x128xi32>
    %eq3A_27 = vector.broadcast %broadcast_in_dim3A_26 : vector<1x128xi32> to vector<128x128xi32>
    %eq3A_28 = arith.cmpi eq, %eq3A_27, %iota3A : vector<128x128xi32>
    %convert_element_type3A_29 = arith.extui %eq3A_28 : vector<128x128xi1> to vector<128x128xi32>
    %convert_element_type3A_30 = arith.sitofp %convert_element_type3A_29 : vector<128x128xi32> to vector<128x128xf32>
    %add3A_31 = arith.addf %add3A_20, %convert_element_type3A_30 : vector<128x128xf32>
    %get3A_32 = arith.constant 0 : index
    %get3A_33 = arith.constant 2 : index
    %get3A_34 = arith.constant 0 : index
    %get3A_35 = vector.load %arg2[%get3A_32, %get3A_33, %get3A_34] : memref<1x32x128xi32, #tpu.memory_space<vmem>>, vector<1x1x128xi32>
    %get3A_36 = vector.shape_cast %get3A_35 : vector<1x1x128xi32> to vector<128xi32>
    %broadcast_in_dim3A_37 = vector.shape_cast %get3A_36 : vector<128xi32> to vector<1x128xi32>
    %eq3A_38 = vector.broadcast %broadcast_in_dim3A_37 : vector<1x128xi32> to vector<128x128xi32>
    %eq3A_39 = arith.cmpi eq, %eq3A_38, %iota3A : vector<128x128xi32>
    %convert_element_type3A_40 = arith.extui %eq3A_39 : vector<128x128xi1> to vector<128x128xi32>
    %convert_element_type3A_41 = arith.sitofp %convert_element_type3A_40 : vector<128x128xi32> to vector<128x128xf32>
    %add3A_42 = arith.addf %add3A_31, %convert_element_type3A_41 : vector<128x128xf32>
    %get3A_43 = arith.constant 0 : index
    %get3A_44 = arith.constant 3 : index
    %get3A_45 = arith.constant 0 : index
    %get3A_46 = vector.load %arg2[%get3A_43, %get3A_44, %get3A_45] : memref<1x32x128xi32, #tpu.memory_space<vmem>>, vector<1x1x128xi32>
    %get3A_47 = vector.shape_cast %get3A_46 : vector<1x1x128xi32> to vector<128xi32>
    %broadcast_in_dim3A_48 = vector.shape_cast %get3A_47 : vector<128xi32> to vector<1x128xi32>
    %eq3A_49 = vector.broadcast %broadcast_in_dim3A_48 : vector<1x128xi32> to vector<128x128xi32>
    %eq3A_50 = arith.cmpi eq, %eq3A_49, %iota3A : vector<128x128xi32>
    %convert_element_type3A_51 = arith.extui %eq3A_50 : vector<128x128xi1> to vector<128x128xi32>
    %convert_element_type3A_52 = arith.sitofp %convert_element_type3A_51 : vector<128x128xi32> to vector<128x128xf32>
    %add3A_53 = arith.addf %add3A_42, %convert_element_type3A_52 : vector<128x128xf32>
    %get3A_54 = arith.constant 0 : index
    %get3A_55 = arith.constant 4 : index
    %get3A_56 = arith.constant 0 : index
    %get3A_57 = vector.load %arg2[%get3A_54, %get3A_55, %get3A_56] : memref<1x32x128xi32, #tpu.memory_space<vmem>>, vector<1x1x128xi32>
    %get3A_58 = vector.shape_cast %get3A_57 : vector<1x1x128xi32> to vector<128xi32>
    %broadcast_in_dim3A_59 = vector.shape_cast %get3A_58 : vector<128xi32> to vector<1x128xi32>
    %eq3A_60 = vector.broadcast %broadcast_in_dim3A_59 : vector<1x128xi32> to vector<128x128xi32>
    %eq3A_61 = arith.cmpi eq, %eq3A_60, %iota3A : vector<128x128xi32>
    %convert_element_type3A_62 = arith.extui %eq3A_61 : vector<128x128xi1> to vector<128x128xi32>
    %convert_element_type3A_63 = arith.sitofp %convert_element_type3A_62 : vector<128x128xi32> to vector<128x128xf32>
    %add3A_64 = arith.addf %add3A_53, %convert_element_type3A_63 : vector<128x128xf32>
    %get3A_65 = arith.constant 0 : index
    %get3A_66 = arith.constant 5 : index
    %get3A_67 = arith.constant 0 : index
    %get3A_68 = vector.load %arg2[%get3A_65, %get3A_66, %get3A_67] : memref<1x32x128xi32, #tpu.memory_space<vmem>>, vector<1x1x128xi32>
    %get3A_69 = vector.shape_cast %get3A_68 : vector<1x1x128xi32> to vector<128xi32>
    %broadcast_in_dim3A_70 = vector.shape_cast %get3A_69 : vector<128xi32> to vector<1x128xi32>
    %eq3A_71 = vector.broadcast %broadcast_in_dim3A_70 : vector<1x128xi32> to vector<128x128xi32>
    %eq3A_72 = arith.cmpi eq, %eq3A_71, %iota3A : vector<128x128xi32>
    %convert_element_type3A_73 = arith.extui %eq3A_72 : vector<128x128xi1> to vector<128x128xi32>
    %convert_element_type3A_74 = arith.sitofp %convert_element_type3A_73 : vector<128x128xi32> to vector<128x128xf32>
    %add3A_75 = arith.addf %add3A_64, %convert_element_type3A_74 : vector<128x128xf32>
    %get3A_76 = arith.constant 0 : index
    %get3A_77 = arith.constant 6 : index
    %get3A_78 = arith.constant 0 : index
    %get3A_79 = vector.load %arg2[%get3A_76, %get3A_77, %get3A_78] : memref<1x32x128xi32, #tpu.memory_space<vmem>>, vector<1x1x128xi32>
    %get3A_80 = vector.shape_cast %get3A_79 : vector<1x1x128xi32> to vector<128xi32>
    %broadcast_in_dim3A_81 = vector.shape_cast %get3A_80 : vector<128xi32> to vector<1x128xi32>
    %eq3A_82 = vector.broadcast %broadcast_in_dim3A_81 : vector<1x128xi32> to vector<128x128xi32>
    %eq3A_83 = arith.cmpi eq, %eq3A_82, %iota3A : vector<128x128xi32>
    %convert_element_type3A_84 = arith.extui %eq3A_83 : vector<128x128xi1> to vector<128x128xi32>
    %convert_element_type3A_85 = arith.sitofp %convert_element_type3A_84 : vector<128x128xi32> to vector<128x128xf32>
    %add3A_86 = arith.addf %add3A_75, %convert_element_type3A_85 : vector<128x128xf32>
    %get3A_87 = arith.constant 0 : index
    %get3A_88 = arith.constant 7 : index
    %get3A_89 = arith.constant 0 : index
    %get3A_90 = vector.load %arg2[%get3A_87, %get3A_88, %get3A_89] : memref<1x32x128xi32, #tpu.memory_space<vmem>>, vector<1x1x128xi32>
    %get3A_91 = vector.shape_cast %get3A_90 : vector<1x1x128xi32> to vector<128xi32>
    %broadcast_in_dim3A_92 = vector.shape_cast %get3A_91 : vector<128xi32> to vector<1x128xi32>
    %eq3A_93 = vector.broadcast %broadcast_in_dim3A_92 : vector<1x128xi32> to vector<128x128xi32>
    %eq3A_94 = arith.cmpi eq, %eq3A_93, %iota3A : vector<128x128xi32>
    %convert_element_type3A_95 = arith.extui %eq3A_94 : vector<128x128xi1> to vector<128x128xi32>
    %convert_element_type3A_96 = arith.sitofp %convert_element_type3A_95 : vector<128x128xi32> to vector<128x128xf32>
    %add3A_97 = arith.addf %add3A_86, %convert_element_type3A_96 : vector<128x128xf32>
    %get3A_98 = arith.constant 0 : index
    %get3A_99 = arith.constant 8 : index
    %get3A_100 = arith.constant 0 : index
    %get3A_101 = vector.load %arg2[%get3A_98, %get3A_99, %get3A_100] : memref<1x32x128xi32, #tpu.memory_space<vmem>>, vector<1x1x128xi32>
    %get3A_102 = vector.shape_cast %get3A_101 : vector<1x1x128xi32> to vector<128xi32>
    %broadcast_in_dim3A_103 = vector.shape_cast %get3A_102 : vector<128xi32> to vector<1x128xi32>
    %eq3A_104 = vector.broadcast %broadcast_in_dim3A_103 : vector<1x128xi32> to vector<128x128xi32>
    %eq3A_105 = arith.cmpi eq, %eq3A_104, %iota3A : vector<128x128xi32>
    %convert_element_type3A_106 = arith.extui %eq3A_105 : vector<128x128xi1> to vector<128x128xi32>
    %convert_element_type3A_107 = arith.sitofp %convert_element_type3A_106 : vector<128x128xi32> to vector<128x128xf32>
    %add3A_108 = arith.addf %add3A_97, %convert_element_type3A_107 : vector<128x128xf32>
    %get3A_109 = arith.constant 0 : index
    %get3A_110 = arith.constant 9 : index
    %get3A_111 = arith.constant 0 : index
    %get3A_112 = vector.load %arg2[%get3A_109, %get3A_110, %get3A_111] : memref<1x32x128xi32, #tpu.memory_space<vmem>>, vector<1x1x128xi32>
    %get3A_113 = vector.shape_cast %get3A_112 : vector<1x1x128xi32> to vector<128xi32>
    %broadcast_in_dim3A_114 = vector.shape_cast %get3A_113 : vector<128xi32> to vector<1x128xi32>
    %eq3A_115 = vector.broadcast %broadcast_in_dim3A_114 : vector<1x128xi32> to vector<128x128xi32>
    %eq3A_116 = arith.cmpi eq, %eq3A_115, %iota3A : vector<128x128xi32>
    %convert_element_type3A_117 = arith.extui %eq3A_116 : vector<128x128xi1> to vector<128x128xi32>
    %convert_element_type3A_118 = arith.sitofp %convert_element_type3A_117 : vector<128x128xi32> to vector<128x128xf32>
    %add3A_119 = arith.addf %add3A_108, %convert_element_type3A_118 : vector<128x128xf32>
    %get3A_120 = arith.constant 0 : index
    %get3A_121 = arith.constant 10 : index
    %get3A_122 = arith.constant 0 : index
    %get3A_123 = vector.load %arg2[%get3A_120, %get3A_121, %get3A_122] : memref<1x32x128xi32, #tpu.memory_space<vmem>>, vector<1x1x128xi32>
    %get3A_124 = vector.shape_cast %get3A_123 : vector<1x1x128xi32> to vector<128xi32>
    %broadcast_in_dim3A_125 = vector.shape_cast %get3A_124 : vector<128xi32> to vector<1x128xi32>
    %eq3A_126 = vector.broadcast %broadcast_in_dim3A_125 : vector<1x128xi32> to vector<128x128xi32>
    %eq3A_127 = arith.cmpi eq, %eq3A_126, %iota3A : vector<128x128xi32>
    %convert_element_type3A_128 = arith.extui %eq3A_127 : vector<128x128xi1> to vector<128x128xi32>
    %convert_element_type3A_129 = arith.sitofp %convert_element_type3A_128 : vector<128x128xi32> to vector<128x128xf32>
    %add3A_130 = arith.addf %add3A_119, %convert_element_type3A_129 : vector<128x128xf32>
    %get3A_131 = arith.constant 0 : index
    %get3A_132 = arith.constant 11 : index
    %get3A_133 = arith.constant 0 : index
    %get3A_134 = vector.load %arg2[%get3A_131, %get3A_132, %get3A_133] : memref<1x32x128xi32, #tpu.memory_space<vmem>>, vector<1x1x128xi32>
    %get3A_135 = vector.shape_cast %get3A_134 : vector<1x1x128xi32> to vector<128xi32>
    %broadcast_in_dim3A_136 = vector.shape_cast %get3A_135 : vector<128xi32> to vector<1x128xi32>
    %eq3A_137 = vector.broadcast %broadcast_in_dim3A_136 : vector<1x128xi32> to vector<128x128xi32>
    %eq3A_138 = arith.cmpi eq, %eq3A_137, %iota3A : vector<128x128xi32>
    %convert_element_type3A_139 = arith.extui %eq3A_138 : vector<128x128xi1> to vector<128x128xi32>
    %convert_element_type3A_140 = arith.sitofp %convert_element_type3A_139 : vector<128x128xi32> to vector<128x128xf32>
    %add3A_141 = arith.addf %add3A_130, %convert_element_type3A_140 : vector<128x128xf32>
    %get3A_142 = arith.constant 0 : index
    %get3A_143 = arith.constant 12 : index
    %get3A_144 = arith.constant 0 : index
    %get3A_145 = vector.load %arg2[%get3A_142, %get3A_143, %get3A_144] : memref<1x32x128xi32, #tpu.memory_space<vmem>>, vector<1x1x128xi32>
    %get3A_146 = vector.shape_cast %get3A_145 : vector<1x1x128xi32> to vector<128xi32>
    %broadcast_in_dim3A_147 = vector.shape_cast %get3A_146 : vector<128xi32> to vector<1x128xi32>
    %eq3A_148 = vector.broadcast %broadcast_in_dim3A_147 : vector<1x128xi32> to vector<128x128xi32>
    %eq3A_149 = arith.cmpi eq, %eq3A_148, %iota3A : vector<128x128xi32>
    %convert_element_type3A_150 = arith.extui %eq3A_149 : vector<128x128xi1> to vector<128x128xi32>
    %convert_element_type3A_151 = arith.sitofp %convert_element_type3A_150 : vector<128x128xi32> to vector<128x128xf32>
    %add3A_152 = arith.addf %add3A_141, %convert_element_type3A_151 : vector<128x128xf32>
    %get3A_153 = arith.constant 0 : index
    %get3A_154 = arith.constant 13 : index
    %get3A_155 = arith.constant 0 : index
    %get3A_156 = vector.load %arg2[%get3A_153, %get3A_154, %get3A_155] : memref<1x32x128xi32, #tpu.memory_space<vmem>>, vector<1x1x128xi32>
    %get3A_157 = vector.shape_cast %get3A_156 : vector<1x1x128xi32> to vector<128xi32>
    %broadcast_in_dim3A_158 = vector.shape_cast %get3A_157 : vector<128xi32> to vector<1x128xi32>
    %eq3A_159 = vector.broadcast %broadcast_in_dim3A_158 : vector<1x128xi32> to vector<128x128xi32>
    %eq3A_160 = arith.cmpi eq, %eq3A_159, %iota3A : vector<128x128xi32>
    %convert_element_type3A_161 = arith.extui %eq3A_160 : vector<128x128xi1> to vector<128x128xi32>
    %convert_element_type3A_162 = arith.sitofp %convert_element_type3A_161 : vector<128x128xi32> to vector<128x128xf32>
    %add3A_163 = arith.addf %add3A_152, %convert_element_type3A_162 : vector<128x128xf32>
    %get3A_164 = arith.constant 0 : index
    %get3A_165 = arith.constant 14 : index
    %get3A_166 = arith.constant 0 : index
    %get3A_167 = vector.load %arg2[%get3A_164, %get3A_165, %get3A_166] : memref<1x32x128xi32, #tpu.memory_space<vmem>>, vector<1x1x128xi32>
    %get3A_168 = vector.shape_cast %get3A_167 : vector<1x1x128xi32> to vector<128xi32>
    %broadcast_in_dim3A_169 = vector.shape_cast %get3A_168 : vector<128xi32> to vector<1x128xi32>
    %eq3A_170 = vector.broadcast %broadcast_in_dim3A_169 : vector<1x128xi32> to vector<128x128xi32>
    %eq3A_171 = arith.cmpi eq, %eq3A_170, %iota3A : vector<128x128xi32>
    %convert_element_type3A_172 = arith.extui %eq3A_171 : vector<128x128xi1> to vector<128x128xi32>
    %convert_element_type3A_173 = arith.sitofp %convert_element_type3A_172 : vector<128x128xi32> to vector<128x128xf32>
    %add3A_174 = arith.addf %add3A_163, %convert_element_type3A_173 : vector<128x128xf32>
    %get3A_175 = arith.constant 0 : index
    %get3A_176 = arith.constant 15 : index
    %get3A_177 = arith.constant 0 : index
    %get3A_178 = vector.load %arg2[%get3A_175, %get3A_176, %get3A_177] : memref<1x32x128xi32, #tpu.memory_space<vmem>>, vector<1x1x128xi32>
    %get3A_179 = vector.shape_cast %get3A_178 : vector<1x1x128xi32> to vector<128xi32>
    %broadcast_in_dim3A_180 = vector.shape_cast %get3A_179 : vector<128xi32> to vector<1x128xi32>
    %eq3A_181 = vector.broadcast %broadcast_in_dim3A_180 : vector<1x128xi32> to vector<128x128xi32>
    %eq3A_182 = arith.cmpi eq, %eq3A_181, %iota3A : vector<128x128xi32>
    %convert_element_type3A_183 = arith.extui %eq3A_182 : vector<128x128xi1> to vector<128x128xi32>
    %convert_element_type3A_184 = arith.sitofp %convert_element_type3A_183 : vector<128x128xi32> to vector<128x128xf32>
    %add3A_185 = arith.addf %add3A_174, %convert_element_type3A_184 : vector<128x128xf32>
    %get3A_186 = arith.constant 0 : index
    %get3A_187 = arith.constant 16 : index
    %get3A_188 = arith.constant 0 : index
    %get3A_189 = vector.load %arg2[%get3A_186, %get3A_187, %get3A_188] : memref<1x32x128xi32, #tpu.memory_space<vmem>>, vector<1x1x128xi32>
    %get3A_190 = vector.shape_cast %get3A_189 : vector<1x1x128xi32> to vector<128xi32>
    %broadcast_in_dim3A_191 = vector.shape_cast %get3A_190 : vector<128xi32> to vector<1x128xi32>
    %eq3A_192 = vector.broadcast %broadcast_in_dim3A_191 : vector<1x128xi32> to vector<128x128xi32>
    %eq3A_193 = arith.cmpi eq, %eq3A_192, %iota3A : vector<128x128xi32>
    %convert_element_type3A_194 = arith.extui %eq3A_193 : vector<128x128xi1> to vector<128x128xi32>
    %convert_element_type3A_195 = arith.sitofp %convert_element_type3A_194 : vector<128x128xi32> to vector<128x128xf32>
    %add3A_196 = arith.addf %add3A_185, %convert_element_type3A_195 : vector<128x128xf32>
    %get3A_197 = arith.constant 0 : index
    %get3A_198 = arith.constant 17 : index
    %get3A_199 = arith.constant 0 : index
    %get3A_200 = vector.load %arg2[%get3A_197, %get3A_198, %get3A_199] : memref<1x32x128xi32, #tpu.memory_space<vmem>>, vector<1x1x128xi32>
    %get3A_201 = vector.shape_cast %get3A_200 : vector<1x1x128xi32> to vector<128xi32>
    %broadcast_in_dim3A_202 = vector.shape_cast %get3A_201 : vector<128xi32> to vector<1x128xi32>
    %eq3A_203 = vector.broadcast %broadcast_in_dim3A_202 : vector<1x128xi32> to vector<128x128xi32>
    %eq3A_204 = arith.cmpi eq, %eq3A_203, %iota3A : vector<128x128xi32>
    %convert_element_type3A_205 = arith.extui %eq3A_204 : vector<128x128xi1> to vector<128x128xi32>
    %convert_element_type3A_206 = arith.sitofp %convert_element_type3A_205 : vector<128x128xi32> to vector<128x128xf32>
    %add3A_207 = arith.addf %add3A_196, %convert_element_type3A_206 : vector<128x128xf32>
    %get3A_208 = arith.constant 0 : index
    %get3A_209 = arith.constant 18 : index
    %get3A_210 = arith.constant 0 : index
    %get3A_211 = vector.load %arg2[%get3A_208, %get3A_209, %get3A_210] : memref<1x32x128xi32, #tpu.memory_space<vmem>>, vector<1x1x128xi32>
    %get3A_212 = vector.shape_cast %get3A_211 : vector<1x1x128xi32> to vector<128xi32>
    %broadcast_in_dim3A_213 = vector.shape_cast %get3A_212 : vector<128xi32> to vector<1x128xi32>
    %eq3A_214 = vector.broadcast %broadcast_in_dim3A_213 : vector<1x128xi32> to vector<128x128xi32>
    %eq3A_215 = arith.cmpi eq, %eq3A_214, %iota3A : vector<128x128xi32>
    %convert_element_type3A_216 = arith.extui %eq3A_215 : vector<128x128xi1> to vector<128x128xi32>
    %convert_element_type3A_217 = arith.sitofp %convert_element_type3A_216 : vector<128x128xi32> to vector<128x128xf32>
    %add3A_218 = arith.addf %add3A_207, %convert_element_type3A_217 : vector<128x128xf32>
    %get3A_219 = arith.constant 0 : index
    %get3A_220 = arith.constant 19 : index
    %get3A_221 = arith.constant 0 : index
    %get3A_222 = vector.load %arg2[%get3A_219, %get3A_220, %get3A_221] : memref<1x32x128xi32, #tpu.memory_space<vmem>>, vector<1x1x128xi32>
    %get3A_223 = vector.shape_cast %get3A_222 : vector<1x1x128xi32> to vector<128xi32>
    %broadcast_in_dim3A_224 = vector.shape_cast %get3A_223 : vector<128xi32> to vector<1x128xi32>
    %eq3A_225 = vector.broadcast %broadcast_in_dim3A_224 : vector<1x128xi32> to vector<128x128xi32>
    %eq3A_226 = arith.cmpi eq, %eq3A_225, %iota3A : vector<128x128xi32>
    %convert_element_type3A_227 = arith.extui %eq3A_226 : vector<128x128xi1> to vector<128x128xi32>
    %convert_element_type3A_228 = arith.sitofp %convert_element_type3A_227 : vector<128x128xi32> to vector<128x128xf32>
    %add3A_229 = arith.addf %add3A_218, %convert_element_type3A_228 : vector<128x128xf32>
    %get3A_230 = arith.constant 0 : index
    %get3A_231 = arith.constant 20 : index
    %get3A_232 = arith.constant 0 : index
    %get3A_233 = vector.load %arg2[%get3A_230, %get3A_231, %get3A_232] : memref<1x32x128xi32, #tpu.memory_space<vmem>>, vector<1x1x128xi32>
    %get3A_234 = vector.shape_cast %get3A_233 : vector<1x1x128xi32> to vector<128xi32>
    %broadcast_in_dim3A_235 = vector.shape_cast %get3A_234 : vector<128xi32> to vector<1x128xi32>
    %eq3A_236 = vector.broadcast %broadcast_in_dim3A_235 : vector<1x128xi32> to vector<128x128xi32>
    %eq3A_237 = arith.cmpi eq, %eq3A_236, %iota3A : vector<128x128xi32>
    %convert_element_type3A_238 = arith.extui %eq3A_237 : vector<128x128xi1> to vector<128x128xi32>
    %convert_element_type3A_239 = arith.sitofp %convert_element_type3A_238 : vector<128x128xi32> to vector<128x128xf32>
    %add3A_240 = arith.addf %add3A_229, %convert_element_type3A_239 : vector<128x128xf32>
    %get3A_241 = arith.constant 0 : index
    %get3A_242 = arith.constant 21 : index
    %get3A_243 = arith.constant 0 : index
    %get3A_244 = vector.load %arg2[%get3A_241, %get3A_242, %get3A_243] : memref<1x32x128xi32, #tpu.memory_space<vmem>>, vector<1x1x128xi32>
    %get3A_245 = vector.shape_cast %get3A_244 : vector<1x1x128xi32> to vector<128xi32>
    %broadcast_in_dim3A_246 = vector.shape_cast %get3A_245 : vector<128xi32> to vector<1x128xi32>
    %eq3A_247 = vector.broadcast %broadcast_in_dim3A_246 : vector<1x128xi32> to vector<128x128xi32>
    %eq3A_248 = arith.cmpi eq, %eq3A_247, %iota3A : vector<128x128xi32>
    %convert_element_type3A_249 = arith.extui %eq3A_248 : vector<128x128xi1> to vector<128x128xi32>
    %convert_element_type3A_250 = arith.sitofp %convert_element_type3A_249 : vector<128x128xi32> to vector<128x128xf32>
    %add3A_251 = arith.addf %add3A_240, %convert_element_type3A_250 : vector<128x128xf32>
    %get3A_252 = arith.constant 0 : index
    %get3A_253 = arith.constant 22 : index
    %get3A_254 = arith.constant 0 : index
    %get3A_255 = vector.load %arg2[%get3A_252, %get3A_253, %get3A_254] : memref<1x32x128xi32, #tpu.memory_space<vmem>>, vector<1x1x128xi32>
    %get3A_256 = vector.shape_cast %get3A_255 : vector<1x1x128xi32> to vector<128xi32>
    %broadcast_in_dim3A_257 = vector.shape_cast %get3A_256 : vector<128xi32> to vector<1x128xi32>
    %eq3A_258 = vector.broadcast %broadcast_in_dim3A_257 : vector<1x128xi32> to vector<128x128xi32>
    %eq3A_259 = arith.cmpi eq, %eq3A_258, %iota3A : vector<128x128xi32>
    %convert_element_type3A_260 = arith.extui %eq3A_259 : vector<128x128xi1> to vector<128x128xi32>
    %convert_element_type3A_261 = arith.sitofp %convert_element_type3A_260 : vector<128x128xi32> to vector<128x128xf32>
    %add3A_262 = arith.addf %add3A_251, %convert_element_type3A_261 : vector<128x128xf32>
    %get3A_263 = arith.constant 0 : index
    %get3A_264 = arith.constant 23 : index
    %get3A_265 = arith.constant 0 : index
    %get3A_266 = vector.load %arg2[%get3A_263, %get3A_264, %get3A_265] : memref<1x32x128xi32, #tpu.memory_space<vmem>>, vector<1x1x128xi32>
    %get3A_267 = vector.shape_cast %get3A_266 : vector<1x1x128xi32> to vector<128xi32>
    %broadcast_in_dim3A_268 = vector.shape_cast %get3A_267 : vector<128xi32> to vector<1x128xi32>
    %eq3A_269 = vector.broadcast %broadcast_in_dim3A_268 : vector<1x128xi32> to vector<128x128xi32>
    %eq3A_270 = arith.cmpi eq, %eq3A_269, %iota3A : vector<128x128xi32>
    %convert_element_type3A_271 = arith.extui %eq3A_270 : vector<128x128xi1> to vector<128x128xi32>
    %convert_element_type3A_272 = arith.sitofp %convert_element_type3A_271 : vector<128x128xi32> to vector<128x128xf32>
    %add3A_273 = arith.addf %add3A_262, %convert_element_type3A_272 : vector<128x128xf32>
    %get3A_274 = arith.constant 0 : index
    %get3A_275 = arith.constant 24 : index
    %get3A_276 = arith.constant 0 : index
    %get3A_277 = vector.load %arg2[%get3A_274, %get3A_275, %get3A_276] : memref<1x32x128xi32, #tpu.memory_space<vmem>>, vector<1x1x128xi32>
    %get3A_278 = vector.shape_cast %get3A_277 : vector<1x1x128xi32> to vector<128xi32>
    %broadcast_in_dim3A_279 = vector.shape_cast %get3A_278 : vector<128xi32> to vector<1x128xi32>
    %eq3A_280 = vector.broadcast %broadcast_in_dim3A_279 : vector<1x128xi32> to vector<128x128xi32>
    %eq3A_281 = arith.cmpi eq, %eq3A_280, %iota3A : vector<128x128xi32>
    %convert_element_type3A_282 = arith.extui %eq3A_281 : vector<128x128xi1> to vector<128x128xi32>
    %convert_element_type3A_283 = arith.sitofp %convert_element_type3A_282 : vector<128x128xi32> to vector<128x128xf32>
    %add3A_284 = arith.addf %add3A_273, %convert_element_type3A_283 : vector<128x128xf32>
    %get3A_285 = arith.constant 0 : index
    %get3A_286 = arith.constant 25 : index
    %get3A_287 = arith.constant 0 : index
    %get3A_288 = vector.load %arg2[%get3A_285, %get3A_286, %get3A_287] : memref<1x32x128xi32, #tpu.memory_space<vmem>>, vector<1x1x128xi32>
    %get3A_289 = vector.shape_cast %get3A_288 : vector<1x1x128xi32> to vector<128xi32>
    %broadcast_in_dim3A_290 = vector.shape_cast %get3A_289 : vector<128xi32> to vector<1x128xi32>
    %eq3A_291 = vector.broadcast %broadcast_in_dim3A_290 : vector<1x128xi32> to vector<128x128xi32>
    %eq3A_292 = arith.cmpi eq, %eq3A_291, %iota3A : vector<128x128xi32>
    %convert_element_type3A_293 = arith.extui %eq3A_292 : vector<128x128xi1> to vector<128x128xi32>
    %convert_element_type3A_294 = arith.sitofp %convert_element_type3A_293 : vector<128x128xi32> to vector<128x128xf32>
    %add3A_295 = arith.addf %add3A_284, %convert_element_type3A_294 : vector<128x128xf32>
    %get3A_296 = arith.constant 0 : index
    %get3A_297 = arith.constant 26 : index
    %get3A_298 = arith.constant 0 : index
    %get3A_299 = vector.load %arg2[%get3A_296, %get3A_297, %get3A_298] : memref<1x32x128xi32, #tpu.memory_space<vmem>>, vector<1x1x128xi32>
    %get3A_300 = vector.shape_cast %get3A_299 : vector<1x1x128xi32> to vector<128xi32>
    %broadcast_in_dim3A_301 = vector.shape_cast %get3A_300 : vector<128xi32> to vector<1x128xi32>
    %eq3A_302 = vector.broadcast %broadcast_in_dim3A_301 : vector<1x128xi32> to vector<128x128xi32>
    %eq3A_303 = arith.cmpi eq, %eq3A_302, %iota3A : vector<128x128xi32>
    %convert_element_type3A_304 = arith.extui %eq3A_303 : vector<128x128xi1> to vector<128x128xi32>
    %convert_element_type3A_305 = arith.sitofp %convert_element_type3A_304 : vector<128x128xi32> to vector<128x128xf32>
    %add3A_306 = arith.addf %add3A_295, %convert_element_type3A_305 : vector<128x128xf32>
    %get3A_307 = arith.constant 0 : index
    %get3A_308 = arith.constant 27 : index
    %get3A_309 = arith.constant 0 : index
    %get3A_310 = vector.load %arg2[%get3A_307, %get3A_308, %get3A_309] : memref<1x32x128xi32, #tpu.memory_space<vmem>>, vector<1x1x128xi32>
    %get3A_311 = vector.shape_cast %get3A_310 : vector<1x1x128xi32> to vector<128xi32>
    %broadcast_in_dim3A_312 = vector.shape_cast %get3A_311 : vector<128xi32> to vector<1x128xi32>
    %eq3A_313 = vector.broadcast %broadcast_in_dim3A_312 : vector<1x128xi32> to vector<128x128xi32>
    %eq3A_314 = arith.cmpi eq, %eq3A_313, %iota3A : vector<128x128xi32>
    %convert_element_type3A_315 = arith.extui %eq3A_314 : vector<128x128xi1> to vector<128x128xi32>
    %convert_element_type3A_316 = arith.sitofp %convert_element_type3A_315 : vector<128x128xi32> to vector<128x128xf32>
    %add3A_317 = arith.addf %add3A_306, %convert_element_type3A_316 : vector<128x128xf32>
    %get3A_318 = arith.constant 0 : index
    %get3A_319 = arith.constant 28 : index
    %get3A_320 = arith.constant 0 : index
    %get3A_321 = vector.load %arg2[%get3A_318, %get3A_319, %get3A_320] : memref<1x32x128xi32, #tpu.memory_space<vmem>>, vector<1x1x128xi32>
    %get3A_322 = vector.shape_cast %get3A_321 : vector<1x1x128xi32> to vector<128xi32>
    %broadcast_in_dim3A_323 = vector.shape_cast %get3A_322 : vector<128xi32> to vector<1x128xi32>
    %eq3A_324 = vector.broadcast %broadcast_in_dim3A_323 : vector<1x128xi32> to vector<128x128xi32>
    %eq3A_325 = arith.cmpi eq, %eq3A_324, %iota3A : vector<128x128xi32>
    %convert_element_type3A_326 = arith.extui %eq3A_325 : vector<128x128xi1> to vector<128x128xi32>
    %convert_element_type3A_327 = arith.sitofp %convert_element_type3A_326 : vector<128x128xi32> to vector<128x128xf32>
    %add3A_328 = arith.addf %add3A_317, %convert_element_type3A_327 : vector<128x128xf32>
    %get3A_329 = arith.constant 0 : index
    %get3A_330 = arith.constant 29 : index
    %get3A_331 = arith.constant 0 : index
    %get3A_332 = vector.load %arg2[%get3A_329, %get3A_330, %get3A_331] : memref<1x32x128xi32, #tpu.memory_space<vmem>>, vector<1x1x128xi32>
    %get3A_333 = vector.shape_cast %get3A_332 : vector<1x1x128xi32> to vector<128xi32>
    %broadcast_in_dim3A_334 = vector.shape_cast %get3A_333 : vector<128xi32> to vector<1x128xi32>
    %eq3A_335 = vector.broadcast %broadcast_in_dim3A_334 : vector<1x128xi32> to vector<128x128xi32>
    %eq3A_336 = arith.cmpi eq, %eq3A_335, %iota3A : vector<128x128xi32>
    %convert_element_type3A_337 = arith.extui %eq3A_336 : vector<128x128xi1> to vector<128x128xi32>
    %convert_element_type3A_338 = arith.sitofp %convert_element_type3A_337 : vector<128x128xi32> to vector<128x128xf32>
    %add3A_339 = arith.addf %add3A_328, %convert_element_type3A_338 : vector<128x128xf32>
    %get3A_340 = arith.constant 0 : index
    %get3A_341 = arith.constant 30 : index
    %get3A_342 = arith.constant 0 : index
    %get3A_343 = vector.load %arg2[%get3A_340, %get3A_341, %get3A_342] : memref<1x32x128xi32, #tpu.memory_space<vmem>>, vector<1x1x128xi32>
    %get3A_344 = vector.shape_cast %get3A_343 : vector<1x1x128xi32> to vector<128xi32>
    %broadcast_in_dim3A_345 = vector.shape_cast %get3A_344 : vector<128xi32> to vector<1x128xi32>
    %eq3A_346 = vector.broadcast %broadcast_in_dim3A_345 : vector<1x128xi32> to vector<128x128xi32>
    %eq3A_347 = arith.cmpi eq, %eq3A_346, %iota3A : vector<128x128xi32>
    %convert_element_type3A_348 = arith.extui %eq3A_347 : vector<128x128xi1> to vector<128x128xi32>
    %convert_element_type3A_349 = arith.sitofp %convert_element_type3A_348 : vector<128x128xi32> to vector<128x128xf32>
    %add3A_350 = arith.addf %add3A_339, %convert_element_type3A_349 : vector<128x128xf32>
    %get3A_351 = arith.constant 0 : index
    %get3A_352 = arith.constant 31 : index
    %get3A_353 = arith.constant 0 : index
    %get3A_354 = vector.load %arg2[%get3A_351, %get3A_352, %get3A_353] : memref<1x32x128xi32, #tpu.memory_space<vmem>>, vector<1x1x128xi32>
    %get3A_355 = vector.shape_cast %get3A_354 : vector<1x1x128xi32> to vector<128xi32>
    %broadcast_in_dim3A_356 = vector.shape_cast %get3A_355 : vector<128xi32> to vector<1x128xi32>
    %eq3A_357 = vector.broadcast %broadcast_in_dim3A_356 : vector<1x128xi32> to vector<128x128xi32>
    %eq3A_358 = arith.cmpi eq, %eq3A_357, %iota3A : vector<128x128xi32>
    %convert_element_type3A_359 = arith.extui %eq3A_358 : vector<128x128xi1> to vector<128x128xi32>
    %convert_element_type3A_360 = arith.sitofp %convert_element_type3A_359 : vector<128x128xi32> to vector<128x128xf32>
    %add3A_361 = arith.addf %add3A_350, %convert_element_type3A_360 : vector<128x128xf32>
    %reduce_sum3A = arith.constant dense<0.000000e+00> : vector<128xf32>
    %reduce_sum3A_362 = vector.multi_reduction <add>, %add3A_361, %reduce_sum3A [1] : vector<128x128xf32> to vector<128xf32>
    %broadcast_in_dim3A_363 = vector.shape_cast %reduce_sum3A_362 : vector<128xf32> to vector<128x1xf32>
    %max3A = arith.constant 1.000000e+00 : f32
    %max3A_364 = vector.broadcast %max3A : f32 to vector<128x1xf32>
    %max3A_365 = arith.maximumf %broadcast_in_dim3A_363, %max3A_364 : vector<128x1xf32>
    %div3A = vector.broadcast %max3A_365 : vector<128x1xf32> to vector<128x128xf32>
    %div3A_366 = arith.divf %add3A, %div3A : vector<128x128xf32>
    %get3A_367 = arith.constant 0 : index
    %get3A_368 = arith.constant 0 : index
    %get3A_369 = vector.load %arg3[%get3A_367, %get3A_368] : memref<128x128xf32, #tpu.memory_space<vmem>>, vector<128x128xf32>
    %dot_general3A = arith.constant dense<0.000000e+00> : vector<128x128xf32>
    %dot_general3A_370 = tpu.matmul %div3A_366, %get3A_369, %dot_general3A {dimension_numbers = #tpu.dot_dimension_numbers<[1], [0], [0], [1], [0, 0, 1, 1], [], []>, transpose_lhs_hint = false} : vector<128x128xf32>, vector<128x128xf32>, vector<128x128xf32> -> vector<128x128xf32>
    %get3A_371 = arith.constant 0 : index
    %get3A_372 = arith.constant 0 : index
    %get3A_373 = vector.load %arg4[%get3A_371, %get3A_372] : memref<1x128xf32, #tpu.memory_space<vmem>>, vector<1x128xf32>
    %get3A_374 = vector.shape_cast %get3A_373 : vector<1x128xf32> to vector<128xf32>
    %broadcast_in_dim3A_375 = vector.shape_cast %get3A_374 : vector<128xf32> to vector<1x128xf32>
    %add3A_376 = vector.broadcast %broadcast_in_dim3A_375 : vector<1x128xf32> to vector<128x128xf32>
    %add3A_377 = arith.addf %dot_general3A_370, %add3A_376 : vector<128x128xf32>
    %swap3A = arith.constant 0 : index
    %swap3A_378 = arith.constant 0 : index
    %swap3A_379 = arith.constant 0 : index
    %swap3A_380 = vector.load %arg5[%swap3A, %swap3A_378, %swap3A_379] : memref<1x128x128xf32, #tpu.memory_space<vmem>>, vector<1x128x128xf32>
    %swap3A_381 = vector.shape_cast %swap3A_380 : vector<1x128x128xf32> to vector<128x128xf32>
    %swap3A_382 = vector.shape_cast %add3A_377 : vector<128x128xf32> to vector<1x128x128xf32>
    tpu.vector_store %arg5[%swap3A, %swap3A_378, %swap3A_379], %swap3A_382 {strides = array<i32>} : memref<1x128x128xf32, #tpu.memory_space<vmem>>, vector<1x128x128xf32>,
    return
  }
  func.func @transform_0(%arg0: i32) -> (i32, i32, i32, i32) {
    %c0_i32 = arith.constant 0 : i32
    %c0_i32_0 = arith.constant 0 : i32
    %c0_i32_1 = arith.constant 0 : i32
    %c0_i32_2 = arith.constant 0 : i32
    return %arg0, %c0_i32, %c0_i32_0, %c0_i32_1 : i32, i32, i32, i32
  }
  func.func @transform_1(%arg0: i32) -> (i32, i32, i32) {
    %c0_i32 = arith.constant 0 : i32
    %c0_i32_0 = arith.constant 0 : i32
    %c0_i32_1 = arith.constant 0 : i32
    return %arg0, %c0_i32, %c0_i32_0 : i32, i32, i32
  }
  func.func @transform_2(%arg0: i32) -> (i32, i32) {
    %c0_i32 = arith.constant 0 : i32
    %c0_i32_0 = arith.constant 0 : i32
    %c0_i32_1 = arith.constant 0 : i32
    return %c0_i32, %c0_i32_0 : i32, i32
  }
  func.func @transform_3(%arg0: i32) -> (i32, i32) {
    %c0_i32 = arith.constant 0 : i32
    %c0_i32_0 = arith.constant 0 : i32
    %c0_i32_1 = arith.constant 0 : i32
    return %c0_i32, %c0_i32_0 : i32, i32
  }
  func.func @transform_4(%arg0: i32) -> (i32, i32, i32) {
    %c0_i32 = arith.constant 0 : i32
    %c0_i32_0 = arith.constant 0 : i32
    %c0_i32_1 = arith.constant 0 : i32
    return %arg0, %c0_i32, %c0_i32_0 : i32, i32, i32
  }
}

</mosaic_0001>

<sc_bundles>
// kernel: kernel.5.cloned.1.call-start
scs
__scs_entry_jumppad:
0x0: {  	(pc) =	sbr.rel $0x88, $3  }
0x1: {  	(tag) =	ssettag $0x0;
	lr =	simm.s32 $0x1  }
0x2: {  	[smem:$0x3F9C] =	sst lr;
	_ =	strace $0xD0000000  }
0x3: {  	_ = 	snop  }
0x4: {  	_ = 	snop  }
0x5: {  	_ = 	snop  }
0x6: {  	_ = 	snop  }
0x7: {  	_ = 	snop  }
__scs_overlays_trampoline_lowered:
0x8: {  	[smem:$0x3FAB] =	sst s0  }
0x9: {  	[smem:$0x3FAC] =	sst s1  }
0xa: {  	[smem:$0x3FAD] =	sst s2  }
0xb: {  	[smem:$0x3FAE] =	sst s3  }
0xc: {  	[smem:$0x3FAF] =	sst s4  }
0xd: {  	[smem:$0x3FB0] =	sst s5  }
0xe: {  	[smem:$0x3FB1] =	sst s6  }
0xf: {  	[smem:$0x3FB2] =	sst s7  }
0x10: {  	[smem:$0x3FB3] =	sst s8  }
0x11: {  	[smem:$0x3FB4] =	sst s9;
	s0 =	simm.s32 @!p0 $0x0  }
0x12: {  	s1 =	sld [smem:$0x3F9A];
	s0 =	simm.s32 @p0 $0x1  }
0x13: {  	[smem:$0x3FB5] =	sst s0;
	s0 =	simm.s32 @!p1 $0x0  }
0x14: {  	s2 =	sld [smem:$0x3F99];
	s0 =	simm.s32 @p1 $0x1  }
0x15: {  	[smem:$0x3FB6] =	sst s0;
	s0 =	simm.s32 @!p2 $0x0  }
0x16: {  	s3 =	sld [smem:$0x3FDB];
	s0 =	simm.s32 @p2 $0x1  }
0x17: {  	s4 =	simm.s32 $0x1BF5;
	[smem:$0x3FB8] =	sst s0  }
0x18: {  	s0 =	sld [smem:$0x3F9B];
	_ =	swait.ge [sflag:s4], $0x0  }
0x19: {  	s7 =	sld [smem:$0x3F9C]  }
0x1a: {  	s8 =	sadd.s32 $0xFFFFE003, lr  }
0x1b: {  	s9 =	sadd.s32 $0xFFFFFEF7, lr;
	s5 =	simm.s32 $0xFFFFFFFF;
	p2 =	slt.u32 s8, $0xFFFFF086  }
0x1c: {  	p1 =	slt.u32 s9, $0xF7A;
	s5 =	simm.s32 @!p2 $0x0  }
0x1d: {  	s5 =	simm.s32 @p1 $0x1;
	p0 =	seq.s32 s7, s2  }
0x1e: {  	s7 =	smul.u32 @!p0 $0xF7A, s2;
	p2 =	seq.s32 @!p0 s5, $0x0  }
0x1f: {  	s9 =	smul.u32 $0xF7A, s1;
	s8 =	simm.s32 @!p0 $0x1BF5;
	p2 =	por !p2, p0  }
0x20: {  	[sflag:s8] =	ssyncset.s32 @!p0 $0xFFFFF086;
	s6 =	sadd.s32 @!p0 s3, s7;
	s7 =	simm.s32 @!p0 $0x108  }
0x21: {  	s3 =	sadd.s32 s3, s9;
	s6 =	sadd.s32 @!p0 $0x88, s6;
	s7 =	simm.s32 @p2 $0x1082  }
0x22: {  	[simem:s7], [sflag:s8] =	dma.local @!p0 [hbm:s6], $0xF7A  }
0x23: {  	s9 =	sor.u32 $0xD0000000, s2;
	s6 =	simm.s32 $0x108;
	_ =	swait.ge @!p0 [sflag:s8], $0x0  }
0x24: {  	s3 =	sadd.s32 $0x88, s3;
	s6 =	simm.s32 @!p1 $0x1082;
	[sflag:s4] =	ssyncset.s32 $0xFFFFF086  }
0x25: {  	[simem:s6], [sflag:s4] =	dma.local [hbm:s3], $0xF7A  }
0x26: {  	[smem:$0x3F9C] =	sst s1;
	(tag) =	ssettag s2;
	_ =	strace s9  }
0x27: {  	s1 =	sld [smem:$0x3FAC]  }
0x28: {  	s2 =	sld [smem:$0x3FAD]  }
0x29: {  	s4 =	sld [smem:$0x3FAF]  }
0x2a: {  	p0 =	seq.s32 s5, $0x0;
	s5 =	sld [smem:$0x3FB0]  }
0x2b: {  	s6 =	sld [smem:$0x3FB1]  }
0x2c: {  	s7 =	sld [smem:$0x3FB2]  }
0x2d: {  	s3 =	simm.s32 $0x108;
	s8 =	sld [smem:$0x3FB3]  }
0x2e: {  	s3 =	simm.s32 @!p0 $0x1082;
	s9 =	sld [smem:$0x3FB4]  }
0x2f: {  	lr =	sadd.s32 s0, s3;
	s0 =	sld [smem:$0x3FAB]  }
0x30: {  	s3 =	sld [smem:$0x3FAE]  }
0x31: {  	[smem:$0x3FB7] =	sst s10  }
0x32: {  	s10 =	sld [smem:$0x3FB5];
	_ =	sdelay $0x3  }
0x33: {  	p0 =	seq.s32 s10, $0x1;
	s10 =	sld [smem:$0x3FB7];
	_ =	sdelay $0x3  }
0x34: {  	[smem:$0x3FB7] =	sst s10  }
0x35: {  	s10 =	sld [smem:$0x3FB6];
	_ =	sdelay $0x3  }
0x36: {  	p1 =	seq.s32 s10, $0x1;
	s10 =	sld [smem:$0x3FB7];
	_ =	sdelay $0x3  }
0x37: {  	[smem:$0x3FB7] =	sst s10  }
0x38: {  	s10 =	sld [smem:$0x3FB8]  }
0x39: {  	_ = 	snop;
	(pc) =	sbr.ind lr, $3  }
0x3a: {  	_ = 	snop  }
0x3b: {  	_ = 	snop  }
0x3c: {  	p2 =	seq.s32 s10, $0x1;
	s10 =	sld [smem:$0x3FB7]  }
0x3d: {  	_ =	shalt  }
0x3e: {  	_ =	shalt  }
0x3f: {  	_ =	shalt  }
0x40: {  	_ =	shalt  }
0x41: {  	_ =	shalt  }
0x42: {  	_ =	shalt  }
0x43: {  	_ =	shalt  }
0x44: {  	_ =	shalt  }
0x45: {  	_ =	shalt  }
0x46: {  	_ =	shalt  }
0x47: {  	_ =	shalt  }
0x48: {  	_ =	shalt  }
0x49: {  	_ =	shalt  }
0x4a: {  	_ =	shalt  }
0x4b: {  	_ =	shalt  }
0x4c: {  	_ =	shalt  }
0x4d: {  	_ =	shalt  }
0x4e: {  	_ =	shalt  }
0x4f: {  	_ =	shalt  }
0x50: {  	_ =	shalt  }
0x51: {  	_ =	shalt  }
0x52: {  	_ =	shalt  }
0x53: {  	_ =	shalt  }
0x54: {  	_ =	shalt  }
0x55: {  	_ =	shalt  }
0x56: {  	_ =	shalt  }
0x57: {  	_ =	shalt  }
0x58: {  	_ =	shalt  }
0x59: {  	_ =	shalt  }
0x5a: {  	_ =	shalt  }
0x5b: {  	_ =	shalt  }
0x5c: {  	_ =	shalt  }
0x5d: {  	_ =	shalt  }
0x5e: {  	_ =	shalt  }
0x5f: {  	_ =	shalt  }
0x60: {  	_ =	shalt  }
0x61: {  	_ =	shalt  }
0x62: {  	_ =	shalt  }
0x63: {  	_ =	shalt  }
0x64: {  	_ =	shalt  }
0x65: {  	_ =	shalt  }
0x66: {  	_ =	shalt  }
0x67: {  	_ =	shalt  }
0x68: {  	_ =	shalt  }
0x69: {  	_ =	shalt  }
0x6a: {  	_ =	shalt  }
0x6b: {  	_ =	shalt  }
0x6c: {  	_ =	shalt  }
0x6d: {  	_ =	shalt  }
0x6e: {  	_ =	shalt  }
0x6f: {  	_ =	shalt  }
0x70: {  	_ =	shalt  }
0x71: {  	_ =	shalt  }
0x72: {  	_ =	shalt  }
0x73: {  	_ =	shalt  }
0x74: {  	_ =	shalt  }
0x75: {  	_ =	shalt  }
0x76: {  	_ =	shalt  }
0x77: {  	_ =	shalt  }
0x78: {  	_ =	shalt  }
0x79: {  	_ =	shalt  }
0x7a: {  	_ =	shalt  }
0x7b: {  	_ =	shalt  }
0x7c: {  	_ =	shalt  }
0x7d: {  	_ =	shalt  }
0x7e: {  	_ =	shalt  }
0x7f: {  	_ =	shalt  }
0x80: {  	_ =	shalt  }
0x81: {  	_ =	shalt  }
0x82: {  	_ =	shalt  }
0x83: {  	_ =	shalt  }
0x84: {  	_ =	shalt  }
0x85: {  	_ =	shalt  }
0x86: {  	_ =	shalt  }
0x87: {  	_ =	shalt  }
.Lfunc_end0:
.L_simem_size_0:
called_computation_lowered:
.L_overlay_start_0:
0x88: {  	s2 =	sld [smem:$0x3FD9]  }
0x89: {  	s3 =	sld [smem:$0x3FFE];
	_ =	sdelay $0x1  }
0x8a: {  	s1 =	srdreg.scid  }
0x8b: {  	s0 =	sand.u32 $0x1, s1  }
0x8c: {  	s14 =	sshll.u32 s0, $0xA;
	s2 =	sadd.s32 s3, s2  }
0x8d: {  	s2 =	sadd.s32 s2, s14  }
0x8e: {  	[smem:$0x3FC3] =	sst s2  }
0x8f: {  	_ = 	snop  }
0x90: {  	s2 =	sld [smem:$0x3FD0];
	_ =	sdelay $0x2  }
0x91: {  	s4 =	simm.s32 $0xA;
	s5 =	simm.s32 $0x10;
	s15 =	sld [smem:$0x3FC9]  }
0x92: {  	[smem:s5], [sflag:s4] =	dma.local [hbm:s2], $0x1  }
0x93: {  	_ =	swait.eq [sflag:s4], $0x1  }
0x94: {  	[sflag:s4] =	ssyncset.done $0x0  }
0x95: {  	[sflag:s4] =	ssyncadd.s32 $0xFFFFFFFF  }
0x96: {  	s16 =	sld [smem:$0x11];
	(tm) =	ssettm $0x1  }
0x97: {  	s17 =	sld [smem:$0x3FFB];
	_ =	sdelay $0x3  }
0x98: {  	_ =	strace s17  }
0x99: {  	s4 =	sld [smem:$0x3FFC];
	_ =	sdelay $0x3  }
0x9a: {  	_ =	strace s4  }
0x9b: {  	s4 =	sld [smem:$0x3FFD];
	_ =	sdelay $0x3  }
0x9c: {  	_ =	strace s4  }
0x9d: {  	_ =	strace $0x8FFFFFFF  }
0x9e: {  	s18 =	sld [smem:$0x3FDB];
	_ =	sdelay $0x1  }
0x9f: {  	s19 =	simm.s32 $_scs_section_size  }
0xa0: {  	s6 =	simm.s32 $_size__tile_overlayer_lowered;
	s7 =	simm.s32 $_tile_overlayer_lowered  }
0xa1: {  	s22 =	simm.s32 $0x1BFF;
	s21 =	sshll.u32 s7, $0x1;
	s4 =	sadd.s32 s19, s18  }
0xa2: {  	s8 =	simm.s32 $0x0;
	s20 =	sshll.u32 s6, $0x1;
	s6 =	sadd.s32 s21, s4  }
0xa3: {  	[timem:s8], [sflag:s22] =	dma.local [hbm:s6], s20  }
0xa4: {  	_ =	swait.ge [sflag:s22], s20  }
0xa5: {  	s5 =	ssub.s32 $0x0, s20;
	[sflag:s22] =	ssyncset.done $0x0  }
0xa6: {  	[sflag:s22] =	ssyncadd.s32 s5;
	_ =	sdelay $0x1  }
0xa7: {  	s23 =	simm.s32 $0x1B8B  }
0xa8: {  	_ =	swait.ge [sflag:s23], $0x1  }
0xa9: {  	[sflag:s23] =	ssyncset.done $0x0  }
0xaa: {  	s25 =	simm.s32 $0x1B8E;
	s24 =	sld [smem:$0x3FFE];
	[sflag:s23] =	ssyncadd.s32 $0xFFFFFFFF  }
0xab: {  	s26 =	simm.s32 $execute0_lowered;
	[smem:$0x3FD2] =	sst s25  }
0xac: {  	s6 =	sshll.u32 s26, $0x1;
	_ =	strace $0x80000046;
	[dreg:$0x1] =	wrdreg $0xFFFFFFFF  }
0xad: {  	s28 =	simm.s32 $_size_execute0_lowered;
	s4 =	sadd.s32 s4, s6;
	[dreg:$0x0] =	wrdreg $0x0  }
0xae: {  	s6 =	sshll.u32 s28, $0x1;
	[dreg:$0x2] =	wrdreg s4  }
0xaf: {  	[dreg:$0x3] =	wrdreg s6  }
0xb0: {  	[dreg:$0x4] =	wrdreg $0xC0  }
0xb1: {  	_ =	task [dreg:s8], $0x5FFFF  }
0xb2: {  	[dreg:$0x1] =	wrdreg $0xFFFFFFFF  }
0xb3: {  	[dreg:$0x0] =	wrdreg $0x60  }
0xb4: {  	[dreg:$0x2] =	wrdreg s15  }
0xb5: {  	[dreg:$0x3] =	wrdreg s24  }
0xb6: {  	[dreg:$0x4] =	wrdreg s16  }
0xb7: {  	[dreg:$0x5] =	wrdreg $0x88000  }
0xb8: {  	[dreg:$0x6] =	wrdreg $0x9  }
0xb9: {  	_ =	task.clear_ibuf [dreg:s8], $0x7FFFF;
	_ =	strace $0x90000046  }
0xba: {  	s29 =	simm.s32 $0x9;
	_ =	strace $0x80000048  }
0xbb: {  	_ =	swait.ge [sflag:s29], $0x1  }
0xbc: {  	[sflag:s29] =	ssyncadd.s32 $0xFFFFFFFF  }
0xbd: {  	_ =	strace $0x90000048  }
0xbe: {  	_ =	sfence  }
0xbf: {  	s30 =	sld [smem:$0x0];
	_ =	sdelay $0x2  }
0xc0: {  	s31 =	sshll.u32 s1, $0xD;
	s1 =	sshrl.u32 s1, $0x2  }
0xc1: {  	s3 =	sand.u32 $0x4000, s31;
	s1 =	sadd.s32 s1, s30  }
0xc2: {  	s0 =	sor.u32 s3, s0;
	s1 =	sshll.u32 s1, $0x11  }
0xc3: {  	s0 =	sor.u32 s1, s0  }
0xc4: {  	s0 =	sadd.s32 $0x8F2B, s0  }
0xc5: {  	[sflag:s0] =	ssyncadd.remote.s32 $0x1  }
0xc6: {  	_ =	sfence.sel $0xFFFF  }
0xc7: {  	[dreg:$0x0] =	wrdreg $0xFFFFFFFF;
	(pc) =	sbr.abs _section_cstart, $3  }
0xc8: {  	[dreg:$0x1] =	wrdreg $0xFFFFFFFF  }
0xc9: {  	_ =	task.clear_ibuf [dreg:s8], $0x2FFFF;
	_ =	strace $0x9FFFFFFF  }
0xca: {  	(tm) =	ssettm $0x7FFFFFFF  }
0xcb: {  	_ =	shalt  }
tec
execute0_lowered:
.L_overlay_start_1:
0x0: {  	(tag) =	ssettag $0x1  }
0x1: {  	s0 =	rddreg [dreg:$0x0];
	s1 =	srdreg.scid  }
0x2: {  	s8 =	stileid.u32;
	s4 =	rddreg [dreg:$0x1]  }
0x3: {  	s23 =	rddreg [dreg:$0x2];
	s3 =	simm.s32 $0x0;
	s5 =	simm.s32 $0x1  }
0x4: {  	s28 =	simm.s32 $0x80;
	s29 =	simm.s32 $0x700;
	s30 =	simm.s32 $0x780  }
0x5: {  	s31 =	simm.s32 $0x0;
	s1 =	sand.u32 $0x1, s1;
	s2 =	sshll.u32 s8, $0x1  }
0x6: {  	[smem:$0x7FF] =	sst s3;
	s21 =	sshll.u32 s8, $0xE;
	s22 =	sor.u32 s1, s2  }
0x7: {  	s2 =	rddreg [dreg:$0x3];
	p1 =	seq.s32 s1, $0x1;
	p0 =	seq.s32 s22, $0x0  }
0x8: {  	_ =	strace $0x80000047;
	s20 =	ssub.s32 $0x2, s1;
	p0 =	por !p0, !p1  }
0x9: {  	s1 =	sshll.u32 s1, $0xF;
	s6 =	sshll.u32 s22, $0x8;
	p0 =	por !p0, !p0  }
0xa: {  	s7 =	sshrl.u32 s20, $0x1;
	s26 =	sshll.u32 s22, $0xB;
	s5 =	simm.s32 @!p0 $0x0  }
0xb: {  	s6 =	sadd.s32 s6, s4;
	s24 =	ssub.s32 s20, s7;
	s5 =	ssub.s32 s8, s5  }
0xc: {  	s4 =	simm.s32 $0x1;
	s23 =	sadd.s32 s23, s26;
	s5 =	sshll.u32 s5, $0x10  }
0xd: {  	s26 =	simm.s32 $0x800;
	s24 =	smax.u32 s24, $0x1;
	s1 =	sor.u32 s1, s5  }
0xe: {  	s5 =	sadd.s32 $0x1400, s6;
	s6 =	sadd.s32 s21, s2;
	s25 =	sand.u32 $0x1FFF8000, s1  }
0xf: {  	s7 =	sadd.s32 s0, s1;
	s0 =	sadd.s32 s25, s0;
	s25 =	simm.s32 $0x680  }
0x10: {  	s8 =	sadd.s32 $0x800, s0;
	s9 =	sadd.s32 $0x1000, s0;
	s10 =	sadd.s32 $0x1800, s0  }
0x11: {  	s11 =	sadd.s32 $0x2000, s0;
	s12 =	sadd.s32 $0x2800, s0;
	s13 =	sadd.s32 $0x3000, s0  }
0x12: {  	s14 =	sadd.s32 $0x3800, s0;
	s15 =	sadd.s32 $0x4000, s0;
	s16 =	sadd.s32 $0x4800, s0  }
0x13: {  	s17 =	sadd.s32 $0x5000, s0;
	s18 =	sadd.s32 $0x5800, s0;
	s19 =	sadd.s32 $0x6000, s0  }
0x14: {  	v0 =	vimm.f32 $0.0e+00;
	s20 =	sadd.s32 $0x6800, s0;
	s21 =	sadd.s32 $0x7000, s0;
	s22 =	sadd.s32 $0x7800, s0  }
.LBB2_1:
0x15: {  	[tilespmem:s3], [sflag:$0x1] =	stream.linear.gather [hbm4b:s5+s3], $0x800, $0x38;
	[tilespmem:$0xC800] =	vst v63  }
0x16: {  	_ =	swait.ge [sflag:s4], $0x800  }
0x17: {  	[sflag:s4] =	ssyncset.done $0x0  }
0x18: {  	s1 =	simm.s32 $0x0;
	s0 =	simm.s32 $0x200;
	[sflag:s4] =	ssyncadd.s32 $0xFFFFF800  }
.LBB2_2:
0x19: {  	p0 =	sne.s32 s0, $0xFE00;
	[tilespmem:s1+$0x4870] =	vst v0  }
0x1a: {  	[tilespmem:s1+$0x4800] =	vst v0  }
0x1b: {  	[tilespmem:s1+$0x4810] =	vst v0  }
.Ltmp0:
0x1c: {  	[tilespmem:s1+$0x4820] =	vst v0;
	(pc) =	sbr.rel @p0 .LBB2_2-.Ltmp0, $4  }
0x1d: {  	[tilespmem:s1+$0x4830] =	vst v0  }
0x1e: {  	[tilespmem:s1+$0x4840] =	vst v0  }
0x1f: {  	[tilespmem:s1+$0x4850] =	vst v0  }
0x20: {  	[tilespmem:s1+$0x4860] =	vst v0;
	s1 =	sshra.s32 s0, $0x2;
	s0 =	sadd.s32 $0x200, s0  }
0x21: {  	[tilespmem:s1+$0x4870] =	vst v0  }
0x22: {  	[tilespmem:s1+$0x4800] =	vst v0  }
0x23: {  	[tilespmem:s1+$0x4810] =	vst v0  }
0x24: {  	[tilespmem:s1+$0x4820] =	vst v0  }
0x25: {  	[tilespmem:s1+$0x4830] =	vst v0  }
0x26: {  	[tilespmem:s1+$0x4840] =	vst v0  }
0x27: {  	[tilespmem:s1+$0x4850] =	vst v0  }
0x28: {  	[tilespmem:s1+$0x4860] =	vst v0;
	s0 =	simm.s32 $0x4800  }
0x29: {  	[spmem:s6] =	stream.linear.scatter [tilespmem:s0], [sflag:$0x1], $0x4000, $0x38;
	[tilespmem:$0xC800] =	vst v63  }
0x2a: {  	_ =	swait.ge [sflag:s4], $0x4000  }
0x2b: {  	[sflag:s4] =	ssyncset.done $0x0  }
0x2c: {  	[sflag:s4] =	ssyncadd.s32 $0xFFFFC000  }
0x2d: {  	[tilespmem:s26], [sflag:$0x1] =	stream.linear.gather [hbm4b:s7+s3], $0x4000, $0x38;
	[tilespmem:$0xC800] =	vst v63  }
0x2e: {  	_ =	swait.ge [sflag:s4], $0x4000  }
0x2f: {  	[sflag:s4] =	ssyncset.done $0x0  }
0x30: {  	[sflag:s4] =	ssyncadd.s32 $0xFFFFC000  }
0x31: {  	[spmem:s2] =	stream.indirect.scatter.add.f32 [tilespmem:s26], [sflag:$0x1], $0x80, s3, s28, $0xb8;
	[tilespmem:$0xC800] =	vst v63  }
0x32: {  	_ =	swait.ge [sflag:s4], $0x4000  }
0x33: {  	[sflag:s4] =	ssyncset.done $0x0  }
0x34: {  	[sflag:s4] =	ssyncadd.s32 $0xFFFFC000  }
0x35: {  	[tilespmem:s26], [sflag:$0x1] =	stream.linear.gather [hbm4b:s8+s3], $0x4000, $0x38;
	[tilespmem:$0xC800] =	vst v63  }
0x36: {  	_ =	swait.ge [sflag:s4], $0x4000  }
0x37: {  	[sflag:s4] =	ssyncset.done $0x0  }
0x38: {  	[sflag:s4] =	ssyncadd.s32 $0xFFFFC000  }
0x39: {  	[spmem:s2] =	stream.indirect.scatter.add.f32 [tilespmem:s26], [sflag:$0x1], $0x80, s28, s28, $0xb8;
	[tilespmem:$0xC800] =	vst v63  }
0x3a: {  	_ =	swait.ge [sflag:s4], $0x4000  }
0x3b: {  	[sflag:s4] =	ssyncset.done $0x0  }
0x3c: {  	[sflag:s4] =	ssyncadd.s32 $0xFFFFC000  }
0x3d: {  	[tilespmem:s26], [sflag:$0x1] =	stream.linear.gather [hbm4b:s9+s3], $0x4000, $0x38;
	[tilespmem:$0xC800] =	vst v63  }
0x3e: {  	_ =	swait.ge [sflag:s4], $0x4000  }
0x3f: {  	[sflag:s4] =	ssyncset.done $0x0  }
0x40: {  	s1 =	simm.s32 $0x100;
	[sflag:s4] =	ssyncadd.s32 $0xFFFFC000  }
0x41: {  	[spmem:s2] =	stream.indirect.scatter.add.f32 [tilespmem:s26], [sflag:$0x1], $0x80, s1, s28, $0xb8;
	[tilespmem:$0xC800] =	vst v63  }
0x42: {  	_ =	swait.ge [sflag:s4], $0x4000  }
0x43: {  	[sflag:s4] =	ssyncset.done $0x0  }
0x44: {  	[sflag:s4] =	ssyncadd.s32 $0xFFFFC000  }
0x45: {  	[tilespmem:s26], [sflag:$0x1] =	stream.linear.gather [hbm4b:s10+s3], $0x4000, $0x38;
	[tilespmem:$0xC800] =	vst v63  }
0x46: {  	_ =	swait.ge [sflag:s4], $0x4000  }
0x47: {  	[sflag:s4] =	ssyncset.done $0x0  }
0x48: {  	s1 =	simm.s32 $0x180;
	[sflag:s4] =	ssyncadd.s32 $0xFFFFC000  }
0x49: {  	[spmem:s2] =	stream.indirect.scatter.add.f32 [tilespmem:s26], [sflag:$0x1], $0x80, s1, s28, $0xb8;
	[tilespmem:$0xC800] =	vst v63  }
0x4a: {  	_ =	swait.ge [sflag:s4], $0x4000  }
0x4b: {  	[sflag:s4] =	ssyncset.done $0x0  }
0x4c: {  	[sflag:s4] =	ssyncadd.s32 $0xFFFFC000  }
0x4d: {  	[tilespmem:s26], [sflag:$0x1] =	stream.linear.gather [hbm4b:s11+s3], $0x4000, $0x38;
	[tilespmem:$0xC800] =	vst v63  }
0x4e: {  	_ =	swait.ge [sflag:s4], $0x4000  }
0x4f: {  	[sflag:s4] =	ssyncset.done $0x0  }
0x50: {  	s1 =	simm.s32 $0x200;
	[sflag:s4] =	ssyncadd.s32 $0xFFFFC000  }
0x51: {  	[spmem:s2] =	stream.indirect.scatter.add.f32 [tilespmem:s26], [sflag:$0x1], $0x80, s1, s28, $0xb8;
	[tilespmem:$0xC800] =	vst v63  }
0x52: {  	_ =	swait.ge [sflag:s4], $0x4000  }
0x53: {  	[sflag:s4] =	ssyncset.done $0x0  }
0x54: {  	[sflag:s4] =	ssyncadd.s32 $0xFFFFC000  }
0x55: {  	[tilespmem:s26], [sflag:$0x1] =	stream.linear.gather [hbm4b:s12+s3], $0x4000, $0x38;
	[tilespmem:$0xC800] =	vst v63  }
0x56: {  	_ =	swait.ge [sflag:s4], $0x4000  }
0x57: {  	[sflag:s4] =	ssyncset.done $0x0  }
0x58: {  	s1 =	simm.s32 $0x280;
	[sflag:s4] =	ssyncadd.s32 $0xFFFFC000  }
0x59: {  	[spmem:s2] =	stream.indirect.scatter.add.f32 [tilespmem:s26], [sflag:$0x1], $0x80, s1, s28, $0xb8;
	[tilespmem:$0xC800] =	vst v63  }
0x5a: {  	_ =	swait.ge [sflag:s4], $0x4000  }
0x5b: {  	[sflag:s4] =	ssyncset.done $0x0  }
0x5c: {  	[sflag:s4] =	ssyncadd.s32 $0xFFFFC000  }
0x5d: {  	[tilespmem:s26], [sflag:$0x1] =	stream.linear.gather [hbm4b:s13+s3], $0x4000, $0x38;
	[tilespmem:$0xC800] =	vst v63  }
0x5e: {  	_ =	swait.ge [sflag:s4], $0x4000  }
0x5f: {  	[sflag:s4] =	ssyncset.done $0x0  }
0x60: {  	s1 =	simm.s32 $0x300;
	[sflag:s4] =	ssyncadd.s32 $0xFFFFC000  }
0x61: {  	[spmem:s2] =	stream.indirect.scatter.add.f32 [tilespmem:s26], [sflag:$0x1], $0x80, s1, s28, $0xb8;
	[tilespmem:$0xC800] =	vst v63  }
0x62: {  	_ =	swait.ge [sflag:s4], $0x4000  }
0x63: {  	[sflag:s4] =	ssyncset.done $0x0  }
0x64: {  	[sflag:s4] =	ssyncadd.s32 $0xFFFFC000  }
0x65: {  	[tilespmem:s26], [sflag:$0x1] =	stream.linear.gather [hbm4b:s14+s3], $0x4000, $0x38;
	[tilespmem:$0xC800] =	vst v63  }
0x66: {  	_ =	swait.ge [sflag:s4], $0x4000  }
0x67: {  	[sflag:s4] =	ssyncset.done $0x0  }
0x68: {  	s1 =	simm.s32 $0x380;
	[sflag:s4] =	ssyncadd.s32 $0xFFFFC000  }
0x69: {  	[spmem:s2] =	stream.indirect.scatter.add.f32 [tilespmem:s26], [sflag:$0x1], $0x80, s1, s28, $0xb8;
	[tilespmem:$0xC800] =	vst v63  }
0x6a: {  	_ =	swait.ge [sflag:s4], $0x4000  }
0x6b: {  	[sflag:s4] =	ssyncset.done $0x0  }
0x6c: {  	[sflag:s4] =	ssyncadd.s32 $0xFFFFC000  }
0x6d: {  	[tilespmem:s26], [sflag:$0x1] =	stream.linear.gather [hbm4b:s15+s3], $0x4000, $0x38;
	[tilespmem:$0xC800] =	vst v63  }
0x6e: {  	_ =	swait.ge [sflag:s4], $0x4000  }
0x6f: {  	[sflag:s4] =	ssyncset.done $0x0  }
0x70: {  	s1 =	simm.s32 $0x400;
	[sflag:s4] =	ssyncadd.s32 $0xFFFFC000  }
0x71: {  	[spmem:s2] =	stream.indirect.scatter.add.f32 [tilespmem:s26], [sflag:$0x1], $0x80, s1, s28, $0xb8;
	[tilespmem:$0xC800] =	vst v63  }
0x72: {  	_ =	swait.ge [sflag:s4], $0x4000  }
0x73: {  	[sflag:s4] =	ssyncset.done $0x0  }
0x74: {  	[sflag:s4] =	ssyncadd.s32 $0xFFFFC000  }
0x75: {  	[tilespmem:s26], [sflag:$0x1] =	stream.linear.gather [hbm4b:s16+s3], $0x4000, $0x38;
	[tilespmem:$0xC800] =	vst v63  }
0x76: {  	_ =	swait.ge [sflag:s4], $0x4000  }
0x77: {  	[sflag:s4] =	ssyncset.done $0x0  }
0x78: {  	s1 =	simm.s32 $0x480;
	[sflag:s4] =	ssyncadd.s32 $0xFFFFC000  }
0x79: {  	[spmem:s2] =	stream.indirect.scatter.add.f32 [tilespmem:s26], [sflag:$0x1], $0x80, s1, s28, $0xb8;
	[tilespmem:$0xC800] =	vst v63  }
0x7a: {  	_ =	swait.ge [sflag:s4], $0x4000  }
0x7b: {  	[sflag:s4] =	ssyncset.done $0x0  }
0x7c: {  	[sflag:s4] =	ssyncadd.s32 $0xFFFFC000  }
0x7d: {  	[tilespmem:s26], [sflag:$0x1] =	stream.linear.gather [hbm4b:s17+s3], $0x4000, $0x38;
	[tilespmem:$0xC800] =	vst v63  }
0x7e: {  	_ =	swait.ge [sflag:s4], $0x4000  }
0x7f: {  	[sflag:s4] =	ssyncset.done $0x0  }
0x80: {  	s1 =	simm.s32 $0x500;
	[sflag:s4] =	ssyncadd.s32 $0xFFFFC000  }
0x81: {  	[spmem:s2] =	stream.indirect.scatter.add.f32 [tilespmem:s26], [sflag:$0x1], $0x80, s1, s28, $0xb8;
	[tilespmem:$0xC800] =	vst v63  }
0x82: {  	_ =	swait.ge [sflag:s4], $0x4000  }
0x83: {  	[sflag:s4] =	ssyncset.done $0x0  }
0x84: {  	[sflag:s4] =	ssyncadd.s32 $0xFFFFC000  }
0x85: {  	[tilespmem:s26], [sflag:$0x1] =	stream.linear.gather [hbm4b:s18+s3], $0x4000, $0x38;
	[tilespmem:$0xC800] =	vst v63  }
0x86: {  	_ =	swait.ge [sflag:s4], $0x4000  }
0x87: {  	[sflag:s4] =	ssyncset.done $0x0  }
0x88: {  	s1 =	simm.s32 $0x580;
	[sflag:s4] =	ssyncadd.s32 $0xFFFFC000  }
0x89: {  	[spmem:s2] =	stream.indirect.scatter.add.f32 [tilespmem:s26], [sflag:$0x1], $0x80, s1, s28, $0xb8;
	[tilespmem:$0xC800] =	vst v63  }
0x8a: {  	_ =	swait.ge [sflag:s4], $0x4000  }
0x8b: {  	[sflag:s4] =	ssyncset.done $0x0  }
0x8c: {  	[sflag:s4] =	ssyncadd.s32 $0xFFFFC000  }
0x8d: {  	[tilespmem:s26], [sflag:$0x1] =	stream.linear.gather [hbm4b:s19+s3], $0x4000, $0x38;
	[tilespmem:$0xC800] =	vst v63  }
0x8e: {  	_ =	swait.ge [sflag:s4], $0x4000  }
0x8f: {  	[sflag:s4] =	ssyncset.done $0x0  }
0x90: {  	s1 =	simm.s32 $0x600;
	[sflag:s4] =	ssyncadd.s32 $0xFFFFC000  }
0x91: {  	[spmem:s2] =	stream.indirect.scatter.add.f32 [tilespmem:s26], [sflag:$0x1], $0x80, s1, s28, $0xb8;
	[tilespmem:$0xC800] =	vst v63  }
0x92: {  	_ =	swait.ge [sflag:s4], $0x4000  }
0x93: {  	[sflag:s4] =	ssyncset.done $0x0  }
0x94: {  	[sflag:s4] =	ssyncadd.s32 $0xFFFFC000  }
0x95: {  	[tilespmem:s26], [sflag:$0x1] =	stream.linear.gather [hbm4b:s20+s3], $0x4000, $0x38;
	[tilespmem:$0xC800] =	vst v63  }
0x96: {  	_ =	swait.ge [sflag:s4], $0x4000  }
0x97: {  	[sflag:s4] =	ssyncset.done $0x0  }
0x98: {  	[sflag:s4] =	ssyncadd.s32 $0xFFFFC000  }
0x99: {  	[spmem:s2] =	stream.indirect.scatter.add.f32 [tilespmem:s26], [sflag:$0x1], $0x80, s25, s28, $0xb8;
	[tilespmem:$0xC800] =	vst v63  }
0x9a: {  	_ =	swait.ge [sflag:s4], $0x4000  }
0x9b: {  	[sflag:s4] =	ssyncset.done $0x0  }
0x9c: {  	[sflag:s4] =	ssyncadd.s32 $0xFFFFC000  }
0x9d: {  	[tilespmem:s26], [sflag:$0x1] =	stream.linear.gather [hbm4b:s21+s3], $0x4000, $0x38;
	[tilespmem:$0xC800] =	vst v63  }
0x9e: {  	_ =	swait.ge [sflag:s4], $0x4000  }
0x9f: {  	[sflag:s4] =	ssyncset.done $0x0  }
0xa0: {  	[sflag:s4] =	ssyncadd.s32 $0xFFFFC000  }
0xa1: {  	[spmem:s2] =	stream.indirect.scatter.add.f32 [tilespmem:s26], [sflag:$0x1], $0x80, s29, s28, $0xb8;
	[tilespmem:$0xC800] =	vst v63  }
0xa2: {  	_ =	swait.ge [sflag:s4], $0x4000  }
0xa3: {  	[sflag:s4] =	ssyncset.done $0x0  }
0xa4: {  	[sflag:s4] =	ssyncadd.s32 $0xFFFFC000  }
0xa5: {  	[tilespmem:s26], [sflag:$0x1] =	stream.linear.gather [hbm4b:s22+s3], $0x4000, $0x38;
	[tilespmem:$0xC800] =	vst v63  }
0xa6: {  	_ =	swait.ge [sflag:s4], $0x4000  }
0xa7: {  	[sflag:s4] =	ssyncset.done $0x0  }
0xa8: {  	s31 =	sadd.s32 $0x1, s31;
	[sflag:s4] =	ssyncadd.s32 $0xFFFFC000  }
0xa9: {  	[spmem:s2] =	stream.indirect.scatter.add.f32 [tilespmem:s26], [sflag:$0x1], $0x80, s30, s28, $0xb8;
	[tilespmem:$0xC800] =	vst v63  }
0xaa: {  	p0 =	sne.s32 s31, s24;
	s1 =	stileid.u32;
	_ =	swait.ge [sflag:s4], $0x4000  }
0xab: {  	s0 =	sshll.u32 s1, $0x6;
	s1 =	sshrl.u32 s6, $0x3;
	[sflag:s4] =	ssyncset.done $0x0  }
.Ltmp1:
0xac: {  	s0 =	sor.u32 $0x1C01, s0;
	[sflag:s4] =	ssyncadd.s32 $0xFFFFC000;
	(pc) =	sbr.rel @p0 .LBB2_1-.Ltmp1, $4  }
0xad: {  	[hbm:s23], [sflag:s0] =	dma.local [spmem:s1], $0x800  }
0xae: {  	_ =	swait.ge [sflag:s4], $0x800  }
0xaf: {  	[sflag:s4] =	ssyncset.done $0x0  }
0xb0: {  	[sflag:s4] =	ssyncadd.s32 $0xFFFFF800  }
0xb1: {  	_ =	sfence.sel $0x180000  }
0xb2: {  	[bflag:$0x0] =	sbarrier.arrive $0xFFFF  }
0xb3: {  	_ =	strace $0x90000047  }
0xb4: {  	s0 =	stileid.u32;
	[bflag:$0x2] =	sbarrier.arrive $0xFFFF  }
0xb5: {  	p0 =	sne.s32 s0, $0x0;
	s0 =	rddreg [dreg:$0x4]  }
0xb6: {  	s0 =	sadd.s32 @!p0 $0x100000, s0  }
0xb7: {  	[sflag:s0] =	ssyncadd.tile.s32 @!p0 $0x1;
	_ =	shalt  }
.Lfunc_end2:
_tile_overlayer_lowered:
.L_overlay_start_2:
0xb8: {  	(tag) =	ssettag $0x2  }
0xb9: {  	s0 =	rddreg [dreg:$0x0];
	s2 =	stileid.u32  }
0xba: {  	s1 =	rddreg [dreg:$0x1];
	p0 =	sne.s32 s2, $0x0  }
0xbb: {  	s3 =	rddreg [dreg:$0x2];
	[bflag:$0x3] =	sbarrier.arrive $0xFFFF;
	s2 =	simm.s32 @!p0 $0x1C01  }
0xbc: {  	[timem:s3], [sflag:s2] =	dma.local @!p0 [hbm:s0], s1  }
0xbd: {  	s0 =	simm.s32 @!p0 $0x1  }
0xbe: {  	_ =	swait.ge @!p0 [sflag:s0], s1  }
0xbf: {  	s1 =	ssub.s32 @!p0 $0x0, s1;
	[sflag:s0] =	ssyncset.done @!p0 $0x0  }
0xc0: {  	[sflag:s0] =	ssyncadd.s32 @!p0 s1  }
0xc1: {  	[bflag:$0x3] =	sbarrier.arrive $0xFFFF  }
0xc2: {  	_ =	shalt  }

// kernel: kernel.8.cloned.1.call-start
scs
__scs_entry_jumppad:
0x0: {  	(pc) =	sbr.rel $0x88, $3  }
0x1: {  	(tag) =	ssettag $0x0;
	lr =	simm.s32 $0x1  }
0x2: {  	[smem:$0x3F9C] =	sst lr;
	_ =	strace $0xD0000000  }
0x3: {  	_ = 	snop  }
0x4: {  	_ = 	snop  }
0x5: {  	_ = 	snop  }
0x6: {  	_ = 	snop  }
0x7: {  	_ = 	snop  }
__scs_overlays_trampoline_lowered:
0x8: {  	[smem:$0x3FAB] =	sst s0  }
0x9: {  	[smem:$0x3FAC] =	sst s1  }
0xa: {  	[smem:$0x3FAD] =	sst s2  }
0xb: {  	[smem:$0x3FAE] =	sst s3  }
0xc: {  	[smem:$0x3FAF] =	sst s4  }
0xd: {  	[smem:$0x3FB0] =	sst s5  }
0xe: {  	[smem:$0x3FB1] =	sst s6  }
0xf: {  	[smem:$0x3FB2] =	sst s7  }
0x10: {  	[smem:$0x3FB3] =	sst s8  }
0x11: {  	[smem:$0x3FB4] =	sst s9;
	s0 =	simm.s32 @!p0 $0x0  }
0x12: {  	s1 =	sld [smem:$0x3F9A];
	s0 =	simm.s32 @p0 $0x1  }
0x13: {  	[smem:$0x3FB5] =	sst s0;
	s0 =	simm.s32 @!p1 $0x0  }
0x14: {  	s2 =	sld [smem:$0x3F99];
	s0 =	simm.s32 @p1 $0x1  }
0x15: {  	[smem:$0x3FB6] =	sst s0;
	s0 =	simm.s32 @!p2 $0x0  }
0x16: {  	s3 =	sld [smem:$0x3FDB];
	s0 =	simm.s32 @p2 $0x1  }
0x17: {  	s4 =	simm.s32 $0x1BF5;
	[smem:$0x3FB8] =	sst s0  }
0x18: {  	s0 =	sld [smem:$0x3F9B];
	_ =	swait.ge [sflag:s4], $0x0  }
0x19: {  	s7 =	sld [smem:$0x3F9C]  }
0x1a: {  	s8 =	sadd.s32 $0xFFFFE003, lr  }
0x1b: {  	s9 =	sadd.s32 $0xFFFFFEF7, lr;
	s5 =	simm.s32 $0xFFFFFFFF;
	p2 =	slt.u32 s8, $0xFFFFF086  }
0x1c: {  	p1 =	slt.u32 s9, $0xF7A;
	s5 =	simm.s32 @!p2 $0x0  }
0x1d: {  	s5 =	simm.s32 @p1 $0x1;
	p0 =	seq.s32 s7, s2  }
0x1e: {  	s7 =	smul.u32 @!p0 $0xF7A, s2;
	p2 =	seq.s32 @!p0 s5, $0x0  }
0x1f: {  	s9 =	smul.u32 $0xF7A, s1;
	s8 =	simm.s32 @!p0 $0x1BF5;
	p2 =	por !p2, p0  }
0x20: {  	[sflag:s8] =	ssyncset.s32 @!p0 $0xFFFFF086;
	s6 =	sadd.s32 @!p0 s3, s7;
	s7 =	simm.s32 @!p0 $0x108  }
0x21: {  	s3 =	sadd.s32 s3, s9;
	s6 =	sadd.s32 @!p0 $0x88, s6;
	s7 =	simm.s32 @p2 $0x1082  }
0x22: {  	[simem:s7], [sflag:s8] =	dma.local @!p0 [hbm:s6], $0xF7A  }
0x23: {  	s9 =	sor.u32 $0xD0000000, s2;
	s6 =	simm.s32 $0x108;
	_ =	swait.ge @!p0 [sflag:s8], $0x0  }
0x24: {  	s3 =	sadd.s32 $0x88, s3;
	s6 =	simm.s32 @!p1 $0x1082;
	[sflag:s4] =	ssyncset.s32 $0xFFFFF086  }
0x25: {  	[simem:s6], [sflag:s4] =	dma.local [hbm:s3], $0xF7A  }
0x26: {  	[smem:$0x3F9C] =	sst s1;
	(tag) =	ssettag s2;
	_ =	strace s9  }
0x27: {  	s1 =	sld [smem:$0x3FAC]  }
0x28: {  	s2 =	sld [smem:$0x3FAD]  }
0x29: {  	s4 =	sld [smem:$0x3FAF]  }
0x2a: {  	p0 =	seq.s32 s5, $0x0;
	s5 =	sld [smem:$0x3FB0]  }
0x2b: {  	s6 =	sld [smem:$0x3FB1]  }
0x2c: {  	s7 =	sld [smem:$0x3FB2]  }
0x2d: {  	s3 =	simm.s32 $0x108;
	s8 =	sld [smem:$0x3FB3]  }
0x2e: {  	s3 =	simm.s32 @!p0 $0x1082;
	s9 =	sld [smem:$0x3FB4]  }
0x2f: {  	lr =	sadd.s32 s0, s3;
	s0 =	sld [smem:$0x3FAB]  }
0x30: {  	s3 =	sld [smem:$0x3FAE]  }
0x31: {  	[smem:$0x3FB7] =	sst s10  }
0x32: {  	s10 =	sld [smem:$0x3FB5];
	_ =	sdelay $0x3  }
0x33: {  	p0 =	seq.s32 s10, $0x1;
	s10 =	sld [smem:$0x3FB7];
	_ =	sdelay $0x3  }
0x34: {  	[smem:$0x3FB7] =	sst s10  }
0x35: {  	s10 =	sld [smem:$0x3FB6];
	_ =	sdelay $0x3  }
0x36: {  	p1 =	seq.s32 s10, $0x1;
	s10 =	sld [smem:$0x3FB7];
	_ =	sdelay $0x3  }
0x37: {  	[smem:$0x3FB7] =	sst s10  }
0x38: {  	s10 =	sld [smem:$0x3FB8]  }
0x39: {  	_ = 	snop;
	(pc) =	sbr.ind lr, $3  }
0x3a: {  	_ = 	snop  }
0x3b: {  	_ = 	snop  }
0x3c: {  	p2 =	seq.s32 s10, $0x1;
	s10 =	sld [smem:$0x3FB7]  }
0x3d: {  	_ =	shalt  }
0x3e: {  	_ =	shalt  }
0x3f: {  	_ =	shalt  }
0x40: {  	_ =	shalt  }
0x41: {  	_ =	shalt  }
0x42: {  	_ =	shalt  }
0x43: {  	_ =	shalt  }
0x44: {  	_ =	shalt  }
0x45: {  	_ =	shalt  }
0x46: {  	_ =	shalt  }
0x47: {  	_ =	shalt  }
0x48: {  	_ =	shalt  }
0x49: {  	_ =	shalt  }
0x4a: {  	_ =	shalt  }
0x4b: {  	_ =	shalt  }
0x4c: {  	_ =	shalt  }
0x4d: {  	_ =	shalt  }
0x4e: {  	_ =	shalt  }
0x4f: {  	_ =	shalt  }
0x50: {  	_ =	shalt  }
0x51: {  	_ =	shalt  }
0x52: {  	_ =	shalt  }
0x53: {  	_ =	shalt  }
0x54: {  	_ =	shalt  }
0x55: {  	_ =	shalt  }
0x56: {  	_ =	shalt  }
0x57: {  	_ =	shalt  }
0x58: {  	_ =	shalt  }
0x59: {  	_ =	shalt  }
0x5a: {  	_ =	shalt  }
0x5b: {  	_ =	shalt  }
0x5c: {  	_ =	shalt  }
0x5d: {  	_ =	shalt  }
0x5e: {  	_ =	shalt  }
0x5f: {  	_ =	shalt  }
0x60: {  	_ =	shalt  }
0x61: {  	_ =	shalt  }
0x62: {  	_ =	shalt  }
0x63: {  	_ =	shalt  }
0x64: {  	_ =	shalt  }
0x65: {  	_ =	shalt  }
0x66: {  	_ =	shalt  }
0x67: {  	_ =	shalt  }
0x68: {  	_ =	shalt  }
0x69: {  	_ =	shalt  }
0x6a: {  	_ =	shalt  }
0x6b: {  	_ =	shalt  }
0x6c: {  	_ =	shalt  }
0x6d: {  	_ =	shalt  }
0x6e: {  	_ =	shalt  }
0x6f: {  	_ =	shalt  }
0x70: {  	_ =	shalt  }
0x71: {  	_ =	shalt  }
0x72: {  	_ =	shalt  }
0x73: {  	_ =	shalt  }
0x74: {  	_ =	shalt  }
0x75: {  	_ =	shalt  }
0x76: {  	_ =	shalt  }
0x77: {  	_ =	shalt  }
0x78: {  	_ =	shalt  }
0x79: {  	_ =	shalt  }
0x7a: {  	_ =	shalt  }
0x7b: {  	_ =	shalt  }
0x7c: {  	_ =	shalt  }
0x7d: {  	_ =	shalt  }
0x7e: {  	_ =	shalt  }
0x7f: {  	_ =	shalt  }
0x80: {  	_ =	shalt  }
0x81: {  	_ =	shalt  }
0x82: {  	_ =	shalt  }
0x83: {  	_ =	shalt  }
0x84: {  	_ =	shalt  }
0x85: {  	_ =	shalt  }
0x86: {  	_ =	shalt  }
0x87: {  	_ =	shalt  }
.Lfunc_end0:
.L_simem_size_0:
called_computation.1_lowered:
.L_overlay_start_0:
0x88: {  	s2 =	sld [smem:$0x3FD9]  }
0x89: {  	s3 =	sld [smem:$0x3FFE];
	_ =	sdelay $0x1  }
0x8a: {  	s1 =	srdreg.scid  }
0x8b: {  	s0 =	sand.u32 $0x1, s1  }
0x8c: {  	s14 =	sshll.u32 s0, $0xA;
	s2 =	sadd.s32 s3, s2  }
0x8d: {  	s2 =	sadd.s32 s2, s14  }
0x8e: {  	[smem:$0x3FC3] =	sst s2  }
0x8f: {  	_ = 	snop  }
0x90: {  	s2 =	sld [smem:$0x3FD0];
	_ =	sdelay $0x2  }
0x91: {  	s15 =	simm.s32 $0xA;
	s4 =	simm.s32 $0x10  }
0x92: {  	[smem:s4], [sflag:s15] =	dma.local [hbm:s2], $0x1  }
0x93: {  	_ =	swait.eq [sflag:s15], $0x1  }
0x94: {  	[sflag:s15] =	ssyncset.done $0x0  }
0x95: {  	[sflag:s15] =	ssyncadd.s32 $0xFFFFFFFF  }
0x96: {  	s16 =	sld [smem:$0x11];
	(tm) =	ssettm $0x1  }
0x97: {  	s17 =	sld [smem:$0x3FFB];
	_ =	sdelay $0x3  }
0x98: {  	_ =	strace s17  }
0x99: {  	s3 =	sld [smem:$0x3FFC];
	_ =	sdelay $0x3  }
0x9a: {  	_ =	strace s3  }
0x9b: {  	s3 =	sld [smem:$0x3FFD];
	_ =	sdelay $0x3  }
0x9c: {  	_ =	strace s3  }
0x9d: {  	_ =	strace $0x8FFFFFFF  }
0x9e: {  	s18 =	sld [smem:$0x3FDB];
	_ =	sdelay $0x1  }
0x9f: {  	s19 =	simm.s32 $_scs_section_size  }
0xa0: {  	s5 =	simm.s32 $_size__tile_overlayer_lowered;
	s6 =	simm.s32 $_tile_overlayer_lowered  }
0xa1: {  	s22 =	simm.s32 $0x1BFF;
	s21 =	sshll.u32 s6, $0x1;
	s3 =	sadd.s32 s19, s18  }
0xa2: {  	s7 =	simm.s32 $0x0;
	s20 =	sshll.u32 s5, $0x1;
	s5 =	sadd.s32 s21, s3  }
0xa3: {  	[timem:s7], [sflag:s22] =	dma.local [hbm:s5], s20  }
0xa4: {  	_ =	swait.ge [sflag:s22], s20  }
0xa5: {  	s4 =	ssub.s32 $0x0, s20;
	[sflag:s22] =	ssyncset.done $0x0  }
0xa6: {  	[sflag:s22] =	ssyncadd.s32 s4;
	_ =	sdelay $0x1  }
0xa7: {  	s23 =	simm.s32 $0x1B8B  }
0xa8: {  	_ =	swait.ge [sflag:s23], $0x1  }
0xa9: {  	[sflag:s23] =	ssyncset.done $0x0  }
0xaa: {  	s25 =	simm.s32 $0x1B8E;
	s24 =	sld [smem:$0x3FFE];
	[sflag:s23] =	ssyncadd.s32 $0xFFFFFFFF  }
0xab: {  	s26 =	simm.s32 $execute0_lowered;
	[smem:$0x3FD2] =	sst s25  }
0xac: {  	s5 =	sshll.u32 s26, $0x1;
	_ =	strace $0x80000049;
	[dreg:$0x1] =	wrdreg $0xFFFFFFFF  }
0xad: {  	s28 =	simm.s32 $_size_execute0_lowered;
	s3 =	sadd.s32 s3, s5;
	[dreg:$0x0] =	wrdreg $0x0  }
0xae: {  	s5 =	sshll.u32 s28, $0x1;
	[dreg:$0x2] =	wrdreg s3  }
0xaf: {  	[dreg:$0x3] =	wrdreg s5  }
0xb0: {  	[dreg:$0x4] =	wrdreg $0xC0  }
0xb1: {  	_ =	task [dreg:s7], $0x5FFFF  }
0xb2: {  	[dreg:$0x1] =	wrdreg $0xFFFFFFFF  }
0xb3: {  	[dreg:$0x0] =	wrdreg $0x60  }
0xb4: {  	[dreg:$0x2] =	wrdreg s24  }
0xb5: {  	[dreg:$0x3] =	wrdreg s16  }
0xb6: {  	[dreg:$0x4] =	wrdreg $0x108000  }
0xb7: {  	[dreg:$0x5] =	wrdreg $0x9  }
0xb8: {  	_ =	task.clear_ibuf [dreg:s7], $0x6FFFF;
	_ =	strace $0x90000049  }
0xb9: {  	s29 =	simm.s32 $0x9;
	_ =	strace $0x8000004B  }
0xba: {  	_ =	swait.ge [sflag:s29], $0x1  }
0xbb: {  	[sflag:s29] =	ssyncadd.s32 $0xFFFFFFFF  }
0xbc: {  	_ =	strace $0x9000004B  }
0xbd: {  	_ =	sfence  }
0xbe: {  	s30 =	sld [smem:$0x0];
	_ =	sdelay $0x2  }
0xbf: {  	s31 =	sshll.u32 s1, $0xD;
	s1 =	sshrl.u32 s1, $0x2  }
0xc0: {  	s3 =	sand.u32 $0x4000, s31;
	s1 =	sadd.s32 s1, s30  }
0xc1: {  	s0 =	sor.u32 s3, s0;
	s1 =	sshll.u32 s1, $0x11  }
0xc2: {  	s0 =	sor.u32 s1, s0  }
0xc3: {  	s0 =	sadd.s32 $0x8F2B, s0  }
0xc4: {  	[sflag:s0] =	ssyncadd.remote.s32 $0x1  }
0xc5: {  	_ =	sfence.sel $0xFFFF  }
0xc6: {  	[dreg:$0x0] =	wrdreg $0xFFFFFFFF;
	(pc) =	sbr.abs _section_cstart, $3  }
0xc7: {  	[dreg:$0x1] =	wrdreg $0xFFFFFFFF  }
0xc8: {  	_ =	task.clear_ibuf [dreg:s7], $0x2FFFF;
	_ =	strace $0x9FFFFFFF  }
0xc9: {  	(tm) =	ssettm $0x7FFFFFFF  }
tec
execute0_lowered:
.L_overlay_start_1:
0x0: {  	(tag) =	ssettag $0x1  }
0x1: {  	s0 =	stileid.u32  }
0x2: {  	s1 =	srdreg.scid;
	s4 =	rddreg [dreg:$0x0]  }
0x3: {  	s5 =	rddreg [dreg:$0x1];
	s3 =	simm.s32 $0x0;
	s7 =	simm.s32 $0x1  }
0x4: {  	s1 =	sand.u32 $0x1, s1;
	s2 =	sshll.u32 s0, $0x1;
	[smem:$0x7FF] =	sst s3  }
0x5: {  	s8 =	sshll.u32 s0, $0xB;
	s9 =	sshll.u32 s0, $0x6;
	s6 =	sor.u32 s1, s2  }
0x6: {  	s2 =	rddreg [dreg:$0x2];
	p1 =	seq.s32 s1, $0x1;
	p0 =	seq.s32 s6, $0x0  }
0x7: {  	_ =	strace $0x8000004A;
	s8 =	sadd.s32 s8, s4;
	p0 =	por !p0, !p1  }
0x8: {  	s19 =	sshll.u32 s1, $0xF;
	s20 =	sor.u32 $0x1C09, s9;
	p0 =	por !p0, !p0  }
0x9: {  	s6 =	sshll.u32 s6, $0x8;
	s8 =	sadd.s32 $0x3400, s8;
	s7 =	simm.s32 @!p0 $0x0  }
0xa: {  	[dreg:$0x5] =	wrdreg s20;
	s4 =	sadd.s32 s6, s4;
	s7 =	ssub.s32 s0, s7  }
0xb: {  	[dreg:$0x4] =	wrdreg s8;
	s4 =	sadd.s32 $0x1400, s4;
	s18 =	sshll.u32 s7, $0x10  }
0xc: {  	[dreg:$0x6] =	wrdreg s4;
	s6 =	sor.u32 s19, s18  }
0xd: {  	s19 =	rddreg [dreg:$0x5];
	s22 =	sadd.s32 s5, s6  }
0xe: {  	s21 =	sand.u32 $0x1FFF8000, s6;
	[dreg:$0x7] =	wrdreg s22  }
0xf: {  	s5 =	sadd.s32 s21, s5;
	s21 =	rddreg [dreg:$0x4];
	s22 =	simm.s32 $0x100  }
0x10: {  	s23 =	sadd.s32 $0x800, s5;
	[dreg:$0x18] =	wrdreg s22  }
0x11: {  	s24 =	sadd.s32 $0x1000, s5;
	[dreg:$0x8] =	wrdreg s23  }
0x12: {  	s25 =	sadd.s32 $0x1800, s5;
	[dreg:$0x9] =	wrdreg s24  }
0x13: {  	s26 =	sadd.s32 $0x2000, s5;
	[dreg:$0xa] =	wrdreg s25  }
0x14: {  	s6 =	sadd.s32 $0x2800, s5;
	[dreg:$0xb] =	wrdreg s26  }
0x15: {  	s7 =	sadd.s32 $0x3000, s5;
	[dreg:$0xc] =	wrdreg s6  }
0x16: {  	s8 =	sadd.s32 $0x3800, s5;
	[dreg:$0xd] =	wrdreg s7  }
0x17: {  	s9 =	sadd.s32 $0x4000, s5;
	[dreg:$0xe] =	wrdreg s8  }
0x18: {  	s10 =	sadd.s32 $0x4800, s5;
	[dreg:$0xf] =	wrdreg s9  }
0x19: {  	s11 =	sadd.s32 $0x5000, s5;
	[dreg:$0x10] =	wrdreg s10  }
0x1a: {  	s12 =	sadd.s32 $0x5800, s5;
	[dreg:$0x11] =	wrdreg s11  }
0x1b: {  	s13 =	sadd.s32 $0x6000, s5;
	[dreg:$0x12] =	wrdreg s12  }
0x1c: {  	s15 =	sadd.s32 $0x6800, s5;
	[dreg:$0x13] =	wrdreg s13  }
0x1d: {  	s14 =	sshll.u32 s0, $0xE;
	s16 =	sadd.s32 $0x7000, s5;
	[dreg:$0x14] =	wrdreg s15  }
0x1e: {  	s20 =	sadd.s32 $0x7800, s5;
	s6 =	sadd.s32 s14, s2;
	[dreg:$0x15] =	wrdreg s16  }
0x1f: {  	[dreg:$0x16] =	wrdreg s20;
	s17 =	sshrl.u32 s6, $0x3  }
0x20: {  	[dreg:$0x17] =	wrdreg s17  }
0x21: {  	s4 =	simm.s32 $0x9;
	s18 =	rddreg [dreg:$0x17]  }
0x22: {  	[spmem:s18], [sflag:s19] =	dma.local [hbm:s21], $0x800  }
0x23: {  	_ =	swait.ge [sflag:s4], $0x800  }
0x24: {  	[sflag:s4] =	ssyncset.done $0x0  }
0x25: {  	s23 =	rddreg [dreg:$0x6];
	[sflag:s4] =	ssyncadd.s32 $0xFFFFF800  }
0x26: {  	[tilespmem:s3], [sflag:$0x9] =	stream.linear.gather [hbm4b:s23+s3], $0x800, $0x38;
	[tilespmem:$0x14800] =	vst v63  }
0x27: {  	_ =	swait.ge [sflag:s4], $0x800  }
0x28: {  	[sflag:s4] =	ssyncset.done $0x0  }
0x29: {  	[sflag:s4] =	ssyncadd.s32 $0xFFFFF800  }
0x2a: {  	s5 =	simm.s32 $0x80;
	s6 =	simm.s32 $0x800;
	[bflag:$0x0] =	sbarrier.arrive $0xFFFF  }
0x2b: {  	[tilespmem:s6], [sflag:$0x1] =	stream.indirect.gather [spmem:s2], $0x80, s3, s5, $0xb8;
	[tilespmem:$0x14800] =	vst v63  }
0x2c: {  	s7 =	simm.s32 $0x4800  }
0x2d: {  	[tilespmem:s7], [sflag:$0x2] =	stream.indirect.gather [spmem:s2], $0x80, s5, s5, $0xb8;
	[tilespmem:$0x14800] =	vst v63  }
0x2e: {  	s8 =	simm.s32 $0x1;
	s9 =	simm.s32 $0x8800;
	s10 =	rddreg [dreg:$0x18]  }
0x2f: {  	[tilespmem:s9], [sflag:$0x3] =	stream.indirect.gather [spmem:s2], $0x80, s10, s5, $0xb8;
	[tilespmem:$0x14800] =	vst v63  }
0x30: {  	_ =	swait.ge [sflag:s8], $0x4000  }
0x31: {  	[sflag:s8] =	ssyncset.done $0x0  }
0x32: {  	s24 =	rddreg [dreg:$0x7];
	[sflag:s8] =	ssyncadd.s32 $0xFFFFC000  }
0x33: {  	[hbm4b:s24+s3] =	stream.linear.scatter [tilespmem:s6], [sflag:$0x5], $0x4000, $0x38;
	[tilespmem:$0x14800] =	vst v63  }
0x34: {  	s25 =	simm.s32 $0x180;
	s11 =	simm.s32 $0xC800;
	s12 =	simm.s32 $0x2  }
0x35: {  	[tilespmem:s11], [sflag:$0x4] =	stream.indirect.gather [spmem:s2], $0x80, s25, s5, $0xb8;
	[tilespmem:$0x14800] =	vst v63  }
0x36: {  	_ =	swait.ge [sflag:s12], $0x4000  }
0x37: {  	[sflag:s12] =	ssyncset.done $0x0  }
0x38: {  	s13 =	simm.s32 $0x5;
	s14 =	rddreg [dreg:$0x8];
	[sflag:s12] =	ssyncadd.s32 $0xFFFFC000  }
0x39: {  	[hbm4b:s14+s3] =	stream.linear.scatter [tilespmem:s7], [sflag:$0x6], $0x4000, $0x38;
	[tilespmem:$0x14800] =	vst v63  }
0x3a: {  	_ =	swait.ge [sflag:s13], $0x4000  }
0x3b: {  	[sflag:s13] =	ssyncset.done $0x0  }
0x3c: {  	s26 =	simm.s32 $0x200;
	s15 =	simm.s32 $0x3;
	[sflag:s13] =	ssyncadd.s32 $0xFFFFC000  }
0x3d: {  	[tilespmem:s6], [sflag:$0x1] =	stream.indirect.gather [spmem:s2], $0x80, s26, s5, $0xb8;
	[tilespmem:$0x14800] =	vst v63  }
0x3e: {  	_ =	swait.ge [sflag:s15], $0x4000  }
0x3f: {  	[sflag:s15] =	ssyncset.done $0x0  }
0x40: {  	s16 =	simm.s32 $0x6;
	s17 =	rddreg [dreg:$0x9];
	[sflag:s15] =	ssyncadd.s32 $0xFFFFC000  }
0x41: {  	[hbm4b:s17+s3] =	stream.linear.scatter [tilespmem:s9], [sflag:$0x7], $0x4000, $0x38;
	[tilespmem:$0x14800] =	vst v63  }
0x42: {  	_ =	swait.ge [sflag:s16], $0x4000  }
0x43: {  	[sflag:s16] =	ssyncset.done $0x0  }
0x44: {  	s18 =	simm.s32 $0x4;
	s17 =	simm.s32 $0x280;
	[sflag:s16] =	ssyncadd.s32 $0xFFFFC000  }
0x45: {  	[tilespmem:s7], [sflag:$0x2] =	stream.indirect.gather [spmem:s2], $0x80, s17, s5, $0xb8;
	[tilespmem:$0x14800] =	vst v63  }
0x46: {  	_ =	swait.ge [sflag:s18], $0x4000  }
0x47: {  	[sflag:s18] =	ssyncset.done $0x0  }
0x48: {  	s19 =	simm.s32 $0x7;
	s20 =	rddreg [dreg:$0xa];
	[sflag:s18] =	ssyncadd.s32 $0xFFFFC000  }
0x49: {  	[hbm4b:s20+s3] =	stream.linear.scatter [tilespmem:s11], [sflag:$0x8], $0x4000, $0x38;
	[tilespmem:$0x14800] =	vst v63  }
0x4a: {  	_ =	swait.ge [sflag:s19], $0x4000  }
0x4b: {  	[sflag:s19] =	ssyncset.done $0x0  }
0x4c: {  	s20 =	simm.s32 $0x300;
	[sflag:s19] =	ssyncadd.s32 $0xFFFFC000  }
0x4d: {  	[tilespmem:s9], [sflag:$0x3] =	stream.indirect.gather [spmem:s2], $0x80, s20, s5, $0xb8;
	[tilespmem:$0x14800] =	vst v63  }
0x4e: {  	_ =	swait.ge [sflag:s8], $0x4000  }
0x4f: {  	[sflag:s8] =	ssyncset.done $0x0  }
0x50: {  	s21 =	simm.s32 $0x8;
	s22 =	rddreg [dreg:$0xb];
	[sflag:s8] =	ssyncadd.s32 $0xFFFFC000  }
0x51: {  	[hbm4b:s22+s3] =	stream.linear.scatter [tilespmem:s6], [sflag:$0x5], $0x4000, $0x38;
	[tilespmem:$0x14800] =	vst v63  }
0x52: {  	_ =	swait.ge [sflag:s21], $0x4000  }
0x53: {  	[sflag:s21] =	ssyncset.done $0x0  }
0x54: {  	s22 =	simm.s32 $0x380;
	[sflag:s21] =	ssyncadd.s32 $0xFFFFC000  }
0x55: {  	[tilespmem:s11], [sflag:$0x4] =	stream.indirect.gather [spmem:s2], $0x80, s22, s5, $0xb8;
	[tilespmem:$0x14800] =	vst v63  }
0x56: {  	_ =	swait.ge [sflag:s12], $0x4000  }
0x57: {  	[sflag:s12] =	ssyncset.done $0x0  }
0x58: {  	s23 =	rddreg [dreg:$0xc];
	[sflag:s12] =	ssyncadd.s32 $0xFFFFC000  }
0x59: {  	[hbm4b:s23+s3] =	stream.linear.scatter [tilespmem:s7], [sflag:$0x6], $0x4000, $0x38;
	[tilespmem:$0x14800] =	vst v63  }
0x5a: {  	_ =	swait.ge [sflag:s13], $0x4000  }
0x5b: {  	[sflag:s13] =	ssyncset.done $0x0  }
0x5c: {  	s23 =	simm.s32 $0x400;
	[sflag:s13] =	ssyncadd.s32 $0xFFFFC000  }
0x5d: {  	[tilespmem:s6], [sflag:$0x1] =	stream.indirect.gather [spmem:s2], $0x80, s23, s5, $0xb8;
	[tilespmem:$0x14800] =	vst v63  }
0x5e: {  	_ =	swait.ge [sflag:s15], $0x4000  }
0x5f: {  	[sflag:s15] =	ssyncset.done $0x0  }
0x60: {  	s24 =	rddreg [dreg:$0xd];
	[sflag:s15] =	ssyncadd.s32 $0xFFFFC000  }
0x61: {  	[hbm4b:s24+s3] =	stream.linear.scatter [tilespmem:s9], [sflag:$0x7], $0x4000, $0x38;
	[tilespmem:$0x14800] =	vst v63  }
0x62: {  	_ =	swait.ge [sflag:s16], $0x4000  }
0x63: {  	[sflag:s16] =	ssyncset.done $0x0  }
0x64: {  	s24 =	simm.s32 $0x480;
	[sflag:s16] =	ssyncadd.s32 $0xFFFFC000  }
0x65: {  	[tilespmem:s7], [sflag:$0x2] =	stream.indirect.gather [spmem:s2], $0x80, s24, s5, $0xb8;
	[tilespmem:$0x14800] =	vst v63  }
0x66: {  	_ =	swait.ge [sflag:s18], $0x4000  }
0x67: {  	[sflag:s18] =	ssyncset.done $0x0  }
0x68: {  	s25 =	rddreg [dreg:$0xe];
	[sflag:s18] =	ssyncadd.s32 $0xFFFFC000  }
0x69: {  	[hbm4b:s25+s3] =	stream.linear.scatter [tilespmem:s11], [sflag:$0x8], $0x4000, $0x38;
	[tilespmem:$0x14800] =	vst v63  }
0x6a: {  	_ =	swait.ge [sflag:s19], $0x4000  }
0x6b: {  	[sflag:s19] =	ssyncset.done $0x0  }
0x6c: {  	s25 =	simm.s32 $0x500;
	[sflag:s19] =	ssyncadd.s32 $0xFFFFC000  }
0x6d: {  	[tilespmem:s9], [sflag:$0x3] =	stream.indirect.gather [spmem:s2], $0x80, s25, s5, $0xb8;
	[tilespmem:$0x14800] =	vst v63  }
0x6e: {  	_ =	swait.ge [sflag:s8], $0x4000  }
0x6f: {  	[sflag:s8] =	ssyncset.done $0x0  }
0x70: {  	s26 =	rddreg [dreg:$0xf];
	[sflag:s8] =	ssyncadd.s32 $0xFFFFC000  }
0x71: {  	[hbm4b:s26+s3] =	stream.linear.scatter [tilespmem:s6], [sflag:$0x5], $0x4000, $0x38;
	[tilespmem:$0x14800] =	vst v63  }
0x72: {  	_ =	swait.ge [sflag:s21], $0x4000  }
0x73: {  	[sflag:s21] =	ssyncset.done $0x0  }
0x74: {  	s26 =	simm.s32 $0x580;
	[sflag:s21] =	ssyncadd.s32 $0xFFFFC000  }
0x75: {  	[tilespmem:s11], [sflag:$0x4] =	stream.indirect.gather [spmem:s2], $0x80, s26, s5, $0xb8;
	[tilespmem:$0x14800] =	vst v63  }
0x76: {  	_ =	swait.ge [sflag:s12], $0x4000  }
0x77: {  	[sflag:s12] =	ssyncset.done $0x0  }
0x78: {  	s28 =	rddreg [dreg:$0x10];
	[sflag:s12] =	ssyncadd.s32 $0xFFFFC000  }
0x79: {  	[hbm4b:s28+s3] =	stream.linear.scatter [tilespmem:s7], [sflag:$0x6], $0x4000, $0x38;
	[tilespmem:$0x14800] =	vst v63  }
0x7a: {  	_ =	swait.ge [sflag:s13], $0x4000  }
0x7b: {  	[sflag:s13] =	ssyncset.done $0x0  }
0x7c: {  	s28 =	simm.s32 $0x600;
	[sflag:s13] =	ssyncadd.s32 $0xFFFFC000  }
0x7d: {  	[tilespmem:s6], [sflag:$0x1] =	stream.indirect.gather [spmem:s2], $0x80, s28, s5, $0xb8;
	[tilespmem:$0x14800] =	vst v63  }
0x7e: {  	_ =	swait.ge [sflag:s15], $0x4000  }
0x7f: {  	[sflag:s15] =	ssyncset.done $0x0  }
0x80: {  	s29 =	rddreg [dreg:$0x11];
	[sflag:s15] =	ssyncadd.s32 $0xFFFFC000  }
0x81: {  	[hbm4b:s29+s3] =	stream.linear.scatter [tilespmem:s9], [sflag:$0x7], $0x4000, $0x38;
	[tilespmem:$0x14800] =	vst v63  }
0x82: {  	_ =	swait.ge [sflag:s16], $0x4000  }
0x83: {  	[sflag:s16] =	ssyncset.done $0x0  }
0x84: {  	s29 =	simm.s32 $0x680;
	[sflag:s16] =	ssyncadd.s32 $0xFFFFC000  }
0x85: {  	[tilespmem:s7], [sflag:$0x2] =	stream.indirect.gather [spmem:s2], $0x80, s29, s5, $0xb8;
	[tilespmem:$0x14800] =	vst v63  }
0x86: {  	_ =	swait.ge [sflag:s18], $0x4000  }
0x87: {  	[sflag:s18] =	ssyncset.done $0x0  }
0x88: {  	s30 =	rddreg [dreg:$0x12];
	[sflag:s18] =	ssyncadd.s32 $0xFFFFC000  }
0x89: {  	[hbm4b:s30+s3] =	stream.linear.scatter [tilespmem:s11], [sflag:$0x8], $0x4000, $0x38;
	[tilespmem:$0x14800] =	vst v63  }
0x8a: {  	_ =	swait.ge [sflag:s19], $0x4000  }
0x8b: {  	[sflag:s19] =	ssyncset.done $0x0  }
0x8c: {  	s30 =	simm.s32 $0x700;
	[sflag:s19] =	ssyncadd.s32 $0xFFFFC000  }
0x8d: {  	[tilespmem:s9], [sflag:$0x3] =	stream.indirect.gather [spmem:s2], $0x80, s30, s5, $0xb8;
	[tilespmem:$0x14800] =	vst v63  }
0x8e: {  	_ =	swait.ge [sflag:s8], $0x4000  }
0x8f: {  	[sflag:s8] =	ssyncset.done $0x0  }
0x90: {  	s31 =	rddreg [dreg:$0x13];
	[sflag:s8] =	ssyncadd.s32 $0xFFFFC000  }
0x91: {  	[hbm4b:s31+s3] =	stream.linear.scatter [tilespmem:s6], [sflag:$0x5], $0x4000, $0x38;
	[tilespmem:$0x14800] =	vst v63  }
0x92: {  	_ =	swait.ge [sflag:s21], $0x4000  }
0x93: {  	[sflag:s21] =	ssyncset.done $0x0  }
0x94: {  	s31 =	simm.s32 $0x780;
	[sflag:s21] =	ssyncadd.s32 $0xFFFFC000  }
0x95: {  	[tilespmem:s11], [sflag:$0x4] =	stream.indirect.gather [spmem:s2], $0x80, s31, s5, $0xb8;
	[tilespmem:$0x14800] =	vst v63  }
0x96: {  	_ =	swait.ge [sflag:s12], $0x4000  }
0x97: {  	[sflag:s12] =	ssyncset.done $0x0  }
0x98: {  	s10 =	rddreg [dreg:$0x14];
	[sflag:s12] =	ssyncadd.s32 $0xFFFFC000  }
0x99: {  	[hbm4b:s10+s3] =	stream.linear.scatter [tilespmem:s7], [sflag:$0x6], $0x4000, $0x38;
	[tilespmem:$0x14800] =	vst v63  }
0x9a: {  	_ =	swait.ge [sflag:s13], $0x4000  }
0x9b: {  	[sflag:s13] =	ssyncset.done $0x0  }
0x9c: {  	[sflag:s13] =	ssyncadd.s32 $0xFFFFC000  }
0x9d: {  	_ =	swait.ge [sflag:s15], $0x4000  }
0x9e: {  	[sflag:s15] =	ssyncset.done $0x0  }
0x9f: {  	s14 =	rddreg [dreg:$0x15];
	[sflag:s15] =	ssyncadd.s32 $0xFFFFC000  }
0xa0: {  	[hbm4b:s14+s3] =	stream.linear.scatter [tilespmem:s9], [sflag:$0x7], $0x4000, $0x38;
	[tilespmem:$0x14800] =	vst v63  }
0xa1: {  	_ =	swait.ge [sflag:s16], $0x4000  }
0xa2: {  	s14 =	ssub.s32 $0x2, s1;
	[sflag:s16] =	ssyncset.done $0x0  }
0xa3: {  	s1 =	sshrl.u32 s14, $0x1;
	[sflag:s16] =	ssyncadd.s32 $0xFFFFC000  }
0xa4: {  	s0 =	ssub.s32 s14, s1;
	_ =	swait.ge [sflag:s18], $0x4000  }
0xa5: {  	s0 =	smax.u32 s0, $0x1;
	[sflag:s18] =	ssyncset.done $0x0  }
0xa6: {  	p0 =	sne.s32 s0, $0x1;
	s10 =	rddreg [dreg:$0x16];
	[sflag:s18] =	ssyncadd.s32 $0xFFFFC000  }
0xa7: {  	[hbm4b:s10+s3] =	stream.linear.scatter [tilespmem:s11], [sflag:$0x8], $0x4000, $0x38;
	[tilespmem:$0x14800] =	vst v63  }
.Ltmp0:
0xa8: {  	_ = 	snop;
	(pc) =	sbr.rel @!p0 .LBB2_2-.Ltmp0, $4  }
0xa9: {  	_ =	swait.ge [sflag:s19], $0x4000  }
0xaa: {  	[sflag:s19] =	ssyncset.done $0x0  }
0xab: {  	[sflag:s19] =	ssyncadd.s32 $0xFFFFC000  }
0xac: {  	s1 =	sadd.s32 $0xFFFFFFFF, s0;
	_ =	swait.ge [sflag:s21], $0x4000  }
.LBB2_1:
0xad: {  	s0 =	rddreg [dreg:$0x17]  }
0xae: {  	[sflag:s21] =	ssyncset.done $0x0;
	s10 =	rddreg [dreg:$0x5]  }
0xaf: {  	s14 =	rddreg [dreg:$0x4];
	[sflag:s21] =	ssyncadd.s32 $0xFFFFC000  }
0xb0: {  	[spmem:s0], [sflag:s10] =	dma.local [hbm:s14], $0x800  }
0xb1: {  	_ =	swait.ge [sflag:s4], $0x800  }
0xb2: {  	[sflag:s4] =	ssyncset.done $0x0  }
0xb3: {  	s10 =	rddreg [dreg:$0x6];
	[sflag:s4] =	ssyncadd.s32 $0xFFFFF800  }
0xb4: {  	[tilespmem:s3], [sflag:$0x9] =	stream.linear.gather [hbm4b:s10+s3], $0x800, $0x38;
	[tilespmem:$0x14800] =	vst v63  }
0xb5: {  	_ =	swait.ge [sflag:s4], $0x800  }
0xb6: {  	[sflag:s4] =	ssyncset.done $0x0  }
0xb7: {  	[sflag:s4] =	ssyncadd.s32 $0xFFFFF800  }
0xb8: {  	[bflag:$0x0] =	sbarrier.arrive $0xFFFF  }
0xb9: {  	[tilespmem:s6], [sflag:$0x1] =	stream.indirect.gather [spmem:s2], $0x80, s3, s5, $0xb8;
	[tilespmem:$0x14800] =	vst v63  }
0xba: {  	_ = 	snop  }
0xbb: {  	[tilespmem:s7], [sflag:$0x2] =	stream.indirect.gather [spmem:s2], $0x80, s5, s5, $0xb8;
	[tilespmem:$0x14800] =	vst v63  }
0xbc: {  	s14 =	rddreg [dreg:$0x18]  }
0xbd: {  	[tilespmem:s9], [sflag:$0x3] =	stream.indirect.gather [spmem:s2], $0x80, s14, s5, $0xb8;
	[tilespmem:$0x14800] =	vst v63  }
0xbe: {  	_ =	swait.ge [sflag:s8], $0x4000  }
0xbf: {  	[sflag:s8] =	ssyncset.done $0x0  }
0xc0: {  	s10 =	rddreg [dreg:$0x7];
	[sflag:s8] =	ssyncadd.s32 $0xFFFFC000  }
0xc1: {  	[hbm4b:s10+s3] =	stream.linear.scatter [tilespmem:s6], [sflag:$0x5], $0x4000, $0x38;
	[tilespmem:$0x14800] =	vst v63  }
0xc2: {  	s14 =	simm.s32 $0x180  }
0xc3: {  	[tilespmem:s11], [sflag:$0x4] =	stream.indirect.gather [spmem:s2], $0x80, s14, s5, $0xb8;
	[tilespmem:$0x14800] =	vst v63  }
0xc4: {  	_ =	swait.ge [sflag:s12], $0x4000  }
0xc5: {  	[sflag:s12] =	ssyncset.done $0x0  }
0xc6: {  	s10 =	rddreg [dreg:$0x8];
	[sflag:s12] =	ssyncadd.s32 $0xFFFFC000  }
0xc7: {  	[hbm4b:s10+s3] =	stream.linear.scatter [tilespmem:s7], [sflag:$0x6], $0x4000, $0x38;
	[tilespmem:$0x14800] =	vst v63  }
0xc8: {  	_ =	swait.ge [sflag:s13], $0x4000  }
0xc9: {  	[sflag:s13] =	ssyncset.done $0x0  }
0xca: {  	s14 =	simm.s32 $0x200;
	[sflag:s13] =	ssyncadd.s32 $0xFFFFC000  }
0xcb: {  	[tilespmem:s6], [sflag:$0x1] =	stream.indirect.gather [spmem:s2], $0x80, s14, s5, $0xb8;
	[tilespmem:$0x14800] =	vst v63  }
0xcc: {  	_ =	swait.ge [sflag:s15], $0x4000  }
0xcd: {  	[sflag:s15] =	ssyncset.done $0x0  }
0xce: {  	s10 =	rddreg [dreg:$0x9];
	[sflag:s15] =	ssyncadd.s32 $0xFFFFC000  }
0xcf: {  	[hbm4b:s10+s3] =	stream.linear.scatter [tilespmem:s9], [sflag:$0x7], $0x4000, $0x38;
	[tilespmem:$0x14800] =	vst v63  }
0xd0: {  	_ =	swait.ge [sflag:s16], $0x4000  }
0xd1: {  	[sflag:s16] =	ssyncset.done $0x0  }
0xd2: {  	[sflag:s16] =	ssyncadd.s32 $0xFFFFC000  }
0xd3: {  	[tilespmem:s7], [sflag:$0x2] =	stream.indirect.gather [spmem:s2], $0x80, s17, s5, $0xb8;
	[tilespmem:$0x14800] =	vst v63  }
0xd4: {  	_ =	swait.ge [sflag:s18], $0x4000  }
0xd5: {  	[sflag:s18] =	ssyncset.done $0x0  }
0xd6: {  	s14 =	rddreg [dreg:$0xa];
	[sflag:s18] =	ssyncadd.s32 $0xFFFFC000  }
0xd7: {  	[hbm4b:s14+s3] =	stream.linear.scatter [tilespmem:s11], [sflag:$0x8], $0x4000, $0x38;
	[tilespmem:$0x14800] =	vst v63  }
0xd8: {  	_ =	swait.ge [sflag:s19], $0x4000  }
0xd9: {  	[sflag:s19] =	ssyncset.done $0x0  }
0xda: {  	[sflag:s19] =	ssyncadd.s32 $0xFFFFC000  }
0xdb: {  	[tilespmem:s9], [sflag:$0x3] =	stream.indirect.gather [spmem:s2], $0x80, s20, s5, $0xb8;
	[tilespmem:$0x14800] =	vst v63  }
0xdc: {  	_ =	swait.ge [sflag:s8], $0x4000  }
0xdd: {  	[sflag:s8] =	ssyncset.done $0x0  }
0xde: {  	s10 =	rddreg [dreg:$0xb];
	[sflag:s8] =	ssyncadd.s32 $0xFFFFC000  }
0xdf: {  	[hbm4b:s10+s3] =	stream.linear.scatter [tilespmem:s6], [sflag:$0x5], $0x4000, $0x38;
	[tilespmem:$0x14800] =	vst v63  }
0xe0: {  	_ =	swait.ge [sflag:s21], $0x4000  }
0xe1: {  	[sflag:s21] =	ssyncset.done $0x0  }
0xe2: {  	[sflag:s21] =	ssyncadd.s32 $0xFFFFC000  }
0xe3: {  	[tilespmem:s11], [sflag:$0x4] =	stream.indirect.gather [spmem:s2], $0x80, s22, s5, $0xb8;
	[tilespmem:$0x14800] =	vst v63  }
0xe4: {  	_ =	swait.ge [sflag:s12], $0x4000  }
0xe5: {  	[sflag:s12] =	ssyncset.done $0x0  }
0xe6: {  	s14 =	rddreg [dreg:$0xc];
	[sflag:s12] =	ssyncadd.s32 $0xFFFFC000  }
0xe7: {  	[hbm4b:s14+s3] =	stream.linear.scatter [tilespmem:s7], [sflag:$0x6], $0x4000, $0x38;
	[tilespmem:$0x14800] =	vst v63  }
0xe8: {  	_ =	swait.ge [sflag:s13], $0x4000  }
0xe9: {  	[sflag:s13] =	ssyncset.done $0x0  }
0xea: {  	[sflag:s13] =	ssyncadd.s32 $0xFFFFC000  }
0xeb: {  	[tilespmem:s6], [sflag:$0x1] =	stream.indirect.gather [spmem:s2], $0x80, s23, s5, $0xb8;
	[tilespmem:$0x14800] =	vst v63  }
0xec: {  	_ =	swait.ge [sflag:s15], $0x4000  }
0xed: {  	[sflag:s15] =	ssyncset.done $0x0  }
0xee: {  	s10 =	rddreg [dreg:$0xd];
	[sflag:s15] =	ssyncadd.s32 $0xFFFFC000  }
0xef: {  	[hbm4b:s10+s3] =	stream.linear.scatter [tilespmem:s9], [sflag:$0x7], $0x4000, $0x38;
	[tilespmem:$0x14800] =	vst v63  }
0xf0: {  	_ =	swait.ge [sflag:s16], $0x4000  }
0xf1: {  	[sflag:s16] =	ssyncset.done $0x0  }
0xf2: {  	[sflag:s16] =	ssyncadd.s32 $0xFFFFC000  }
0xf3: {  	[tilespmem:s7], [sflag:$0x2] =	stream.indirect.gather [spmem:s2], $0x80, s24, s5, $0xb8;
	[tilespmem:$0x14800] =	vst v63  }
0xf4: {  	_ =	swait.ge [sflag:s18], $0x4000  }
0xf5: {  	[sflag:s18] =	ssyncset.done $0x0  }
0xf6: {  	s14 =	rddreg [dreg:$0xe];
	[sflag:s18] =	ssyncadd.s32 $0xFFFFC000  }
0xf7: {  	[hbm4b:s14+s3] =	stream.linear.scatter [tilespmem:s11], [sflag:$0x8], $0x4000, $0x38;
	[tilespmem:$0x14800] =	vst v63  }
0xf8: {  	_ =	swait.ge [sflag:s19], $0x4000  }
0xf9: {  	[sflag:s19] =	ssyncset.done $0x0  }
0xfa: {  	[sflag:s19] =	ssyncadd.s32 $0xFFFFC000  }
0xfb: {  	[tilespmem:s9], [sflag:$0x3] =	stream.indirect.gather [spmem:s2], $0x80, s25, s5, $0xb8;
	[tilespmem:$0x14800] =	vst v63  }
0xfc: {  	_ =	swait.ge [sflag:s8], $0x4000  }
0xfd: {  	[sflag:s8] =	ssyncset.done $0x0  }
0xfe: {  	s10 =	rddreg [dreg:$0xf];
	[sflag:s8] =	ssyncadd.s32 $0xFFFFC000  }
0xff: {  	[hbm4b:s10+s3] =	stream.linear.scatter [tilespmem:s6], [sflag:$0x5], $0x4000, $0x38;
	[tilespmem:$0x14800] =	vst v63  }
0x100: {  	_ =	swait.ge [sflag:s21], $0x4000  }
0x101: {  	[sflag:s21] =	ssyncset.done $0x0  }
0x102: {  	[sflag:s21] =	ssyncadd.s32 $0xFFFFC000  }
0x103: {  	[tilespmem:s11], [sflag:$0x4] =	stream.indirect.gather [spmem:s2], $0x80, s26, s5, $0xb8;
	[tilespmem:$0x14800] =	vst v63  }
0x104: {  	_ =	swait.ge [sflag:s12], $0x4000  }
0x105: {  	[sflag:s12] =	ssyncset.done $0x0  }
0x106: {  	s14 =	rddreg [dreg:$0x10];
	[sflag:s12] =	ssyncadd.s32 $0xFFFFC000  }
0x107: {  	[hbm4b:s14+s3] =	stream.linear.scatter [tilespmem:s7], [sflag:$0x6], $0x4000, $0x38;
	[tilespmem:$0x14800] =	vst v63  }
0x108: {  	_ =	swait.ge [sflag:s13], $0x4000  }
0x109: {  	[sflag:s13] =	ssyncset.done $0x0  }
0x10a: {  	[sflag:s13] =	ssyncadd.s32 $0xFFFFC000  }
0x10b: {  	[tilespmem:s6], [sflag:$0x1] =	stream.indirect.gather [spmem:s2], $0x80, s28, s5, $0xb8;
	[tilespmem:$0x14800] =	vst v63  }
0x10c: {  	_ =	swait.ge [sflag:s15], $0x4000  }
0x10d: {  	[sflag:s15] =	ssyncset.done $0x0  }
0x10e: {  	s10 =	rddreg [dreg:$0x11];
	[sflag:s15] =	ssyncadd.s32 $0xFFFFC000  }
0x10f: {  	[hbm4b:s10+s3] =	stream.linear.scatter [tilespmem:s9], [sflag:$0x7], $0x4000, $0x38;
	[tilespmem:$0x14800] =	vst v63  }
0x110: {  	_ =	swait.ge [sflag:s16], $0x4000  }
0x111: {  	[sflag:s16] =	ssyncset.done $0x0  }
0x112: {  	[sflag:s16] =	ssyncadd.s32 $0xFFFFC000  }
0x113: {  	[tilespmem:s7], [sflag:$0x2] =	stream.indirect.gather [spmem:s2], $0x80, s29, s5, $0xb8;
	[tilespmem:$0x14800] =	vst v63  }
0x114: {  	_ =	swait.ge [sflag:s18], $0x4000  }
0x115: {  	[sflag:s18] =	ssyncset.done $0x0  }
0x116: {  	s14 =	rddreg [dreg:$0x12];
	[sflag:s18] =	ssyncadd.s32 $0xFFFFC000  }
0x117: {  	[hbm4b:s14+s3] =	stream.linear.scatter [tilespmem:s11], [sflag:$0x8], $0x4000, $0x38;
	[tilespmem:$0x14800] =	vst v63  }
0x118: {  	_ =	swait.ge [sflag:s19], $0x4000  }
0x119: {  	[sflag:s19] =	ssyncset.done $0x0  }
0x11a: {  	[sflag:s19] =	ssyncadd.s32 $0xFFFFC000  }
0x11b: {  	[tilespmem:s9], [sflag:$0x3] =	stream.indirect.gather [spmem:s2], $0x80, s30, s5, $0xb8;
	[tilespmem:$0x14800] =	vst v63  }
0x11c: {  	_ =	swait.ge [sflag:s8], $0x4000  }
0x11d: {  	[sflag:s8] =	ssyncset.done $0x0  }
0x11e: {  	s10 =	rddreg [dreg:$0x13];
	[sflag:s8] =	ssyncadd.s32 $0xFFFFC000  }
0x11f: {  	[hbm4b:s10+s3] =	stream.linear.scatter [tilespmem:s6], [sflag:$0x5], $0x4000, $0x38;
	[tilespmem:$0x14800] =	vst v63  }
0x120: {  	_ =	swait.ge [sflag:s21], $0x4000  }
0x121: {  	[sflag:s21] =	ssyncset.done $0x0  }
0x122: {  	[sflag:s21] =	ssyncadd.s32 $0xFFFFC000  }
0x123: {  	[tilespmem:s11], [sflag:$0x4] =	stream.indirect.gather [spmem:s2], $0x80, s31, s5, $0xb8;
	[tilespmem:$0x14800] =	vst v63  }
0x124: {  	_ =	swait.ge [sflag:s12], $0x4000  }
0x125: {  	[sflag:s12] =	ssyncset.done $0x0  }
0x126: {  	s14 =	rddreg [dreg:$0x14];
	[sflag:s12] =	ssyncadd.s32 $0xFFFFC000  }
0x127: {  	[hbm4b:s14+s3] =	stream.linear.scatter [tilespmem:s7], [sflag:$0x6], $0x4000, $0x38;
	[tilespmem:$0x14800] =	vst v63  }
0x128: {  	_ =	swait.ge [sflag:s13], $0x4000  }
0x129: {  	[sflag:s13] =	ssyncset.done $0x0  }
0x12a: {  	[sflag:s13] =	ssyncadd.s32 $0xFFFFC000  }
0x12b: {  	_ =	swait.ge [sflag:s15], $0x4000  }
0x12c: {  	[sflag:s15] =	ssyncset.done $0x0  }
0x12d: {  	s10 =	rddreg [dreg:$0x15];
	[sflag:s15] =	ssyncadd.s32 $0xFFFFC000  }
0x12e: {  	[hbm4b:s10+s3] =	stream.linear.scatter [tilespmem:s9], [sflag:$0x7], $0x4000, $0x38;
	[tilespmem:$0x14800] =	vst v63  }
0x12f: {  	_ =	swait.ge [sflag:s16], $0x4000  }
0x130: {  	[sflag:s16] =	ssyncset.done $0x0  }
0x131: {  	[sflag:s16] =	ssyncadd.s32 $0xFFFFC000  }
0x132: {  	_ =	swait.ge [sflag:s18], $0x4000  }
0x133: {  	[sflag:s18] =	ssyncset.done $0x0  }
0x134: {  	p0 =	sne.s32 s1, $0x1;
	s14 =	rddreg [dreg:$0x16];
	[sflag:s18] =	ssyncadd.s32 $0xFFFFC000  }
0x135: {  	[hbm4b:s14+s3] =	stream.linear.scatter [tilespmem:s11], [sflag:$0x8], $0x4000, $0x38;
	[tilespmem:$0x14800] =	vst v63  }
.Ltmp1:
0x136: {  	_ = 	snop;
	(pc) =	sbr.rel @p0 .LBB2_1-.Ltmp1, $4  }
0x137: {  	_ =	swait.ge [sflag:s19], $0x4000  }
0x138: {  	[sflag:s19] =	ssyncset.done $0x0  }
0x139: {  	[sflag:s19] =	ssyncadd.s32 $0xFFFFC000  }
0x13a: {  	s1 =	sadd.s32 $0xFFFFFFFF, s1;
	_ =	swait.ge [sflag:s21], $0x4000  }
.LBB2_2:
0x13b: {  	[sflag:s21] =	ssyncset.done $0x0  }
0x13c: {  	[sflag:s21] =	ssyncadd.s32 $0xFFFFC000  }
0x13d: {  	_ =	sfence.sel $0x180000  }
0x13e: {  	[bflag:$0x0] =	sbarrier.arrive $0xFFFF  }
0x13f: {  	_ =	strace $0x9000004A  }
0x140: {  	s0 =	stileid.u32;
	[bflag:$0x2] =	sbarrier.arrive $0xFFFF  }
0x141: {  	p0 =	sne.s32 s0, $0x0;
	s0 =	rddreg [dreg:$0x3]  }
0x142: {  	s0 =	sadd.s32 @!p0 $0x100000, s0  }
0x143: {  	[sflag:s0] =	ssyncadd.tile.s32 @!p0 $0x1;
	_ =	shalt  }
.Lfunc_end2:
_tile_overlayer_lowered:
.L_overlay_start_2:
0x144: {  	(tag) =	ssettag $0x2  }
0x145: {  	s0 =	rddreg [dreg:$0x0];
	s2 =	stileid.u32  }
0x146: {  	s1 =	rddreg [dreg:$0x1];
	p0 =	sne.s32 s2, $0x0  }
0x147: {  	s3 =	rddreg [dreg:$0x2];
	[bflag:$0x3] =	sbarrier.arrive $0xFFFF;
	s2 =	simm.s32 @!p0 $0x1C09  }
0x148: {  	[timem:s3], [sflag:s2] =	dma.local @!p0 [hbm:s0], s1  }
0x149: {  	s0 =	simm.s32 @!p0 $0x9  }
0x14a: {  	_ =	swait.ge @!p0 [sflag:s0], s1  }
0x14b: {  	s1 =	ssub.s32 @!p0 $0x0, s1;
	[sflag:s0] =	ssyncset.done @!p0 $0x0  }
0x14c: {  	[sflag:s0] =	ssyncadd.s32 @!p0 s1  }
0x14d: {  	[bflag:$0x3] =	sbarrier.arrive $0xFFFF  }
0x14e: {  	_ =	shalt  }

</sc_bundles>
